<compile_context>
chip_gen: v7x
topology: tpu7x:2x2x1
jax: 0.10.2.dev20260603
libtpu: 0.0.44.dev20260713+nightly
codegen_flags: <defaults>
</compile_context>

<pallas_src>
import functools

import jax
import jax.numpy as jnp
from jax import lax
from jax.experimental import pallas as pl
from jax.experimental.pallas import tpu as pltpu
from jax.experimental.pallas import tpu_sc as plsc

_REGION = (21, 6, 7, 8, 9, 10, 13, 14, 15, 16, 19, 20,
           22, 25, 26, 27, 28, 31, 32, 33, 34, 35)
_C_USED = 40
_C_OUT = 22
_L = 16
_IN_SPLIT = ((0, 8), (8, 8), (16, 8), (24, 8), (32, 8))
_OUT_SPLIT = ((0, 8), (8, 8), (16, 6))


def kernel(x):
    B, _, C_in, W = x.shape
    x3 = x.reshape(B, C_in, W)

    info = plsc.get_sparse_core_info()
    nc, ns = info.num_cores, info.num_subcores
    nw = nc * ns
    bpw = B // nw
    ng = bpw // 2
    nfull = W // _L
    tail = W - _L

    mesh = plsc.VectorSubcoreMesh(core_axis_name="c", subcore_axis_name="s")

    @functools.partial(
        pl.kernel,
        out_type=jax.ShapeDtypeStruct((B, _C_OUT, W), x.dtype),
        mesh=mesh,
        scratch_types=[
            pltpu.VMEM((2, _C_USED, W), jnp.float32),
            pltpu.VMEM((2, _C_OUT, W), jnp.float32),
            [[pltpu.SemaphoreType.DMA] * len(_IN_SPLIT)] * 2,
            [[pltpu.SemaphoreType.DMA] * len(_OUT_SPLIT)] * 2,
        ],
    )
    def gather_region(x_hbm, out_hbm, in_buf, out_buf, in_sems, out_sems):
        wid = lax.axis_index("s") * nc + lax.axis_index("c")
        b0 = wid * bpw

        def in_descs(b, slot):
            return [
                pltpu.make_async_copy(
                    x_hbm.at[b, pl.ds(lo, n), :],
                    in_buf.at[slot, pl.ds(lo, n), :],
                    in_sems[slot][p])
                for p, (lo, n) in enumerate(_IN_SPLIT)
            ]

        def out_descs(b, slot):
            return [
                pltpu.make_async_copy(
                    out_buf.at[slot, pl.ds(lo, n), :],
                    out_hbm.at[b, pl.ds(lo, n), :],
                    out_sems[slot][p])
                for p, (lo, n) in enumerate(_OUT_SPLIT)
            ]

        def permute(slot):
            def chunk(k, carry):
                off = k * _L
                for j, r in enumerate(_REGION):
                    out_buf[slot, j, pl.ds(off, _L)] = (
                        in_buf[slot, r, pl.ds(off, _L)])
                return carry
            lax.fori_loop(0, nfull, chunk, 0)
            for j, r in enumerate(_REGION):
                out_buf[slot, j, pl.ds(tail, _L)] = (
                    in_buf[slot, r, pl.ds(tail, _L)])

        for d in in_descs(b0, 0):
            d.start()
        for d in in_descs(b0 + 1, 1):
            d.start()

        def group(g, carry):
            for slot in (0, 1):
                b = b0 + 2 * g + slot
                for d in in_descs(b, slot):
                    d.wait()

                @pl.when(g > 0)
                def _():
                    for d in out_descs(b - 2, slot):
                        d.wait()

                permute(slot)

                @pl.when(g < ng - 1)
                def _():
                    for d in in_descs(b + 2, slot):
                        d.start()

                for d in out_descs(b, slot):
                    d.start()
            return carry

        lax.fori_loop(0, ng, group, 0)
        for d in out_descs(b0 + bpw - 2, 0):
            d.wait()
        for d in out_descs(b0 + bpw - 1, 1):
            d.wait()

    out = gather_region(x3)
    return out.reshape(B, 1, _C_OUT, W)

# --- scband reference (transcript-rebuilt; emitter-appended) ---
"""Pipeline reference for scband-select-local-region-hgd-6382321402246 (READ-ONLY COPY).

The authoritative reference and input builder live on the scoring server;
editing this copy changes nothing except your own understanding.
"""

import jax, jax.numpy as jnp
import numpy as np

# local region 22 from SelectLocalRegionHGD.local_regions_HGD
REGION_22 = jnp.array([21, 6, 7, 8, 9, 10, 13, 14, 15, 16, 19, 20, 22, 25, 26, 27, 28, 31, 32, 33, 34, 35], dtype=jnp.int32)


def setup_inputs(seed: int = 0) -> dict:
    key = jax.random.key(seed)
    x = jax.random.normal(key, (1024, 1, 44, 1000), dtype=jnp.float32)
    return {"x": x}


def reference(x):
    # Faithful translation of: x[:, :, self.local_regions_HGD[self.local_region_id], :]
    assert x.shape[2] == 44
    return jnp.take(x, REGION_22, axis=2)

if __name__ == "__main__":
    import jax
    _d = setup_inputs()
    print(jax.jit(kernel)(*tuple(_d.values())))

</pallas_src>

<mosaic_0001>
#map = affine_map<(d0, d1) -> (0, 0, 0)>
module attributes {stable_mosaic.version = 14 : i64} {
  func.func @gather_region(%arg0: i32, %arg1: i32, %arg2: memref<1024x44x1000xf32, #tpu.memory_space<hbm>>, %arg3: memref<1024x22x1000xf32, #tpu.memory_space<hbm>>, %arg4: memref<2x40x1000xf32, #tpu.memory_space<vmem>>, %arg5: memref<2x22x1000xf32, #tpu.memory_space<vmem>>, %arg6: memref<!tpu.dma_semaphore, #tpu.memory_space<semaphore_mem>>, %arg7: memref<!tpu.dma_semaphore, #tpu.memory_space<semaphore_mem>>, %arg8: memref<!tpu.dma_semaphore, #tpu.memory_space<semaphore_mem>>, %arg9: memref<!tpu.dma_semaphore, #tpu.memory_space<semaphore_mem>>, %arg10: memref<!tpu.dma_semaphore, #tpu.memory_space<semaphore_mem>>, %arg11: memref<!tpu.dma_semaphore, #tpu.memory_space<semaphore_mem>>, %arg12: memref<!tpu.dma_semaphore, #tpu.memory_space<semaphore_mem>>, %arg13: memref<!tpu.dma_semaphore, #tpu.memory_space<semaphore_mem>>, %arg14: memref<!tpu.dma_semaphore, #tpu.memory_space<semaphore_mem>>, %arg15: memref<!tpu.dma_semaphore, #tpu.memory_space<semaphore_mem>>, %arg16: memref<!tpu.dma_semaphore, #tpu.memory_space<semaphore_mem>>, %arg17: memref<!tpu.dma_semaphore, #tpu.memory_space<semaphore_mem>>, %arg18: memref<!tpu.dma_semaphore, #tpu.memory_space<semaphore_mem>>, %arg19: memref<!tpu.dma_semaphore, #tpu.memory_space<semaphore_mem>>, %arg20: memref<!tpu.dma_semaphore, #tpu.memory_space<semaphore_mem>>, %arg21: memref<!tpu.dma_semaphore, #tpu.memory_space<semaphore_mem>>) attributes {dimension_semantics = [#tpu.dimension_semantics<core_parallel>, #tpu.dimension_semantics<subcore_parallel>], iteration_bounds = array<i64: 2, 16>, scalar_prefetch = 0 : i64, scratch_operands = 18 : i64, tpu.core_type = #tpu.core_type<sc_vector_subcore>, window_params = [{transform_indices = #map}, {transform_indices = #map}]} {
    %mul3A = arith.constant 2 : i32
    %mul3A_0 = arith.muli %arg1, %mul3A : i32
    %add3A = arith.addi %mul3A_0, %arg0 : i32
    %mul3A_1 = arith.constant 32 : i32
    %mul3A_2 = arith.muli %add3A, %mul3A_1 : i32
    %dma_start3A = arith.constant 0 : i32
    %dma_start3A_3 = arith.constant 0 : i32
    %dma_start3A_4 = arith.constant 0 : i32
    %dma_start3A_5 = tpu.memref_slice %arg4[%dma_start3A, %dma_start3A_3, %dma_start3A_4] : memref<2x40x1000xf32, #tpu.memory_space<vmem>> -> memref<1x8x1000xf32, #tpu.memory_space<vmem>>
    %dma_start3A_6 = tpu.memref_squeeze %dma_start3A_5 : memref<1x8x1000xf32, #tpu.memory_space<vmem>> -> memref<8x1000xf32, #tpu.memory_space<vmem>>
    %dma_start3A_7 = arith.constant 0 : i32
    %dma_start3A_8 = arith.constant 0 : i32
    %dma_start3A_9 = tpu.memref_slice %arg2[%mul3A_2, %dma_start3A_7, %dma_start3A_8] : memref<1024x44x1000xf32, #tpu.memory_space<hbm>> -> memref<1x8x1000xf32, #tpu.memory_space<hbm>>
    %dma_start3A_10 = tpu.memref_squeeze %dma_start3A_9 : memref<1x8x1000xf32, #tpu.memory_space<hbm>> -> memref<8x1000xf32, #tpu.memory_space<hbm>>
    %dma_start3A_11 = arith.constant 0 : i32
    %dma_start3A_12 = arith.constant 0 : i32
    %dma_start3A_13 = tpu.memref_slice %arg4[%dma_start3A, %dma_start3A_11, %dma_start3A_12] : memref<2x40x1000xf32, #tpu.memory_space<vmem>> -> memref<1x8x1000xf32, #tpu.memory_space<vmem>>
    %dma_start3A_14 = tpu.memref_squeeze %dma_start3A_13 : memref<1x8x1000xf32, #tpu.memory_space<vmem>> -> memref<8x1000xf32, #tpu.memory_space<vmem>>
    %dma_start3A_15 = arith.constant 0 : i32
    %dma_start3A_16 = arith.constant 0 : i32
    %dma_start3A_17 = tpu.memref_slice %arg2[%mul3A_2, %dma_start3A_15, %dma_start3A_16] : memref<1024x44x1000xf32, #tpu.memory_space<hbm>> -> memref<1x8x1000xf32, #tpu.memory_space<hbm>>
    %dma_start3A_18 = tpu.memref_squeeze %dma_start3A_17 : memref<1x8x1000xf32, #tpu.memory_space<hbm>> -> memref<8x1000xf32, #tpu.memory_space<hbm>>
    tpu.enqueue_dma source(%dma_start3A_18 : memref<8x1000xf32, #tpu.memory_space<hbm>>) target(%dma_start3A_14 : memref<8x1000xf32, #tpu.memory_space<vmem>>) target_semaphore(%arg6 : memref<!tpu.dma_semaphore, #tpu.memory_space<semaphore_mem>>)
    %dma_start3A_19 = arith.constant 0 : i32
    %dma_start3A_20 = arith.constant 8 : i32
    %dma_start3A_21 = arith.constant 0 : i32
    %dma_start3A_22 = tpu.memref_slice %arg4[%dma_start3A_19, %dma_start3A_20, %dma_start3A_21] : memref<2x40x1000xf32, #tpu.memory_space<vmem>> -> memref<1x8x1000xf32, #tpu.memory_space<vmem>>
    %dma_start3A_23 = tpu.memref_squeeze %dma_start3A_22 : memref<1x8x1000xf32, #tpu.memory_space<vmem>> -> memref<8x1000xf32, #tpu.memory_space<vmem>>
    %dma_start3A_24 = arith.constant 8 : i32
    %dma_start3A_25 = arith.constant 0 : i32
    %dma_start3A_26 = tpu.memref_slice %arg2[%mul3A_2, %dma_start3A_24, %dma_start3A_25] : memref<1024x44x1000xf32, #tpu.memory_space<hbm>> -> memref<1x8x1000xf32, #tpu.memory_space<hbm>>
    %dma_start3A_27 = tpu.memref_squeeze %dma_start3A_26 : memref<1x8x1000xf32, #tpu.memory_space<hbm>> -> memref<8x1000xf32, #tpu.memory_space<hbm>>
    %dma_start3A_28 = arith.constant 8 : i32
    %dma_start3A_29 = arith.constant 0 : i32
    %dma_start3A_30 = tpu.memref_slice %arg4[%dma_start3A_19, %dma_start3A_28, %dma_start3A_29] : memref<2x40x1000xf32, #tpu.memory_space<vmem>> -> memref<1x8x1000xf32, #tpu.memory_space<vmem>>
    %dma_start3A_31 = tpu.memref_squeeze %dma_start3A_30 : memref<1x8x1000xf32, #tpu.memory_space<vmem>> -> memref<8x1000xf32, #tpu.memory_space<vmem>>
    %dma_start3A_32 = arith.constant 8 : i32
    %dma_start3A_33 = arith.constant 0 : i32
    %dma_start3A_34 = tpu.memref_slice %arg2[%mul3A_2, %dma_start3A_32, %dma_start3A_33] : memref<1024x44x1000xf32, #tpu.memory_space<hbm>> -> memref<1x8x1000xf32, #tpu.memory_space<hbm>>
    %dma_start3A_35 = tpu.memref_squeeze %dma_start3A_34 : memref<1x8x1000xf32, #tpu.memory_space<hbm>> -> memref<8x1000xf32, #tpu.memory_space<hbm>>
    tpu.enqueue_dma source(%dma_start3A_35 : memref<8x1000xf32, #tpu.memory_space<hbm>>) target(%dma_start3A_31 : memref<8x1000xf32, #tpu.memory_space<vmem>>) target_semaphore(%arg7 : memref<!tpu.dma_semaphore, #tpu.memory_space<semaphore_mem>>)
    %dma_start3A_36 = arith.constant 0 : i32
    %dma_start3A_37 = arith.constant 16 : i32
    %dma_start3A_38 = arith.constant 0 : i32
    %dma_start3A_39 = tpu.memref_slice %arg4[%dma_start3A_36, %dma_start3A_37, %dma_start3A_38] : memref<2x40x1000xf32, #tpu.memory_space<vmem>> -> memref<1x8x1000xf32, #tpu.memory_space<vmem>>
    %dma_start3A_40 = tpu.memref_squeeze %dma_start3A_39 : memref<1x8x1000xf32, #tpu.memory_space<vmem>> -> memref<8x1000xf32, #tpu.memory_space<vmem>>
    %dma_start3A_41 = arith.constant 16 : i32
    %dma_start3A_42 = arith.constant 0 : i32
    %dma_start3A_43 = tpu.memref_slice %arg2[%mul3A_2, %dma_start3A_41, %dma_start3A_42] : memref<1024x44x1000xf32, #tpu.memory_space<hbm>> -> memref<1x8x1000xf32, #tpu.memory_space<hbm>>
    %dma_start3A_44 = tpu.memref_squeeze %dma_start3A_43 : memref<1x8x1000xf32, #tpu.memory_space<hbm>> -> memref<8x1000xf32, #tpu.memory_space<hbm>>
    %dma_start3A_45 = arith.constant 16 : i32
    %dma_start3A_46 = arith.constant 0 : i32
    %dma_start3A_47 = tpu.memref_slice %arg4[%dma_start3A_36, %dma_start3A_45, %dma_start3A_46] : memref<2x40x1000xf32, #tpu.memory_space<vmem>> -> memref<1x8x1000xf32, #tpu.memory_space<vmem>>
    %dma_start3A_48 = tpu.memref_squeeze %dma_start3A_47 : memref<1x8x1000xf32, #tpu.memory_space<vmem>> -> memref<8x1000xf32, #tpu.memory_space<vmem>>
    %dma_start3A_49 = arith.constant 16 : i32
    %dma_start3A_50 = arith.constant 0 : i32
    %dma_start3A_51 = tpu.memref_slice %arg2[%mul3A_2, %dma_start3A_49, %dma_start3A_50] : memref<1024x44x1000xf32, #tpu.memory_space<hbm>> -> memref<1x8x1000xf32, #tpu.memory_space<hbm>>
    %dma_start3A_52 = tpu.memref_squeeze %dma_start3A_51 : memref<1x8x1000xf32, #tpu.memory_space<hbm>> -> memref<8x1000xf32, #tpu.memory_space<hbm>>
    tpu.enqueue_dma source(%dma_start3A_52 : memref<8x1000xf32, #tpu.memory_space<hbm>>) target(%dma_start3A_48 : memref<8x1000xf32, #tpu.memory_space<vmem>>) target_semaphore(%arg8 : memref<!tpu.dma_semaphore, #tpu.memory_space<semaphore_mem>>)
    %dma_start3A_53 = arith.constant 0 : i32
    %dma_start3A_54 = arith.constant 24 : i32
    %dma_start3A_55 = arith.constant 0 : i32
    %dma_start3A_56 = tpu.memref_slice %arg4[%dma_start3A_53, %dma_start3A_54, %dma_start3A_55] : memref<2x40x1000xf32, #tpu.memory_space<vmem>> -> memref<1x8x1000xf32, #tpu.memory_space<vmem>>
    %dma_start3A_57 = tpu.memref_squeeze %dma_start3A_56 : memref<1x8x1000xf32, #tpu.memory_space<vmem>> -> memref<8x1000xf32, #tpu.memory_space<vmem>>
    %dma_start3A_58 = arith.constant 24 : i32
    %dma_start3A_59 = arith.constant 0 : i32
    %dma_start3A_60 = tpu.memref_slice %arg2[%mul3A_2, %dma_start3A_58, %dma_start3A_59] : memref<1024x44x1000xf32, #tpu.memory_space<hbm>> -> memref<1x8x1000xf32, #tpu.memory_space<hbm>>
    %dma_start3A_61 = tpu.memref_squeeze %dma_start3A_60 : memref<1x8x1000xf32, #tpu.memory_space<hbm>> -> memref<8x1000xf32, #tpu.memory_space<hbm>>
    %dma_start3A_62 = arith.constant 24 : i32
    %dma_start3A_63 = arith.constant 0 : i32
    %dma_start3A_64 = tpu.memref_slice %arg4[%dma_start3A_53, %dma_start3A_62, %dma_start3A_63] : memref<2x40x1000xf32, #tpu.memory_space<vmem>> -> memref<1x8x1000xf32, #tpu.memory_space<vmem>>
    %dma_start3A_65 = tpu.memref_squeeze %dma_start3A_64 : memref<1x8x1000xf32, #tpu.memory_space<vmem>> -> memref<8x1000xf32, #tpu.memory_space<vmem>>
    %dma_start3A_66 = arith.constant 24 : i32
    %dma_start3A_67 = arith.constant 0 : i32
    %dma_start3A_68 = tpu.memref_slice %arg2[%mul3A_2, %dma_start3A_66, %dma_start3A_67] : memref<1024x44x1000xf32, #tpu.memory_space<hbm>> -> memref<1x8x1000xf32, #tpu.memory_space<hbm>>
    %dma_start3A_69 = tpu.memref_squeeze %dma_start3A_68 : memref<1x8x1000xf32, #tpu.memory_space<hbm>> -> memref<8x1000xf32, #tpu.memory_space<hbm>>
    tpu.enqueue_dma source(%dma_start3A_69 : memref<8x1000xf32, #tpu.memory_space<hbm>>) target(%dma_start3A_65 : memref<8x1000xf32, #tpu.memory_space<vmem>>) target_semaphore(%arg9 : memref<!tpu.dma_semaphore, #tpu.memory_space<semaphore_mem>>)
    %dma_start3A_70 = arith.constant 0 : i32
    %dma_start3A_71 = arith.constant 32 : i32
    %dma_start3A_72 = arith.constant 0 : i32
    %dma_start3A_73 = tpu.memref_slice %arg4[%dma_start3A_70, %dma_start3A_71, %dma_start3A_72] : memref<2x40x1000xf32, #tpu.memory_space<vmem>> -> memref<1x8x1000xf32, #tpu.memory_space<vmem>>
    %dma_start3A_74 = tpu.memref_squeeze %dma_start3A_73 : memref<1x8x1000xf32, #tpu.memory_space<vmem>> -> memref<8x1000xf32, #tpu.memory_space<vmem>>
    %dma_start3A_75 = arith.constant 32 : i32
    %dma_start3A_76 = arith.constant 0 : i32
    %dma_start3A_77 = tpu.memref_slice %arg2[%mul3A_2, %dma_start3A_75, %dma_start3A_76] : memref<1024x44x1000xf32, #tpu.memory_space<hbm>> -> memref<1x8x1000xf32, #tpu.memory_space<hbm>>
    %dma_start3A_78 = tpu.memref_squeeze %dma_start3A_77 : memref<1x8x1000xf32, #tpu.memory_space<hbm>> -> memref<8x1000xf32, #tpu.memory_space<hbm>>
    %dma_start3A_79 = arith.constant 32 : i32
    %dma_start3A_80 = arith.constant 0 : i32
    %dma_start3A_81 = tpu.memref_slice %arg4[%dma_start3A_70, %dma_start3A_79, %dma_start3A_80] : memref<2x40x1000xf32, #tpu.memory_space<vmem>> -> memref<1x8x1000xf32, #tpu.memory_space<vmem>>
    %dma_start3A_82 = tpu.memref_squeeze %dma_start3A_81 : memref<1x8x1000xf32, #tpu.memory_space<vmem>> -> memref<8x1000xf32, #tpu.memory_space<vmem>>
    %dma_start3A_83 = arith.constant 32 : i32
    %dma_start3A_84 = arith.constant 0 : i32
    %dma_start3A_85 = tpu.memref_slice %arg2[%mul3A_2, %dma_start3A_83, %dma_start3A_84] : memref<1024x44x1000xf32, #tpu.memory_space<hbm>> -> memref<1x8x1000xf32, #tpu.memory_space<hbm>>
    %dma_start3A_86 = tpu.memref_squeeze %dma_start3A_85 : memref<1x8x1000xf32, #tpu.memory_space<hbm>> -> memref<8x1000xf32, #tpu.memory_space<hbm>>
    tpu.enqueue_dma source(%dma_start3A_86 : memref<8x1000xf32, #tpu.memory_space<hbm>>) target(%dma_start3A_82 : memref<8x1000xf32, #tpu.memory_space<vmem>>) target_semaphore(%arg10 : memref<!tpu.dma_semaphore, #tpu.memory_space<semaphore_mem>>)
    %add3A_87 = arith.constant 1 : i32
    %add3A_88 = arith.addi %mul3A_2, %add3A_87 : i32
    %dma_start3A_89 = arith.constant 1 : i32
    %dma_start3A_90 = arith.constant 0 : i32
    %dma_start3A_91 = arith.constant 0 : i32
    %dma_start3A_92 = tpu.memref_slice %arg4[%dma_start3A_89, %dma_start3A_90, %dma_start3A_91] : memref<2x40x1000xf32, #tpu.memory_space<vmem>> -> memref<1x8x1000xf32, #tpu.memory_space<vmem>>
    %dma_start3A_93 = tpu.memref_squeeze %dma_start3A_92 : memref<1x8x1000xf32, #tpu.memory_space<vmem>> -> memref<8x1000xf32, #tpu.memory_space<vmem>>
    %dma_start3A_94 = arith.constant 0 : i32
    %dma_start3A_95 = arith.constant 0 : i32
    %dma_start3A_96 = tpu.memref_slice %arg2[%add3A_88, %dma_start3A_94, %dma_start3A_95] : memref<1024x44x1000xf32, #tpu.memory_space<hbm>> -> memref<1x8x1000xf32, #tpu.memory_space<hbm>>
    %dma_start3A_97 = tpu.memref_squeeze %dma_start3A_96 : memref<1x8x1000xf32, #tpu.memory_space<hbm>> -> memref<8x1000xf32, #tpu.memory_space<hbm>>
    %dma_start3A_98 = arith.constant 0 : i32
    %dma_start3A_99 = arith.constant 0 : i32
    %dma_start3A_100 = tpu.memref_slice %arg4[%dma_start3A_89, %dma_start3A_98, %dma_start3A_99] : memref<2x40x1000xf32, #tpu.memory_space<vmem>> -> memref<1x8x1000xf32, #tpu.memory_space<vmem>>
    %dma_start3A_101 = tpu.memref_squeeze %dma_start3A_100 : memref<1x8x1000xf32, #tpu.memory_space<vmem>> -> memref<8x1000xf32, #tpu.memory_space<vmem>>
    %dma_start3A_102 = arith.constant 0 : i32
    %dma_start3A_103 = arith.constant 0 : i32
    %dma_start3A_104 = tpu.memref_slice %arg2[%add3A_88, %dma_start3A_102, %dma_start3A_103] : memref<1024x44x1000xf32, #tpu.memory_space<hbm>> -> memref<1x8x1000xf32, #tpu.memory_space<hbm>>
    %dma_start3A_105 = tpu.memref_squeeze %dma_start3A_104 : memref<1x8x1000xf32, #tpu.memory_space<hbm>> -> memref<8x1000xf32, #tpu.memory_space<hbm>>
    tpu.enqueue_dma source(%dma_start3A_105 : memref<8x1000xf32, #tpu.memory_space<hbm>>) target(%dma_start3A_101 : memref<8x1000xf32, #tpu.memory_space<vmem>>) target_semaphore(%arg11 : memref<!tpu.dma_semaphore, #tpu.memory_space<semaphore_mem>>)
    %dma_start3A_106 = arith.constant 1 : i32
    %dma_start3A_107 = arith.constant 8 : i32
    %dma_start3A_108 = arith.constant 0 : i32
    %dma_start3A_109 = tpu.memref_slice %arg4[%dma_start3A_106, %dma_start3A_107, %dma_start3A_108] : memref<2x40x1000xf32, #tpu.memory_space<vmem>> -> memref<1x8x1000xf32, #tpu.memory_space<vmem>>
    %dma_start3A_110 = tpu.memref_squeeze %dma_start3A_109 : memref<1x8x1000xf32, #tpu.memory_space<vmem>> -> memref<8x1000xf32, #tpu.memory_space<vmem>>
    %dma_start3A_111 = arith.constant 8 : i32
    %dma_start3A_112 = arith.constant 0 : i32
    %dma_start3A_113 = tpu.memref_slice %arg2[%add3A_88, %dma_start3A_111, %dma_start3A_112] : memref<1024x44x1000xf32, #tpu.memory_space<hbm>> -> memref<1x8x1000xf32, #tpu.memory_space<hbm>>
    %dma_start3A_114 = tpu.memref_squeeze %dma_start3A_113 : memref<1x8x1000xf32, #tpu.memory_space<hbm>> -> memref<8x1000xf32, #tpu.memory_space<hbm>>
    %dma_start3A_115 = arith.constant 8 : i32
    %dma_start3A_116 = arith.constant 0 : i32
    %dma_start3A_117 = tpu.memref_slice %arg4[%dma_start3A_106, %dma_start3A_115, %dma_start3A_116] : memref<2x40x1000xf32, #tpu.memory_space<vmem>> -> memref<1x8x1000xf32, #tpu.memory_space<vmem>>
    %dma_start3A_118 = tpu.memref_squeeze %dma_start3A_117 : memref<1x8x1000xf32, #tpu.memory_space<vmem>> -> memref<8x1000xf32, #tpu.memory_space<vmem>>
    %dma_start3A_119 = arith.constant 8 : i32
    %dma_start3A_120 = arith.constant 0 : i32
    %dma_start3A_121 = tpu.memref_slice %arg2[%add3A_88, %dma_start3A_119, %dma_start3A_120] : memref<1024x44x1000xf32, #tpu.memory_space<hbm>> -> memref<1x8x1000xf32, #tpu.memory_space<hbm>>
    %dma_start3A_122 = tpu.memref_squeeze %dma_start3A_121 : memref<1x8x1000xf32, #tpu.memory_space<hbm>> -> memref<8x1000xf32, #tpu.memory_space<hbm>>
    tpu.enqueue_dma source(%dma_start3A_122 : memref<8x1000xf32, #tpu.memory_space<hbm>>) target(%dma_start3A_118 : memref<8x1000xf32, #tpu.memory_space<vmem>>) target_semaphore(%arg12 : memref<!tpu.dma_semaphore, #tpu.memory_space<semaphore_mem>>)
    %dma_start3A_123 = arith.constant 1 : i32
    %dma_start3A_124 = arith.constant 16 : i32
    %dma_start3A_125 = arith.constant 0 : i32
    %dma_start3A_126 = tpu.memref_slice %arg4[%dma_start3A_123, %dma_start3A_124, %dma_start3A_125] : memref<2x40x1000xf32, #tpu.memory_space<vmem>> -> memref<1x8x1000xf32, #tpu.memory_space<vmem>>
    %dma_start3A_127 = tpu.memref_squeeze %dma_start3A_126 : memref<1x8x1000xf32, #tpu.memory_space<vmem>> -> memref<8x1000xf32, #tpu.memory_space<vmem>>
    %dma_start3A_128 = arith.constant 16 : i32
    %dma_start3A_129 = arith.constant 0 : i32
    %dma_start3A_130 = tpu.memref_slice %arg2[%add3A_88, %dma_start3A_128, %dma_start3A_129] : memref<1024x44x1000xf32, #tpu.memory_space<hbm>> -> memref<1x8x1000xf32, #tpu.memory_space<hbm>>
    %dma_start3A_131 = tpu.memref_squeeze %dma_start3A_130 : memref<1x8x1000xf32, #tpu.memory_space<hbm>> -> memref<8x1000xf32, #tpu.memory_space<hbm>>
    %dma_start3A_132 = arith.constant 16 : i32
    %dma_start3A_133 = arith.constant 0 : i32
    %dma_start3A_134 = tpu.memref_slice %arg4[%dma_start3A_123, %dma_start3A_132, %dma_start3A_133] : memref<2x40x1000xf32, #tpu.memory_space<vmem>> -> memref<1x8x1000xf32, #tpu.memory_space<vmem>>
    %dma_start3A_135 = tpu.memref_squeeze %dma_start3A_134 : memref<1x8x1000xf32, #tpu.memory_space<vmem>> -> memref<8x1000xf32, #tpu.memory_space<vmem>>
    %dma_start3A_136 = arith.constant 16 : i32
    %dma_start3A_137 = arith.constant 0 : i32
    %dma_start3A_138 = tpu.memref_slice %arg2[%add3A_88, %dma_start3A_136, %dma_start3A_137] : memref<1024x44x1000xf32, #tpu.memory_space<hbm>> -> memref<1x8x1000xf32, #tpu.memory_space<hbm>>
    %dma_start3A_139 = tpu.memref_squeeze %dma_start3A_138 : memref<1x8x1000xf32, #tpu.memory_space<hbm>> -> memref<8x1000xf32, #tpu.memory_space<hbm>>
    tpu.enqueue_dma source(%dma_start3A_139 : memref<8x1000xf32, #tpu.memory_space<hbm>>) target(%dma_start3A_135 : memref<8x1000xf32, #tpu.memory_space<vmem>>) target_semaphore(%arg13 : memref<!tpu.dma_semaphore, #tpu.memory_space<semaphore_mem>>)
    %dma_start3A_140 = arith.constant 1 : i32
    %dma_start3A_141 = arith.constant 24 : i32
    %dma_start3A_142 = arith.constant 0 : i32
    %dma_start3A_143 = tpu.memref_slice %arg4[%dma_start3A_140, %dma_start3A_141, %dma_start3A_142] : memref<2x40x1000xf32, #tpu.memory_space<vmem>> -> memref<1x8x1000xf32, #tpu.memory_space<vmem>>
    %dma_start3A_144 = tpu.memref_squeeze %dma_start3A_143 : memref<1x8x1000xf32, #tpu.memory_space<vmem>> -> memref<8x1000xf32, #tpu.memory_space<vmem>>
    %dma_start3A_145 = arith.constant 24 : i32
    %dma_start3A_146 = arith.constant 0 : i32
    %dma_start3A_147 = tpu.memref_slice %arg2[%add3A_88, %dma_start3A_145, %dma_start3A_146] : memref<1024x44x1000xf32, #tpu.memory_space<hbm>> -> memref<1x8x1000xf32, #tpu.memory_space<hbm>>
    %dma_start3A_148 = tpu.memref_squeeze %dma_start3A_147 : memref<1x8x1000xf32, #tpu.memory_space<hbm>> -> memref<8x1000xf32, #tpu.memory_space<hbm>>
    %dma_start3A_149 = arith.constant 24 : i32
    %dma_start3A_150 = arith.constant 0 : i32
    %dma_start3A_151 = tpu.memref_slice %arg4[%dma_start3A_140, %dma_start3A_149, %dma_start3A_150] : memref<2x40x1000xf32, #tpu.memory_space<vmem>> -> memref<1x8x1000xf32, #tpu.memory_space<vmem>>
    %dma_start3A_152 = tpu.memref_squeeze %dma_start3A_151 : memref<1x8x1000xf32, #tpu.memory_space<vmem>> -> memref<8x1000xf32, #tpu.memory_space<vmem>>
    %dma_start3A_153 = arith.constant 24 : i32
    %dma_start3A_154 = arith.constant 0 : i32
    %dma_start3A_155 = tpu.memref_slice %arg2[%add3A_88, %dma_start3A_153, %dma_start3A_154] : memref<1024x44x1000xf32, #tpu.memory_space<hbm>> -> memref<1x8x1000xf32, #tpu.memory_space<hbm>>
    %dma_start3A_156 = tpu.memref_squeeze %dma_start3A_155 : memref<1x8x1000xf32, #tpu.memory_space<hbm>> -> memref<8x1000xf32, #tpu.memory_space<hbm>>
    tpu.enqueue_dma source(%dma_start3A_156 : memref<8x1000xf32, #tpu.memory_space<hbm>>) target(%dma_start3A_152 : memref<8x1000xf32, #tpu.memory_space<vmem>>) target_semaphore(%arg14 : memref<!tpu.dma_semaphore, #tpu.memory_space<semaphore_mem>>)
    %dma_start3A_157 = arith.constant 1 : i32
    %dma_start3A_158 = arith.constant 32 : i32
    %dma_start3A_159 = arith.constant 0 : i32
    %dma_start3A_160 = tpu.memref_slice %arg4[%dma_start3A_157, %dma_start3A_158, %dma_start3A_159] : memref<2x40x1000xf32, #tpu.memory_space<vmem>> -> memref<1x8x1000xf32, #tpu.memory_space<vmem>>
    %dma_start3A_161 = tpu.memref_squeeze %dma_start3A_160 : memref<1x8x1000xf32, #tpu.memory_space<vmem>> -> memref<8x1000xf32, #tpu.memory_space<vmem>>
    %dma_start3A_162 = arith.constant 32 : i32
    %dma_start3A_163 = arith.constant 0 : i32
    %dma_start3A_164 = tpu.memref_slice %arg2[%add3A_88, %dma_start3A_162, %dma_start3A_163] : memref<1024x44x1000xf32, #tpu.memory_space<hbm>> -> memref<1x8x1000xf32, #tpu.memory_space<hbm>>
    %dma_start3A_165 = tpu.memref_squeeze %dma_start3A_164 : memref<1x8x1000xf32, #tpu.memory_space<hbm>> -> memref<8x1000xf32, #tpu.memory_space<hbm>>
    %dma_start3A_166 = arith.constant 32 : i32
    %dma_start3A_167 = arith.constant 0 : i32
    %dma_start3A_168 = tpu.memref_slice %arg4[%dma_start3A_157, %dma_start3A_166, %dma_start3A_167] : memref<2x40x1000xf32, #tpu.memory_space<vmem>> -> memref<1x8x1000xf32, #tpu.memory_space<vmem>>
    %dma_start3A_169 = tpu.memref_squeeze %dma_start3A_168 : memref<1x8x1000xf32, #tpu.memory_space<vmem>> -> memref<8x1000xf32, #tpu.memory_space<vmem>>
    %dma_start3A_170 = arith.constant 32 : i32
    %dma_start3A_171 = arith.constant 0 : i32
    %dma_start3A_172 = tpu.memref_slice %arg2[%add3A_88, %dma_start3A_170, %dma_start3A_171] : memref<1024x44x1000xf32, #tpu.memory_space<hbm>> -> memref<1x8x1000xf32, #tpu.memory_space<hbm>>
    %dma_start3A_173 = tpu.memref_squeeze %dma_start3A_172 : memref<1x8x1000xf32, #tpu.memory_space<hbm>> -> memref<8x1000xf32, #tpu.memory_space<hbm>>
    tpu.enqueue_dma source(%dma_start3A_173 : memref<8x1000xf32, #tpu.memory_space<hbm>>) target(%dma_start3A_169 : memref<8x1000xf32, #tpu.memory_space<vmem>>) target_semaphore(%arg15 : memref<!tpu.dma_semaphore, #tpu.memory_space<semaphore_mem>>)
    %scan3A = arith.constant 0 : i32
    %scan3A_174 = arith.constant 0 : i32
    %scan3A_175 = arith.constant 16 : i32
    %scan3A_176 = arith.addi %scan3A_174, %scan3A_175 : i32
    %scan3A_177 = arith.constant 1 : i32
    scf.for %scan3A_287 = %scan3A_174 to %scan3A_176 step %scan3A_177  : i32 {
      %mul3A_288 = arith.constant 2 : i32
      %mul3A_289 = arith.muli %mul3A_288, %scan3A_287 : i32
      %add3A_290 = arith.addi %mul3A_2, %mul3A_289 : i32
      %add3A_291 = arith.constant 0 : i32
      %add3A_292 = arith.addi %add3A_290, %add3A_291 : i32
      %dma_wait3A_293 = arith.constant 0 : i32
      %dma_wait3A_294 = arith.constant 0 : i32
      %dma_wait3A_295 = arith.constant 0 : i32
      %dma_wait3A_296 = tpu.memref_slice %arg4[%dma_wait3A_293, %dma_wait3A_294, %dma_wait3A_295] : memref<2x40x1000xf32, #tpu.memory_space<vmem>> -> memref<1x8x1000xf32, #tpu.memory_space<vmem>>
      %dma_wait3A_297 = tpu.memref_squeeze %dma_wait3A_296 : memref<1x8x1000xf32, #tpu.memory_space<vmem>> -> memref<8x1000xf32, #tpu.memory_space<vmem>>
      %dma_wait3A_298 = arith.constant 0 : i32
      %dma_wait3A_299 = arith.constant 0 : i32
      %dma_wait3A_300 = tpu.memref_slice %arg2[%add3A_292, %dma_wait3A_298, %dma_wait3A_299] : memref<1024x44x1000xf32, #tpu.memory_space<hbm>> -> memref<1x8x1000xf32, #tpu.memory_space<hbm>>
      %dma_wait3A_301 = tpu.memref_squeeze %dma_wait3A_300 : memref<1x8x1000xf32, #tpu.memory_space<hbm>> -> memref<8x1000xf32, #tpu.memory_space<hbm>>
      %dma_wait3A_302 = arith.constant 0 : i32
      %dma_wait3A_303 = arith.constant 0 : i32
      %dma_wait3A_304 = tpu.memref_slice %arg4[%dma_wait3A_293, %dma_wait3A_302, %dma_wait3A_303] : memref<2x40x1000xf32, #tpu.memory_space<vmem>> -> memref<1x8x1000xf32, #tpu.memory_space<vmem>>
      %dma_wait3A_305 = tpu.memref_squeeze %dma_wait3A_304 : memref<1x8x1000xf32, #tpu.memory_space<vmem>> -> memref<8x1000xf32, #tpu.memory_space<vmem>>
      %dma_wait3A_306 = arith.constant 0 : i32
      %dma_wait3A_307 = arith.constant 0 : i32
      %dma_wait3A_308 = tpu.memref_slice %arg2[%add3A_292, %dma_wait3A_306, %dma_wait3A_307] : memref<1024x44x1000xf32, #tpu.memory_space<hbm>> -> memref<1x8x1000xf32, #tpu.memory_space<hbm>>
      %dma_wait3A_309 = tpu.memref_squeeze %dma_wait3A_308 : memref<1x8x1000xf32, #tpu.memory_space<hbm>> -> memref<8x1000xf32, #tpu.memory_space<hbm>>
      tpu.wait_dma2 semaphore(%arg6 : memref<!tpu.dma_semaphore, #tpu.memory_space<semaphore_mem>>) src(%dma_wait3A_309 : memref<8x1000xf32, #tpu.memory_space<hbm>>) dst(%dma_wait3A_305 : memref<8x1000xf32, #tpu.memory_space<vmem>>)
      %dma_wait3A_310 = arith.constant 0 : i32
      %dma_wait3A_311 = arith.constant 8 : i32
      %dma_wait3A_312 = arith.constant 0 : i32
      %dma_wait3A_313 = tpu.memref_slice %arg4[%dma_wait3A_310, %dma_wait3A_311, %dma_wait3A_312] : memref<2x40x1000xf32, #tpu.memory_space<vmem>> -> memref<1x8x1000xf32, #tpu.memory_space<vmem>>
      %dma_wait3A_314 = tpu.memref_squeeze %dma_wait3A_313 : memref<1x8x1000xf32, #tpu.memory_space<vmem>> -> memref<8x1000xf32, #tpu.memory_space<vmem>>
      %dma_wait3A_315 = arith.constant 8 : i32
      %dma_wait3A_316 = arith.constant 0 : i32
      %dma_wait3A_317 = tpu.memref_slice %arg2[%add3A_292, %dma_wait3A_315, %dma_wait3A_316] : memref<1024x44x1000xf32, #tpu.memory_space<hbm>> -> memref<1x8x1000xf32, #tpu.memory_space<hbm>>
      %dma_wait3A_318 = tpu.memref_squeeze %dma_wait3A_317 : memref<1x8x1000xf32, #tpu.memory_space<hbm>> -> memref<8x1000xf32, #tpu.memory_space<hbm>>
      %dma_wait3A_319 = arith.constant 8 : i32
      %dma_wait3A_320 = arith.constant 0 : i32
      %dma_wait3A_321 = tpu.memref_slice %arg4[%dma_wait3A_310, %dma_wait3A_319, %dma_wait3A_320] : memref<2x40x1000xf32, #tpu.memory_space<vmem>> -> memref<1x8x1000xf32, #tpu.memory_space<vmem>>
      %dma_wait3A_322 = tpu.memref_squeeze %dma_wait3A_321 : memref<1x8x1000xf32, #tpu.memory_space<vmem>> -> memref<8x1000xf32, #tpu.memory_space<vmem>>
      %dma_wait3A_323 = arith.constant 8 : i32
      %dma_wait3A_324 = arith.constant 0 : i32
      %dma_wait3A_325 = tpu.memref_slice %arg2[%add3A_292, %dma_wait3A_323, %dma_wait3A_324] : memref<1024x44x1000xf32, #tpu.memory_space<hbm>> -> memref<1x8x1000xf32, #tpu.memory_space<hbm>>
      %dma_wait3A_326 = tpu.memref_squeeze %dma_wait3A_325 : memref<1x8x1000xf32, #tpu.memory_space<hbm>> -> memref<8x1000xf32, #tpu.memory_space<hbm>>
      tpu.wait_dma2 semaphore(%arg7 : memref<!tpu.dma_semaphore, #tpu.memory_space<semaphore_mem>>) src(%dma_wait3A_326 : memref<8x1000xf32, #tpu.memory_space<hbm>>) dst(%dma_wait3A_322 : memref<8x1000xf32, #tpu.memory_space<vmem>>)
      %dma_wait3A_327 = arith.constant 0 : i32
      %dma_wait3A_328 = arith.constant 16 : i32
      %dma_wait3A_329 = arith.constant 0 : i32
      %dma_wait3A_330 = tpu.memref_slice %arg4[%dma_wait3A_327, %dma_wait3A_328, %dma_wait3A_329] : memref<2x40x1000xf32, #tpu.memory_space<vmem>> -> memref<1x8x1000xf32, #tpu.memory_space<vmem>>
      %dma_wait3A_331 = tpu.memref_squeeze %dma_wait3A_330 : memref<1x8x1000xf32, #tpu.memory_space<vmem>> -> memref<8x1000xf32, #tpu.memory_space<vmem>>
      %dma_wait3A_332 = arith.constant 16 : i32
      %dma_wait3A_333 = arith.constant 0 : i32
      %dma_wait3A_334 = tpu.memref_slice %arg2[%add3A_292, %dma_wait3A_332, %dma_wait3A_333] : memref<1024x44x1000xf32, #tpu.memory_space<hbm>> -> memref<1x8x1000xf32, #tpu.memory_space<hbm>>
      %dma_wait3A_335 = tpu.memref_squeeze %dma_wait3A_334 : memref<1x8x1000xf32, #tpu.memory_space<hbm>> -> memref<8x1000xf32, #tpu.memory_space<hbm>>
      %dma_wait3A_336 = arith.constant 16 : i32
      %dma_wait3A_337 = arith.constant 0 : i32
      %dma_wait3A_338 = tpu.memref_slice %arg4[%dma_wait3A_327, %dma_wait3A_336, %dma_wait3A_337] : memref<2x40x1000xf32, #tpu.memory_space<vmem>> -> memref<1x8x1000xf32, #tpu.memory_space<vmem>>
      %dma_wait3A_339 = tpu.memref_squeeze %dma_wait3A_338 : memref<1x8x1000xf32, #tpu.memory_space<vmem>> -> memref<8x1000xf32, #tpu.memory_space<vmem>>
      %dma_wait3A_340 = arith.constant 16 : i32
      %dma_wait3A_341 = arith.constant 0 : i32
      %dma_wait3A_342 = tpu.memref_slice %arg2[%add3A_292, %dma_wait3A_340, %dma_wait3A_341] : memref<1024x44x1000xf32, #tpu.memory_space<hbm>> -> memref<1x8x1000xf32, #tpu.memory_space<hbm>>
      %dma_wait3A_343 = tpu.memref_squeeze %dma_wait3A_342 : memref<1x8x1000xf32, #tpu.memory_space<hbm>> -> memref<8x1000xf32, #tpu.memory_space<hbm>>
      tpu.wait_dma2 semaphore(%arg8 : memref<!tpu.dma_semaphore, #tpu.memory_space<semaphore_mem>>) src(%dma_wait3A_343 : memref<8x1000xf32, #tpu.memory_space<hbm>>) dst(%dma_wait3A_339 : memref<8x1000xf32, #tpu.memory_space<vmem>>)
      %dma_wait3A_344 = arith.constant 0 : i32
      %dma_wait3A_345 = arith.constant 24 : i32
      %dma_wait3A_346 = arith.constant 0 : i32
      %dma_wait3A_347 = tpu.memref_slice %arg4[%dma_wait3A_344, %dma_wait3A_345, %dma_wait3A_346] : memref<2x40x1000xf32, #tpu.memory_space<vmem>> -> memref<1x8x1000xf32, #tpu.memory_space<vmem>>
      %dma_wait3A_348 = tpu.memref_squeeze %dma_wait3A_347 : memref<1x8x1000xf32, #tpu.memory_space<vmem>> -> memref<8x1000xf32, #tpu.memory_space<vmem>>
      %dma_wait3A_349 = arith.constant 24 : i32
      %dma_wait3A_350 = arith.constant 0 : i32
      %dma_wait3A_351 = tpu.memref_slice %arg2[%add3A_292, %dma_wait3A_349, %dma_wait3A_350] : memref<1024x44x1000xf32, #tpu.memory_space<hbm>> -> memref<1x8x1000xf32, #tpu.memory_space<hbm>>
      %dma_wait3A_352 = tpu.memref_squeeze %dma_wait3A_351 : memref<1x8x1000xf32, #tpu.memory_space<hbm>> -> memref<8x1000xf32, #tpu.memory_space<hbm>>
      %dma_wait3A_353 = arith.constant 24 : i32
      %dma_wait3A_354 = arith.constant 0 : i32
      %dma_wait3A_355 = tpu.memref_slice %arg4[%dma_wait3A_344, %dma_wait3A_353, %dma_wait3A_354] : memref<2x40x1000xf32, #tpu.memory_space<vmem>> -> memref<1x8x1000xf32, #tpu.memory_space<vmem>>
      %dma_wait3A_356 = tpu.memref_squeeze %dma_wait3A_355 : memref<1x8x1000xf32, #tpu.memory_space<vmem>> -> memref<8x1000xf32, #tpu.memory_space<vmem>>
      %dma_wait3A_357 = arith.constant 24 : i32
      %dma_wait3A_358 = arith.constant 0 : i32
      %dma_wait3A_359 = tpu.memref_slice %arg2[%add3A_292, %dma_wait3A_357, %dma_wait3A_358] : memref<1024x44x1000xf32, #tpu.memory_space<hbm>> -> memref<1x8x1000xf32, #tpu.memory_space<hbm>>
      %dma_wait3A_360 = tpu.memref_squeeze %dma_wait3A_359 : memref<1x8x1000xf32, #tpu.memory_space<hbm>> -> memref<8x1000xf32, #tpu.memory_space<hbm>>
      tpu.wait_dma2 semaphore(%arg9 : memref<!tpu.dma_semaphore, #tpu.memory_space<semaphore_mem>>) src(%dma_wait3A_360 : memref<8x1000xf32, #tpu.memory_space<hbm>>) dst(%dma_wait3A_356 : memref<8x1000xf32, #tpu.memory_space<vmem>>)
      %dma_wait3A_361 = arith.constant 0 : i32
      %dma_wait3A_362 = arith.constant 32 : i32
      %dma_wait3A_363 = arith.constant 0 : i32
      %dma_wait3A_364 = tpu.memref_slice %arg4[%dma_wait3A_361, %dma_wait3A_362, %dma_wait3A_363] : memref<2x40x1000xf32, #tpu.memory_space<vmem>> -> memref<1x8x1000xf32, #tpu.memory_space<vmem>>
      %dma_wait3A_365 = tpu.memref_squeeze %dma_wait3A_364 : memref<1x8x1000xf32, #tpu.memory_space<vmem>> -> memref<8x1000xf32, #tpu.memory_space<vmem>>
      %dma_wait3A_366 = arith.constant 32 : i32
      %dma_wait3A_367 = arith.constant 0 : i32
      %dma_wait3A_368 = tpu.memref_slice %arg2[%add3A_292, %dma_wait3A_366, %dma_wait3A_367] : memref<1024x44x1000xf32, #tpu.memory_space<hbm>> -> memref<1x8x1000xf32, #tpu.memory_space<hbm>>
      %dma_wait3A_369 = tpu.memref_squeeze %dma_wait3A_368 : memref<1x8x1000xf32, #tpu.memory_space<hbm>> -> memref<8x1000xf32, #tpu.memory_space<hbm>>
      %dma_wait3A_370 = arith.constant 32 : i32
      %dma_wait3A_371 = arith.constant 0 : i32
      %dma_wait3A_372 = tpu.memref_slice %arg4[%dma_wait3A_361, %dma_wait3A_370, %dma_wait3A_371] : memref<2x40x1000xf32, #tpu.memory_space<vmem>> -> memref<1x8x1000xf32, #tpu.memory_space<vmem>>
      %dma_wait3A_373 = tpu.memref_squeeze %dma_wait3A_372 : memref<1x8x1000xf32, #tpu.memory_space<vmem>> -> memref<8x1000xf32, #tpu.memory_space<vmem>>
      %dma_wait3A_374 = arith.constant 32 : i32
      %dma_wait3A_375 = arith.constant 0 : i32
      %dma_wait3A_376 = tpu.memref_slice %arg2[%add3A_292, %dma_wait3A_374, %dma_wait3A_375] : memref<1024x44x1000xf32, #tpu.memory_space<hbm>> -> memref<1x8x1000xf32, #tpu.memory_space<hbm>>
      %dma_wait3A_377 = tpu.memref_squeeze %dma_wait3A_376 : memref<1x8x1000xf32, #tpu.memory_space<hbm>> -> memref<8x1000xf32, #tpu.memory_space<hbm>>
      tpu.wait_dma2 semaphore(%arg10 : memref<!tpu.dma_semaphore, #tpu.memory_space<semaphore_mem>>) src(%dma_wait3A_377 : memref<8x1000xf32, #tpu.memory_space<hbm>>) dst(%dma_wait3A_373 : memref<8x1000xf32, #tpu.memory_space<vmem>>)
      %gt3A = arith.constant 0 : i32
      %gt3A_378 = arith.cmpi sgt, %scan3A_287, %gt3A : i32
      %convert_element_type3A = arith.extui %gt3A_378 : i1 to i32
      %cond3A = arith.constant 0 : i32
      %cond3A_379 = arith.cmpi ne, %convert_element_type3A, %cond3A : i32
      scf.if %cond3A_379 {
        %sub3A_1256 = arith.constant 2 : i32
        %sub3A_1257 = arith.subi %add3A_292, %sub3A_1256 : i32
        %dma_wait3A_1258 = arith.constant 0 : i32
        %dma_wait3A_1259 = arith.constant 0 : i32
        %dma_wait3A_1260 = arith.constant 0 : i32
        %dma_wait3A_1261 = tpu.memref_slice %arg5[%dma_wait3A_1258, %dma_wait3A_1259, %dma_wait3A_1260] : memref<2x22x1000xf32, #tpu.memory_space<vmem>> -> memref<1x8x1000xf32, #tpu.memory_space<vmem>>
        %dma_wait3A_1262 = tpu.memref_squeeze %dma_wait3A_1261 : memref<1x8x1000xf32, #tpu.memory_space<vmem>> -> memref<8x1000xf32, #tpu.memory_space<vmem>>
        %dma_wait3A_1263 = arith.constant 0 : i32
        %dma_wait3A_1264 = arith.constant 0 : i32
        %dma_wait3A_1265 = tpu.memref_slice %arg3[%sub3A_1257, %dma_wait3A_1263, %dma_wait3A_1264] : memref<1024x22x1000xf32, #tpu.memory_space<hbm>> -> memref<1x8x1000xf32, #tpu.memory_space<hbm>>
        %dma_wait3A_1266 = tpu.memref_squeeze %dma_wait3A_1265 : memref<1x8x1000xf32, #tpu.memory_space<hbm>> -> memref<8x1000xf32, #tpu.memory_space<hbm>>
        %dma_wait3A_1267 = arith.constant 0 : i32
        %dma_wait3A_1268 = arith.constant 0 : i32
        %dma_wait3A_1269 = tpu.memref_slice %arg3[%sub3A_1257, %dma_wait3A_1267, %dma_wait3A_1268] : memref<1024x22x1000xf32, #tpu.memory_space<hbm>> -> memref<1x8x1000xf32, #tpu.memory_space<hbm>>
        %dma_wait3A_1270 = tpu.memref_squeeze %dma_wait3A_1269 : memref<1x8x1000xf32, #tpu.memory_space<hbm>> -> memref<8x1000xf32, #tpu.memory_space<hbm>>
        %dma_wait3A_1271 = arith.constant 0 : i32
        %dma_wait3A_1272 = arith.constant 0 : i32
        %dma_wait3A_1273 = tpu.memref_slice %arg5[%dma_wait3A_1258, %dma_wait3A_1271, %dma_wait3A_1272] : memref<2x22x1000xf32, #tpu.memory_space<vmem>> -> memref<1x8x1000xf32, #tpu.memory_space<vmem>>
        %dma_wait3A_1274 = tpu.memref_squeeze %dma_wait3A_1273 : memref<1x8x1000xf32, #tpu.memory_space<vmem>> -> memref<8x1000xf32, #tpu.memory_space<vmem>>
        tpu.wait_dma2 semaphore(%arg16 : memref<!tpu.dma_semaphore, #tpu.memory_space<semaphore_mem>>) src(%dma_wait3A_1274 : memref<8x1000xf32, #tpu.memory_space<vmem>>) dst(%dma_wait3A_1270 : memref<8x1000xf32, #tpu.memory_space<hbm>>)
        %dma_wait3A_1275 = arith.constant 0 : i32
        %dma_wait3A_1276 = arith.constant 8 : i32
        %dma_wait3A_1277 = arith.constant 0 : i32
        %dma_wait3A_1278 = tpu.memref_slice %arg5[%dma_wait3A_1275, %dma_wait3A_1276, %dma_wait3A_1277] : memref<2x22x1000xf32, #tpu.memory_space<vmem>> -> memref<1x8x1000xf32, #tpu.memory_space<vmem>>
        %dma_wait3A_1279 = tpu.memref_squeeze %dma_wait3A_1278 : memref<1x8x1000xf32, #tpu.memory_space<vmem>> -> memref<8x1000xf32, #tpu.memory_space<vmem>>
        %dma_wait3A_1280 = arith.constant 8 : i32
        %dma_wait3A_1281 = arith.constant 0 : i32
        %dma_wait3A_1282 = tpu.memref_slice %arg3[%sub3A_1257, %dma_wait3A_1280, %dma_wait3A_1281] : memref<1024x22x1000xf32, #tpu.memory_space<hbm>> -> memref<1x8x1000xf32, #tpu.memory_space<hbm>>
        %dma_wait3A_1283 = tpu.memref_squeeze %dma_wait3A_1282 : memref<1x8x1000xf32, #tpu.memory_space<hbm>> -> memref<8x1000xf32, #tpu.memory_space<hbm>>
        %dma_wait3A_1284 = arith.constant 8 : i32
        %dma_wait3A_1285 = arith.constant 0 : i32
        %dma_wait3A_1286 = tpu.memref_slice %arg3[%sub3A_1257, %dma_wait3A_1284, %dma_wait3A_1285] : memref<1024x22x1000xf32, #tpu.memory_space<hbm>> -> memref<1x8x1000xf32, #tpu.memory_space<hbm>>
        %dma_wait3A_1287 = tpu.memref_squeeze %dma_wait3A_1286 : memref<1x8x1000xf32, #tpu.memory_space<hbm>> -> memref<8x1000xf32, #tpu.memory_space<hbm>>
        %dma_wait3A_1288 = arith.constant 8 : i32
        %dma_wait3A_1289 = arith.constant 0 : i32
        %dma_wait3A_1290 = tpu.memref_slice %arg5[%dma_wait3A_1275, %dma_wait3A_1288, %dma_wait3A_1289] : memref<2x22x1000xf32, #tpu.memory_space<vmem>> -> memref<1x8x1000xf32, #tpu.memory_space<vmem>>
        %dma_wait3A_1291 = tpu.memref_squeeze %dma_wait3A_1290 : memref<1x8x1000xf32, #tpu.memory_space<vmem>> -> memref<8x1000xf32, #tpu.memory_space<vmem>>
        tpu.wait_dma2 semaphore(%arg17 : memref<!tpu.dma_semaphore, #tpu.memory_space<semaphore_mem>>) src(%dma_wait3A_1291 : memref<8x1000xf32, #tpu.memory_space<vmem>>) dst(%dma_wait3A_1287 : memref<8x1000xf32, #tpu.memory_space<hbm>>)
        %dma_wait3A_1292 = arith.constant 0 : i32
        %dma_wait3A_1293 = arith.constant 16 : i32
        %dma_wait3A_1294 = arith.constant 0 : i32
        %dma_wait3A_1295 = tpu.memref_slice %arg5[%dma_wait3A_1292, %dma_wait3A_1293, %dma_wait3A_1294] : memref<2x22x1000xf32, #tpu.memory_space<vmem>> -> memref<1x6x1000xf32, #tpu.memory_space<vmem>>
        %dma_wait3A_1296 = tpu.memref_squeeze %dma_wait3A_1295 : memref<1x6x1000xf32, #tpu.memory_space<vmem>> -> memref<6x1000xf32, #tpu.memory_space<vmem>>
        %dma_wait3A_1297 = arith.constant 16 : i32
        %dma_wait3A_1298 = arith.constant 0 : i32
        %dma_wait3A_1299 = tpu.memref_slice %arg3[%sub3A_1257, %dma_wait3A_1297, %dma_wait3A_1298] : memref<1024x22x1000xf32, #tpu.memory_space<hbm>> -> memref<1x6x1000xf32, #tpu.memory_space<hbm>>
        %dma_wait3A_1300 = tpu.memref_squeeze %dma_wait3A_1299 : memref<1x6x1000xf32, #tpu.memory_space<hbm>> -> memref<6x1000xf32, #tpu.memory_space<hbm>>
        %dma_wait3A_1301 = arith.constant 16 : i32
        %dma_wait3A_1302 = arith.constant 0 : i32
        %dma_wait3A_1303 = tpu.memref_slice %arg3[%sub3A_1257, %dma_wait3A_1301, %dma_wait3A_1302] : memref<1024x22x1000xf32, #tpu.memory_space<hbm>> -> memref<1x6x1000xf32, #tpu.memory_space<hbm>>
        %dma_wait3A_1304 = tpu.memref_squeeze %dma_wait3A_1303 : memref<1x6x1000xf32, #tpu.memory_space<hbm>> -> memref<6x1000xf32, #tpu.memory_space<hbm>>
        %dma_wait3A_1305 = arith.constant 16 : i32
        %dma_wait3A_1306 = arith.constant 0 : i32
        %dma_wait3A_1307 = tpu.memref_slice %arg5[%dma_wait3A_1292, %dma_wait3A_1305, %dma_wait3A_1306] : memref<2x22x1000xf32, #tpu.memory_space<vmem>> -> memref<1x6x1000xf32, #tpu.memory_space<vmem>>
        %dma_wait3A_1308 = tpu.memref_squeeze %dma_wait3A_1307 : memref<1x6x1000xf32, #tpu.memory_space<vmem>> -> memref<6x1000xf32, #tpu.memory_space<vmem>>
        tpu.wait_dma2 semaphore(%arg18 : memref<!tpu.dma_semaphore, #tpu.memory_space<semaphore_mem>>) src(%dma_wait3A_1308 : memref<6x1000xf32, #tpu.memory_space<vmem>>) dst(%dma_wait3A_1304 : memref<6x1000xf32, #tpu.memory_space<hbm>>)
      } else {
      }
      %scan3A_380 = arith.constant 0 : i32
      %scan3A_381 = arith.constant 0 : i32
      %scan3A_382 = arith.constant 62 : i32
      %scan3A_383 = arith.addi %scan3A_381, %scan3A_382 : i32
      %scan3A_384 = arith.constant 1 : i32
      scf.for %scan3A_1256 = %scan3A_381 to %scan3A_383 step %scan3A_384  : i32 {
        %mul3A_1257 = arith.constant 16 : i32
        %mul3A_1258 = arith.muli %scan3A_1256, %mul3A_1257 : i32
        %get3A_1259 = arith.constant 0 : i32
        %get3A_1260 = arith.constant 21 : i32
        %get3A_1261 = arith.index_cast %get3A_1259 : i32 to index
        %get3A_1262 = arith.index_cast %get3A_1260 : i32 to index
        %get3A_1263 = arith.index_cast %mul3A_1258 : i32 to index
        %get3A_1264 = tpu.vector_load %arg4[%get3A_1261, %get3A_1262, %get3A_1263] {strides = array<i32>} : memref<2x40x1000xf32, #tpu.memory_space<vmem>>, vector<1x1x16xf32>,
        %get3A_1265 = vector.shape_cast %get3A_1264 : vector<1x1x16xf32> to vector<16xf32>
        %swap3A_1266 = arith.constant 0 : i32
        %swap3A_1267 = arith.constant 0 : i32
        %swap3A_1268 = arith.index_cast %swap3A_1266 : i32 to index
        %swap3A_1269 = arith.index_cast %swap3A_1267 : i32 to index
        %swap3A_1270 = arith.index_cast %mul3A_1258 : i32 to index
        %swap3A_1271 = tpu.vector_load %arg5[%swap3A_1268, %swap3A_1269, %swap3A_1270] {strides = array<i32>} : memref<2x22x1000xf32, #tpu.memory_space<vmem>>, vector<1x1x16xf32>,
        %swap3A_1272 = vector.shape_cast %swap3A_1271 : vector<1x1x16xf32> to vector<16xf32>
        %swap3A_1273 = vector.shape_cast %get3A_1265 : vector<16xf32> to vector<1x1x16xf32>
        tpu.vector_store %arg5[%swap3A_1268, %swap3A_1269, %swap3A_1270], %swap3A_1273 {strides = array<i32>} : memref<2x22x1000xf32, #tpu.memory_space<vmem>>, vector<1x1x16xf32>,
        %get3A_1274 = arith.constant 0 : i32
        %get3A_1275 = arith.constant 6 : i32
        %get3A_1276 = arith.index_cast %get3A_1274 : i32 to index
        %get3A_1277 = arith.index_cast %get3A_1275 : i32 to index
        %get3A_1278 = arith.index_cast %mul3A_1258 : i32 to index
        %get3A_1279 = tpu.vector_load %arg4[%get3A_1276, %get3A_1277, %get3A_1278] {strides = array<i32>} : memref<2x40x1000xf32, #tpu.memory_space<vmem>>, vector<1x1x16xf32>,
        %get3A_1280 = vector.shape_cast %get3A_1279 : vector<1x1x16xf32> to vector<16xf32>
        %swap3A_1281 = arith.constant 0 : i32
        %swap3A_1282 = arith.constant 1 : i32
        %swap3A_1283 = arith.index_cast %swap3A_1281 : i32 to index
        %swap3A_1284 = arith.index_cast %swap3A_1282 : i32 to index
        %swap3A_1285 = arith.index_cast %mul3A_1258 : i32 to index
        %swap3A_1286 = tpu.vector_load %arg5[%swap3A_1283, %swap3A_1284, %swap3A_1285] {strides = array<i32>} : memref<2x22x1000xf32, #tpu.memory_space<vmem>>, vector<1x1x16xf32>,
        %swap3A_1287 = vector.shape_cast %swap3A_1286 : vector<1x1x16xf32> to vector<16xf32>
        %swap3A_1288 = vector.shape_cast %get3A_1280 : vector<16xf32> to vector<1x1x16xf32>
        tpu.vector_store %arg5[%swap3A_1283, %swap3A_1284, %swap3A_1285], %swap3A_1288 {strides = array<i32>} : memref<2x22x1000xf32, #tpu.memory_space<vmem>>, vector<1x1x16xf32>,
        %get3A_1289 = arith.constant 0 : i32
        %get3A_1290 = arith.constant 7 : i32
        %get3A_1291 = arith.index_cast %get3A_1289 : i32 to index
        %get3A_1292 = arith.index_cast %get3A_1290 : i32 to index
        %get3A_1293 = arith.index_cast %mul3A_1258 : i32 to index
        %get3A_1294 = tpu.vector_load %arg4[%get3A_1291, %get3A_1292, %get3A_1293] {strides = array<i32>} : memref<2x40x1000xf32, #tpu.memory_space<vmem>>, vector<1x1x16xf32>,
        %get3A_1295 = vector.shape_cast %get3A_1294 : vector<1x1x16xf32> to vector<16xf32>
        %swap3A_1296 = arith.constant 0 : i32
        %swap3A_1297 = arith.constant 2 : i32
        %swap3A_1298 = arith.index_cast %swap3A_1296 : i32 to index
        %swap3A_1299 = arith.index_cast %swap3A_1297 : i32 to index
        %swap3A_1300 = arith.index_cast %mul3A_1258 : i32 to index
        %swap3A_1301 = tpu.vector_load %arg5[%swap3A_1298, %swap3A_1299, %swap3A_1300] {strides = array<i32>} : memref<2x22x1000xf32, #tpu.memory_space<vmem>>, vector<1x1x16xf32>,
        %swap3A_1302 = vector.shape_cast %swap3A_1301 : vector<1x1x16xf32> to vector<16xf32>
        %swap3A_1303 = vector.shape_cast %get3A_1295 : vector<16xf32> to vector<1x1x16xf32>
        tpu.vector_store %arg5[%swap3A_1298, %swap3A_1299, %swap3A_1300], %swap3A_1303 {strides = array<i32>} : memref<2x22x1000xf32, #tpu.memory_space<vmem>>, vector<1x1x16xf32>,
        %get3A_1304 = arith.constant 0 : i32
        %get3A_1305 = arith.constant 8 : i32
        %get3A_1306 = arith.index_cast %get3A_1304 : i32 to index
        %get3A_1307 = arith.index_cast %get3A_1305 : i32 to index
        %get3A_1308 = arith.index_cast %mul3A_1258 : i32 to index
        %get3A_1309 = tpu.vector_load %arg4[%get3A_1306, %get3A_1307, %get3A_1308] {strides = array<i32>} : memref<2x40x1000xf32, #tpu.memory_space<vmem>>, vector<1x1x16xf32>,
        %get3A_1310 = vector.shape_cast %get3A_1309 : vector<1x1x16xf32> to vector<16xf32>
        %swap3A_1311 = arith.constant 0 : i32
        %swap3A_1312 = arith.constant 3 : i32
        %swap3A_1313 = arith.index_cast %swap3A_1311 : i32 to index
        %swap3A_1314 = arith.index_cast %swap3A_1312 : i32 to index
        %swap3A_1315 = arith.index_cast %mul3A_1258 : i32 to index
        %swap3A_1316 = tpu.vector_load %arg5[%swap3A_1313, %swap3A_1314, %swap3A_1315] {strides = array<i32>} : memref<2x22x1000xf32, #tpu.memory_space<vmem>>, vector<1x1x16xf32>,
        %swap3A_1317 = vector.shape_cast %swap3A_1316 : vector<1x1x16xf32> to vector<16xf32>
        %swap3A_1318 = vector.shape_cast %get3A_1310 : vector<16xf32> to vector<1x1x16xf32>
        tpu.vector_store %arg5[%swap3A_1313, %swap3A_1314, %swap3A_1315], %swap3A_1318 {strides = array<i32>} : memref<2x22x1000xf32, #tpu.memory_space<vmem>>, vector<1x1x16xf32>,
        %get3A_1319 = arith.constant 0 : i32
        %get3A_1320 = arith.constant 9 : i32
        %get3A_1321 = arith.index_cast %get3A_1319 : i32 to index
        %get3A_1322 = arith.index_cast %get3A_1320 : i32 to index
        %get3A_1323 = arith.index_cast %mul3A_1258 : i32 to index
        %get3A_1324 = tpu.vector_load %arg4[%get3A_1321, %get3A_1322, %get3A_1323] {strides = array<i32>} : memref<2x40x1000xf32, #tpu.memory_space<vmem>>, vector<1x1x16xf32>,
        %get3A_1325 = vector.shape_cast %get3A_1324 : vector<1x1x16xf32> to vector<16xf32>
        %swap3A_1326 = arith.constant 0 : i32
        %swap3A_1327 = arith.constant 4 : i32
        %swap3A_1328 = arith.index_cast %swap3A_1326 : i32 to index
        %swap3A_1329 = arith.index_cast %swap3A_1327 : i32 to index
        %swap3A_1330 = arith.index_cast %mul3A_1258 : i32 to index
        %swap3A_1331 = tpu.vector_load %arg5[%swap3A_1328, %swap3A_1329, %swap3A_1330] {strides = array<i32>} : memref<2x22x1000xf32, #tpu.memory_space<vmem>>, vector<1x1x16xf32>,
        %swap3A_1332 = vector.shape_cast %swap3A_1331 : vector<1x1x16xf32> to vector<16xf32>
        %swap3A_1333 = vector.shape_cast %get3A_1325 : vector<16xf32> to vector<1x1x16xf32>
        tpu.vector_store %arg5[%swap3A_1328, %swap3A_1329, %swap3A_1330], %swap3A_1333 {strides = array<i32>} : memref<2x22x1000xf32, #tpu.memory_space<vmem>>, vector<1x1x16xf32>,
        %get3A_1334 = arith.constant 0 : i32
        %get3A_1335 = arith.constant 10 : i32
        %get3A_1336 = arith.index_cast %get3A_1334 : i32 to index
        %get3A_1337 = arith.index_cast %get3A_1335 : i32 to index
        %get3A_1338 = arith.index_cast %mul3A_1258 : i32 to index
        %get3A_1339 = tpu.vector_load %arg4[%get3A_1336, %get3A_1337, %get3A_1338] {strides = array<i32>} : memref<2x40x1000xf32, #tpu.memory_space<vmem>>, vector<1x1x16xf32>,
        %get3A_1340 = vector.shape_cast %get3A_1339 : vector<1x1x16xf32> to vector<16xf32>
        %swap3A_1341 = arith.constant 0 : i32
        %swap3A_1342 = arith.constant 5 : i32
        %swap3A_1343 = arith.index_cast %swap3A_1341 : i32 to index
        %swap3A_1344 = arith.index_cast %swap3A_1342 : i32 to index
        %swap3A_1345 = arith.index_cast %mul3A_1258 : i32 to index
        %swap3A_1346 = tpu.vector_load %arg5[%swap3A_1343, %swap3A_1344, %swap3A_1345] {strides = array<i32>} : memref<2x22x1000xf32, #tpu.memory_space<vmem>>, vector<1x1x16xf32>,
        %swap3A_1347 = vector.shape_cast %swap3A_1346 : vector<1x1x16xf32> to vector<16xf32>
        %swap3A_1348 = vector.shape_cast %get3A_1340 : vector<16xf32> to vector<1x1x16xf32>
        tpu.vector_store %arg5[%swap3A_1343, %swap3A_1344, %swap3A_1345], %swap3A_1348 {strides = array<i32>} : memref<2x22x1000xf32, #tpu.memory_space<vmem>>, vector<1x1x16xf32>,
        %get3A_1349 = arith.constant 0 : i32
        %get3A_1350 = arith.constant 13 : i32
        %get3A_1351 = arith.index_cast %get3A_1349 : i32 to index
        %get3A_1352 = arith.index_cast %get3A_1350 : i32 to index
        %get3A_1353 = arith.index_cast %mul3A_1258 : i32 to index
        %get3A_1354 = tpu.vector_load %arg4[%get3A_1351, %get3A_1352, %get3A_1353] {strides = array<i32>} : memref<2x40x1000xf32, #tpu.memory_space<vmem>>, vector<1x1x16xf32>,
        %get3A_1355 = vector.shape_cast %get3A_1354 : vector<1x1x16xf32> to vector<16xf32>
        %swap3A_1356 = arith.constant 0 : i32
        %swap3A_1357 = arith.constant 6 : i32
        %swap3A_1358 = arith.index_cast %swap3A_1356 : i32 to index
        %swap3A_1359 = arith.index_cast %swap3A_1357 : i32 to index
        %swap3A_1360 = arith.index_cast %mul3A_1258 : i32 to index
        %swap3A_1361 = tpu.vector_load %arg5[%swap3A_1358, %swap3A_1359, %swap3A_1360] {strides = array<i32>} : memref<2x22x1000xf32, #tpu.memory_space<vmem>>, vector<1x1x16xf32>,
        %swap3A_1362 = vector.shape_cast %swap3A_1361 : vector<1x1x16xf32> to vector<16xf32>
        %swap3A_1363 = vector.shape_cast %get3A_1355 : vector<16xf32> to vector<1x1x16xf32>
        tpu.vector_store %arg5[%swap3A_1358, %swap3A_1359, %swap3A_1360], %swap3A_1363 {strides = array<i32>} : memref<2x22x1000xf32, #tpu.memory_space<vmem>>, vector<1x1x16xf32>,
        %get3A_1364 = arith.constant 0 : i32
        %get3A_1365 = arith.constant 14 : i32
        %get3A_1366 = arith.index_cast %get3A_1364 : i32 to index
        %get3A_1367 = arith.index_cast %get3A_1365 : i32 to index
        %get3A_1368 = arith.index_cast %mul3A_1258 : i32 to index
        %get3A_1369 = tpu.vector_load %arg4[%get3A_1366, %get3A_1367, %get3A_1368] {strides = array<i32>} : memref<2x40x1000xf32, #tpu.memory_space<vmem>>, vector<1x1x16xf32>,
        %get3A_1370 = vector.shape_cast %get3A_1369 : vector<1x1x16xf32> to vector<16xf32>
        %swap3A_1371 = arith.constant 0 : i32
        %swap3A_1372 = arith.constant 7 : i32
        %swap3A_1373 = arith.index_cast %swap3A_1371 : i32 to index
        %swap3A_1374 = arith.index_cast %swap3A_1372 : i32 to index
        %swap3A_1375 = arith.index_cast %mul3A_1258 : i32 to index
        %swap3A_1376 = tpu.vector_load %arg5[%swap3A_1373, %swap3A_1374, %swap3A_1375] {strides = array<i32>} : memref<2x22x1000xf32, #tpu.memory_space<vmem>>, vector<1x1x16xf32>,
        %swap3A_1377 = vector.shape_cast %swap3A_1376 : vector<1x1x16xf32> to vector<16xf32>
        %swap3A_1378 = vector.shape_cast %get3A_1370 : vector<16xf32> to vector<1x1x16xf32>
        tpu.vector_store %arg5[%swap3A_1373, %swap3A_1374, %swap3A_1375], %swap3A_1378 {strides = array<i32>} : memref<2x22x1000xf32, #tpu.memory_space<vmem>>, vector<1x1x16xf32>,
        %get3A_1379 = arith.constant 0 : i32
        %get3A_1380 = arith.constant 15 : i32
        %get3A_1381 = arith.index_cast %get3A_1379 : i32 to index
        %get3A_1382 = arith.index_cast %get3A_1380 : i32 to index
        %get3A_1383 = arith.index_cast %mul3A_1258 : i32 to index
        %get3A_1384 = tpu.vector_load %arg4[%get3A_1381, %get3A_1382, %get3A_1383] {strides = array<i32>} : memref<2x40x1000xf32, #tpu.memory_space<vmem>>, vector<1x1x16xf32>,
        %get3A_1385 = vector.shape_cast %get3A_1384 : vector<1x1x16xf32> to vector<16xf32>
        %swap3A_1386 = arith.constant 0 : i32
        %swap3A_1387 = arith.constant 8 : i32
        %swap3A_1388 = arith.index_cast %swap3A_1386 : i32 to index
        %swap3A_1389 = arith.index_cast %swap3A_1387 : i32 to index
        %swap3A_1390 = arith.index_cast %mul3A_1258 : i32 to index
        %swap3A_1391 = tpu.vector_load %arg5[%swap3A_1388, %swap3A_1389, %swap3A_1390] {strides = array<i32>} : memref<2x22x1000xf32, #tpu.memory_space<vmem>>, vector<1x1x16xf32>,
        %swap3A_1392 = vector.shape_cast %swap3A_1391 : vector<1x1x16xf32> to vector<16xf32>
        %swap3A_1393 = vector.shape_cast %get3A_1385 : vector<16xf32> to vector<1x1x16xf32>
        tpu.vector_store %arg5[%swap3A_1388, %swap3A_1389, %swap3A_1390], %swap3A_1393 {strides = array<i32>} : memref<2x22x1000xf32, #tpu.memory_space<vmem>>, vector<1x1x16xf32>,
        %get3A_1394 = arith.constant 0 : i32
        %get3A_1395 = arith.constant 16 : i32
        %get3A_1396 = arith.index_cast %get3A_1394 : i32 to index
        %get3A_1397 = arith.index_cast %get3A_1395 : i32 to index
        %get3A_1398 = arith.index_cast %mul3A_1258 : i32 to index
        %get3A_1399 = tpu.vector_load %arg4[%get3A_1396, %get3A_1397, %get3A_1398] {strides = array<i32>} : memref<2x40x1000xf32, #tpu.memory_space<vmem>>, vector<1x1x16xf32>,
        %get3A_1400 = vector.shape_cast %get3A_1399 : vector<1x1x16xf32> to vector<16xf32>
        %swap3A_1401 = arith.constant 0 : i32
        %swap3A_1402 = arith.constant 9 : i32
        %swap3A_1403 = arith.index_cast %swap3A_1401 : i32 to index
        %swap3A_1404 = arith.index_cast %swap3A_1402 : i32 to index
        %swap3A_1405 = arith.index_cast %mul3A_1258 : i32 to index
        %swap3A_1406 = tpu.vector_load %arg5[%swap3A_1403, %swap3A_1404, %swap3A_1405] {strides = array<i32>} : memref<2x22x1000xf32, #tpu.memory_space<vmem>>, vector<1x1x16xf32>,
        %swap3A_1407 = vector.shape_cast %swap3A_1406 : vector<1x1x16xf32> to vector<16xf32>
        %swap3A_1408 = vector.shape_cast %get3A_1400 : vector<16xf32> to vector<1x1x16xf32>
        tpu.vector_store %arg5[%swap3A_1403, %swap3A_1404, %swap3A_1405], %swap3A_1408 {strides = array<i32>} : memref<2x22x1000xf32, #tpu.memory_space<vmem>>, vector<1x1x16xf32>,
        %get3A_1409 = arith.constant 0 : i32
        %get3A_1410 = arith.constant 19 : i32
        %get3A_1411 = arith.index_cast %get3A_1409 : i32 to index
        %get3A_1412 = arith.index_cast %get3A_1410 : i32 to index
        %get3A_1413 = arith.index_cast %mul3A_1258 : i32 to index
        %get3A_1414 = tpu.vector_load %arg4[%get3A_1411, %get3A_1412, %get3A_1413] {strides = array<i32>} : memref<2x40x1000xf32, #tpu.memory_space<vmem>>, vector<1x1x16xf32>,
        %get3A_1415 = vector.shape_cast %get3A_1414 : vector<1x1x16xf32> to vector<16xf32>
        %swap3A_1416 = arith.constant 0 : i32
        %swap3A_1417 = arith.constant 10 : i32
        %swap3A_1418 = arith.index_cast %swap3A_1416 : i32 to index
        %swap3A_1419 = arith.index_cast %swap3A_1417 : i32 to index
        %swap3A_1420 = arith.index_cast %mul3A_1258 : i32 to index
        %swap3A_1421 = tpu.vector_load %arg5[%swap3A_1418, %swap3A_1419, %swap3A_1420] {strides = array<i32>} : memref<2x22x1000xf32, #tpu.memory_space<vmem>>, vector<1x1x16xf32>,
        %swap3A_1422 = vector.shape_cast %swap3A_1421 : vector<1x1x16xf32> to vector<16xf32>
        %swap3A_1423 = vector.shape_cast %get3A_1415 : vector<16xf32> to vector<1x1x16xf32>
        tpu.vector_store %arg5[%swap3A_1418, %swap3A_1419, %swap3A_1420], %swap3A_1423 {strides = array<i32>} : memref<2x22x1000xf32, #tpu.memory_space<vmem>>, vector<1x1x16xf32>,
        %get3A_1424 = arith.constant 0 : i32
        %get3A_1425 = arith.constant 20 : i32
        %get3A_1426 = arith.index_cast %get3A_1424 : i32 to index
        %get3A_1427 = arith.index_cast %get3A_1425 : i32 to index
        %get3A_1428 = arith.index_cast %mul3A_1258 : i32 to index
        %get3A_1429 = tpu.vector_load %arg4[%get3A_1426, %get3A_1427, %get3A_1428] {strides = array<i32>} : memref<2x40x1000xf32, #tpu.memory_space<vmem>>, vector<1x1x16xf32>,
        %get3A_1430 = vector.shape_cast %get3A_1429 : vector<1x1x16xf32> to vector<16xf32>
        %swap3A_1431 = arith.constant 0 : i32
        %swap3A_1432 = arith.constant 11 : i32
        %swap3A_1433 = arith.index_cast %swap3A_1431 : i32 to index
        %swap3A_1434 = arith.index_cast %swap3A_1432 : i32 to index
        %swap3A_1435 = arith.index_cast %mul3A_1258 : i32 to index
        %swap3A_1436 = tpu.vector_load %arg5[%swap3A_1433, %swap3A_1434, %swap3A_1435] {strides = array<i32>} : memref<2x22x1000xf32, #tpu.memory_space<vmem>>, vector<1x1x16xf32>,
        %swap3A_1437 = vector.shape_cast %swap3A_1436 : vector<1x1x16xf32> to vector<16xf32>
        %swap3A_1438 = vector.shape_cast %get3A_1430 : vector<16xf32> to vector<1x1x16xf32>
        tpu.vector_store %arg5[%swap3A_1433, %swap3A_1434, %swap3A_1435], %swap3A_1438 {strides = array<i32>} : memref<2x22x1000xf32, #tpu.memory_space<vmem>>, vector<1x1x16xf32>,
        %get3A_1439 = arith.constant 0 : i32
        %get3A_1440 = arith.constant 22 : i32
        %get3A_1441 = arith.index_cast %get3A_1439 : i32 to index
        %get3A_1442 = arith.index_cast %get3A_1440 : i32 to index
        %get3A_1443 = arith.index_cast %mul3A_1258 : i32 to index
        %get3A_1444 = tpu.vector_load %arg4[%get3A_1441, %get3A_1442, %get3A_1443] {strides = array<i32>} : memref<2x40x1000xf32, #tpu.memory_space<vmem>>, vector<1x1x16xf32>,
        %get3A_1445 = vector.shape_cast %get3A_1444 : vector<1x1x16xf32> to vector<16xf32>
        %swap3A_1446 = arith.constant 0 : i32
        %swap3A_1447 = arith.constant 12 : i32
        %swap3A_1448 = arith.index_cast %swap3A_1446 : i32 to index
        %swap3A_1449 = arith.index_cast %swap3A_1447 : i32 to index
        %swap3A_1450 = arith.index_cast %mul3A_1258 : i32 to index
        %swap3A_1451 = tpu.vector_load %arg5[%swap3A_1448, %swap3A_1449, %swap3A_1450] {strides = array<i32>} : memref<2x22x1000xf32, #tpu.memory_space<vmem>>, vector<1x1x16xf32>,
        %swap3A_1452 = vector.shape_cast %swap3A_1451 : vector<1x1x16xf32> to vector<16xf32>
        %swap3A_1453 = vector.shape_cast %get3A_1445 : vector<16xf32> to vector<1x1x16xf32>
        tpu.vector_store %arg5[%swap3A_1448, %swap3A_1449, %swap3A_1450], %swap3A_1453 {strides = array<i32>} : memref<2x22x1000xf32, #tpu.memory_space<vmem>>, vector<1x1x16xf32>,
        %get3A_1454 = arith.constant 0 : i32
        %get3A_1455 = arith.constant 25 : i32
        %get3A_1456 = arith.index_cast %get3A_1454 : i32 to index
        %get3A_1457 = arith.index_cast %get3A_1455 : i32 to index
        %get3A_1458 = arith.index_cast %mul3A_1258 : i32 to index
        %get3A_1459 = tpu.vector_load %arg4[%get3A_1456, %get3A_1457, %get3A_1458] {strides = array<i32>} : memref<2x40x1000xf32, #tpu.memory_space<vmem>>, vector<1x1x16xf32>,
        %get3A_1460 = vector.shape_cast %get3A_1459 : vector<1x1x16xf32> to vector<16xf32>
        %swap3A_1461 = arith.constant 0 : i32
        %swap3A_1462 = arith.constant 13 : i32
        %swap3A_1463 = arith.index_cast %swap3A_1461 : i32 to index
        %swap3A_1464 = arith.index_cast %swap3A_1462 : i32 to index
        %swap3A_1465 = arith.index_cast %mul3A_1258 : i32 to index
        %swap3A_1466 = tpu.vector_load %arg5[%swap3A_1463, %swap3A_1464, %swap3A_1465] {strides = array<i32>} : memref<2x22x1000xf32, #tpu.memory_space<vmem>>, vector<1x1x16xf32>,
        %swap3A_1467 = vector.shape_cast %swap3A_1466 : vector<1x1x16xf32> to vector<16xf32>
        %swap3A_1468 = vector.shape_cast %get3A_1460 : vector<16xf32> to vector<1x1x16xf32>
        tpu.vector_store %arg5[%swap3A_1463, %swap3A_1464, %swap3A_1465], %swap3A_1468 {strides = array<i32>} : memref<2x22x1000xf32, #tpu.memory_space<vmem>>, vector<1x1x16xf32>,
        %get3A_1469 = arith.constant 0 : i32
        %get3A_1470 = arith.constant 26 : i32
        %get3A_1471 = arith.index_cast %get3A_1469 : i32 to index
        %get3A_1472 = arith.index_cast %get3A_1470 : i32 to index
        %get3A_1473 = arith.index_cast %mul3A_1258 : i32 to index
        %get3A_1474 = tpu.vector_load %arg4[%get3A_1471, %get3A_1472, %get3A_1473] {strides = array<i32>} : memref<2x40x1000xf32, #tpu.memory_space<vmem>>, vector<1x1x16xf32>,
        %get3A_1475 = vector.shape_cast %get3A_1474 : vector<1x1x16xf32> to vector<16xf32>
        %swap3A_1476 = arith.constant 0 : i32
        %swap3A_1477 = arith.constant 14 : i32
        %swap3A_1478 = arith.index_cast %swap3A_1476 : i32 to index
        %swap3A_1479 = arith.index_cast %swap3A_1477 : i32 to index
        %swap3A_1480 = arith.index_cast %mul3A_1258 : i32 to index
        %swap3A_1481 = tpu.vector_load %arg5[%swap3A_1478, %swap3A_1479, %swap3A_1480] {strides = array<i32>} : memref<2x22x1000xf32, #tpu.memory_space<vmem>>, vector<1x1x16xf32>,
        %swap3A_1482 = vector.shape_cast %swap3A_1481 : vector<1x1x16xf32> to vector<16xf32>
        %swap3A_1483 = vector.shape_cast %get3A_1475 : vector<16xf32> to vector<1x1x16xf32>
        tpu.vector_store %arg5[%swap3A_1478, %swap3A_1479, %swap3A_1480], %swap3A_1483 {strides = array<i32>} : memref<2x22x1000xf32, #tpu.memory_space<vmem>>, vector<1x1x16xf32>,
        %get3A_1484 = arith.constant 0 : i32
        %get3A_1485 = arith.constant 27 : i32
        %get3A_1486 = arith.index_cast %get3A_1484 : i32 to index
        %get3A_1487 = arith.index_cast %get3A_1485 : i32 to index
        %get3A_1488 = arith.index_cast %mul3A_1258 : i32 to index
        %get3A_1489 = tpu.vector_load %arg4[%get3A_1486, %get3A_1487, %get3A_1488] {strides = array<i32>} : memref<2x40x1000xf32, #tpu.memory_space<vmem>>, vector<1x1x16xf32>,
        %get3A_1490 = vector.shape_cast %get3A_1489 : vector<1x1x16xf32> to vector<16xf32>
        %swap3A_1491 = arith.constant 0 : i32
        %swap3A_1492 = arith.constant 15 : i32
        %swap3A_1493 = arith.index_cast %swap3A_1491 : i32 to index
        %swap3A_1494 = arith.index_cast %swap3A_1492 : i32 to index
        %swap3A_1495 = arith.index_cast %mul3A_1258 : i32 to index
        %swap3A_1496 = tpu.vector_load %arg5[%swap3A_1493, %swap3A_1494, %swap3A_1495] {strides = array<i32>} : memref<2x22x1000xf32, #tpu.memory_space<vmem>>, vector<1x1x16xf32>,
        %swap3A_1497 = vector.shape_cast %swap3A_1496 : vector<1x1x16xf32> to vector<16xf32>
        %swap3A_1498 = vector.shape_cast %get3A_1490 : vector<16xf32> to vector<1x1x16xf32>
        tpu.vector_store %arg5[%swap3A_1493, %swap3A_1494, %swap3A_1495], %swap3A_1498 {strides = array<i32>} : memref<2x22x1000xf32, #tpu.memory_space<vmem>>, vector<1x1x16xf32>,
        %get3A_1499 = arith.constant 0 : i32
        %get3A_1500 = arith.constant 28 : i32
        %get3A_1501 = arith.index_cast %get3A_1499 : i32 to index
        %get3A_1502 = arith.index_cast %get3A_1500 : i32 to index
        %get3A_1503 = arith.index_cast %mul3A_1258 : i32 to index
        %get3A_1504 = tpu.vector_load %arg4[%get3A_1501, %get3A_1502, %get3A_1503] {strides = array<i32>} : memref<2x40x1000xf32, #tpu.memory_space<vmem>>, vector<1x1x16xf32>,
        %get3A_1505 = vector.shape_cast %get3A_1504 : vector<1x1x16xf32> to vector<16xf32>
        %swap3A_1506 = arith.constant 0 : i32
        %swap3A_1507 = arith.constant 16 : i32
        %swap3A_1508 = arith.index_cast %swap3A_1506 : i32 to index
        %swap3A_1509 = arith.index_cast %swap3A_1507 : i32 to index
        %swap3A_1510 = arith.index_cast %mul3A_1258 : i32 to index
        %swap3A_1511 = tpu.vector_load %arg5[%swap3A_1508, %swap3A_1509, %swap3A_1510] {strides = array<i32>} : memref<2x22x1000xf32, #tpu.memory_space<vmem>>, vector<1x1x16xf32>,
        %swap3A_1512 = vector.shape_cast %swap3A_1511 : vector<1x1x16xf32> to vector<16xf32>
        %swap3A_1513 = vector.shape_cast %get3A_1505 : vector<16xf32> to vector<1x1x16xf32>
        tpu.vector_store %arg5[%swap3A_1508, %swap3A_1509, %swap3A_1510], %swap3A_1513 {strides = array<i32>} : memref<2x22x1000xf32, #tpu.memory_space<vmem>>, vector<1x1x16xf32>,
        %get3A_1514 = arith.constant 0 : i32
        %get3A_1515 = arith.constant 31 : i32
        %get3A_1516 = arith.index_cast %get3A_1514 : i32 to index
        %get3A_1517 = arith.index_cast %get3A_1515 : i32 to index
        %get3A_1518 = arith.index_cast %mul3A_1258 : i32 to index
        %get3A_1519 = tpu.vector_load %arg4[%get3A_1516, %get3A_1517, %get3A_1518] {strides = array<i32>} : memref<2x40x1000xf32, #tpu.memory_space<vmem>>, vector<1x1x16xf32>,
        %get3A_1520 = vector.shape_cast %get3A_1519 : vector<1x1x16xf32> to vector<16xf32>
        %swap3A_1521 = arith.constant 0 : i32
        %swap3A_1522 = arith.constant 17 : i32
        %swap3A_1523 = arith.index_cast %swap3A_1521 : i32 to index
        %swap3A_1524 = arith.index_cast %swap3A_1522 : i32 to index
        %swap3A_1525 = arith.index_cast %mul3A_1258 : i32 to index
        %swap3A_1526 = tpu.vector_load %arg5[%swap3A_1523, %swap3A_1524, %swap3A_1525] {strides = array<i32>} : memref<2x22x1000xf32, #tpu.memory_space<vmem>>, vector<1x1x16xf32>,
        %swap3A_1527 = vector.shape_cast %swap3A_1526 : vector<1x1x16xf32> to vector<16xf32>
        %swap3A_1528 = vector.shape_cast %get3A_1520 : vector<16xf32> to vector<1x1x16xf32>
        tpu.vector_store %arg5[%swap3A_1523, %swap3A_1524, %swap3A_1525], %swap3A_1528 {strides = array<i32>} : memref<2x22x1000xf32, #tpu.memory_space<vmem>>, vector<1x1x16xf32>,
        %get3A_1529 = arith.constant 0 : i32
        %get3A_1530 = arith.constant 32 : i32
        %get3A_1531 = arith.index_cast %get3A_1529 : i32 to index
        %get3A_1532 = arith.index_cast %get3A_1530 : i32 to index
        %get3A_1533 = arith.index_cast %mul3A_1258 : i32 to index
        %get3A_1534 = tpu.vector_load %arg4[%get3A_1531, %get3A_1532, %get3A_1533] {strides = array<i32>} : memref<2x40x1000xf32, #tpu.memory_space<vmem>>, vector<1x1x16xf32>,
        %get3A_1535 = vector.shape_cast %get3A_1534 : vector<1x1x16xf32> to vector<16xf32>
        %swap3A_1536 = arith.constant 0 : i32
        %swap3A_1537 = arith.constant 18 : i32
        %swap3A_1538 = arith.index_cast %swap3A_1536 : i32 to index
        %swap3A_1539 = arith.index_cast %swap3A_1537 : i32 to index
        %swap3A_1540 = arith.index_cast %mul3A_1258 : i32 to index
        %swap3A_1541 = tpu.vector_load %arg5[%swap3A_1538, %swap3A_1539, %swap3A_1540] {strides = array<i32>} : memref<2x22x1000xf32, #tpu.memory_space<vmem>>, vector<1x1x16xf32>,
        %swap3A_1542 = vector.shape_cast %swap3A_1541 : vector<1x1x16xf32> to vector<16xf32>
        %swap3A_1543 = vector.shape_cast %get3A_1535 : vector<16xf32> to vector<1x1x16xf32>
        tpu.vector_store %arg5[%swap3A_1538, %swap3A_1539, %swap3A_1540], %swap3A_1543 {strides = array<i32>} : memref<2x22x1000xf32, #tpu.memory_space<vmem>>, vector<1x1x16xf32>,
        %get3A_1544 = arith.constant 0 : i32
        %get3A_1545 = arith.constant 33 : i32
        %get3A_1546 = arith.index_cast %get3A_1544 : i32 to index
        %get3A_1547 = arith.index_cast %get3A_1545 : i32 to index
        %get3A_1548 = arith.index_cast %mul3A_1258 : i32 to index
        %get3A_1549 = tpu.vector_load %arg4[%get3A_1546, %get3A_1547, %get3A_1548] {strides = array<i32>} : memref<2x40x1000xf32, #tpu.memory_space<vmem>>, vector<1x1x16xf32>,
        %get3A_1550 = vector.shape_cast %get3A_1549 : vector<1x1x16xf32> to vector<16xf32>
        %swap3A_1551 = arith.constant 0 : i32
        %swap3A_1552 = arith.constant 19 : i32
        %swap3A_1553 = arith.index_cast %swap3A_1551 : i32 to index
        %swap3A_1554 = arith.index_cast %swap3A_1552 : i32 to index
        %swap3A_1555 = arith.index_cast %mul3A_1258 : i32 to index
        %swap3A_1556 = tpu.vector_load %arg5[%swap3A_1553, %swap3A_1554, %swap3A_1555] {strides = array<i32>} : memref<2x22x1000xf32, #tpu.memory_space<vmem>>, vector<1x1x16xf32>,
        %swap3A_1557 = vector.shape_cast %swap3A_1556 : vector<1x1x16xf32> to vector<16xf32>
        %swap3A_1558 = vector.shape_cast %get3A_1550 : vector<16xf32> to vector<1x1x16xf32>
        tpu.vector_store %arg5[%swap3A_1553, %swap3A_1554, %swap3A_1555], %swap3A_1558 {strides = array<i32>} : memref<2x22x1000xf32, #tpu.memory_space<vmem>>, vector<1x1x16xf32>,
        %get3A_1559 = arith.constant 0 : i32
        %get3A_1560 = arith.constant 34 : i32
        %get3A_1561 = arith.index_cast %get3A_1559 : i32 to index
        %get3A_1562 = arith.index_cast %get3A_1560 : i32 to index
        %get3A_1563 = arith.index_cast %mul3A_1258 : i32 to index
        %get3A_1564 = tpu.vector_load %arg4[%get3A_1561, %get3A_1562, %get3A_1563] {strides = array<i32>} : memref<2x40x1000xf32, #tpu.memory_space<vmem>>, vector<1x1x16xf32>,
        %get3A_1565 = vector.shape_cast %get3A_1564 : vector<1x1x16xf32> to vector<16xf32>
        %swap3A_1566 = arith.constant 0 : i32
        %swap3A_1567 = arith.constant 20 : i32
        %swap3A_1568 = arith.index_cast %swap3A_1566 : i32 to index
        %swap3A_1569 = arith.index_cast %swap3A_1567 : i32 to index
        %swap3A_1570 = arith.index_cast %mul3A_1258 : i32 to index
        %swap3A_1571 = tpu.vector_load %arg5[%swap3A_1568, %swap3A_1569, %swap3A_1570] {strides = array<i32>} : memref<2x22x1000xf32, #tpu.memory_space<vmem>>, vector<1x1x16xf32>,
        %swap3A_1572 = vector.shape_cast %swap3A_1571 : vector<1x1x16xf32> to vector<16xf32>
        %swap3A_1573 = vector.shape_cast %get3A_1565 : vector<16xf32> to vector<1x1x16xf32>
        tpu.vector_store %arg5[%swap3A_1568, %swap3A_1569, %swap3A_1570], %swap3A_1573 {strides = array<i32>} : memref<2x22x1000xf32, #tpu.memory_space<vmem>>, vector<1x1x16xf32>,
        %get3A_1574 = arith.constant 0 : i32
        %get3A_1575 = arith.constant 35 : i32
        %get3A_1576 = arith.index_cast %get3A_1574 : i32 to index
        %get3A_1577 = arith.index_cast %get3A_1575 : i32 to index
        %get3A_1578 = arith.index_cast %mul3A_1258 : i32 to index
        %get3A_1579 = tpu.vector_load %arg4[%get3A_1576, %get3A_1577, %get3A_1578] {strides = array<i32>} : memref<2x40x1000xf32, #tpu.memory_space<vmem>>, vector<1x1x16xf32>,
        %get3A_1580 = vector.shape_cast %get3A_1579 : vector<1x1x16xf32> to vector<16xf32>
        %swap3A_1581 = arith.constant 0 : i32
        %swap3A_1582 = arith.constant 21 : i32
        %swap3A_1583 = arith.index_cast %swap3A_1581 : i32 to index
        %swap3A_1584 = arith.index_cast %swap3A_1582 : i32 to index
        %swap3A_1585 = arith.index_cast %mul3A_1258 : i32 to index
        %swap3A_1586 = tpu.vector_load %arg5[%swap3A_1583, %swap3A_1584, %swap3A_1585] {strides = array<i32>} : memref<2x22x1000xf32, #tpu.memory_space<vmem>>, vector<1x1x16xf32>,
        %swap3A_1587 = vector.shape_cast %swap3A_1586 : vector<1x1x16xf32> to vector<16xf32>
        %swap3A_1588 = vector.shape_cast %get3A_1580 : vector<16xf32> to vector<1x1x16xf32>
        tpu.vector_store %arg5[%swap3A_1583, %swap3A_1584, %swap3A_1585], %swap3A_1588 {strides = array<i32>} : memref<2x22x1000xf32, #tpu.memory_space<vmem>>, vector<1x1x16xf32>,
      }
      %scan3A_385 = arith.constant 62 : i32
      %get3A = arith.constant 0 : i32
      %get3A_386 = arith.constant 21 : i32
      %get3A_387 = arith.index_cast %get3A : i32 to index
      %get3A_388 = arith.index_cast %get3A_386 : i32 to index
      %get3A_389 = arith.constant 984 : index
      %get3A_390 = tpu.vector_load %arg4[%get3A_387, %get3A_388, %get3A_389] {strides = array<i32>} : memref<2x40x1000xf32, #tpu.memory_space<vmem>>, vector<1x1x16xf32>,
      %get3A_391 = vector.shape_cast %get3A_390 : vector<1x1x16xf32> to vector<16xf32>
      %swap3A = arith.constant 0 : i32
      %swap3A_392 = arith.constant 0 : i32
      %swap3A_393 = arith.index_cast %swap3A : i32 to index
      %swap3A_394 = arith.index_cast %swap3A_392 : i32 to index
      %swap3A_395 = arith.constant 984 : index
      %swap3A_396 = tpu.vector_load %arg5[%swap3A_393, %swap3A_394, %swap3A_395] {strides = array<i32>} : memref<2x22x1000xf32, #tpu.memory_space<vmem>>, vector<1x1x16xf32>,
      %swap3A_397 = vector.shape_cast %swap3A_396 : vector<1x1x16xf32> to vector<16xf32>
      %swap3A_398 = vector.shape_cast %get3A_391 : vector<16xf32> to vector<1x1x16xf32>
      tpu.vector_store %arg5[%swap3A_393, %swap3A_394, %swap3A_395], %swap3A_398 {strides = array<i32>} : memref<2x22x1000xf32, #tpu.memory_space<vmem>>, vector<1x1x16xf32>,
      %get3A_399 = arith.constant 0 : i32
      %get3A_400 = arith.constant 6 : i32
      %get3A_401 = arith.index_cast %get3A_399 : i32 to index
      %get3A_402 = arith.index_cast %get3A_400 : i32 to index
      %get3A_403 = arith.constant 984 : index
      %get3A_404 = tpu.vector_load %arg4[%get3A_401, %get3A_402, %get3A_403] {strides = array<i32>} : memref<2x40x1000xf32, #tpu.memory_space<vmem>>, vector<1x1x16xf32>,
      %get3A_405 = vector.shape_cast %get3A_404 : vector<1x1x16xf32> to vector<16xf32>
      %swap3A_406 = arith.constant 0 : i32
      %swap3A_407 = arith.constant 1 : i32
      %swap3A_408 = arith.index_cast %swap3A_406 : i32 to index
      %swap3A_409 = arith.index_cast %swap3A_407 : i32 to index
      %swap3A_410 = arith.constant 984 : index
      %swap3A_411 = tpu.vector_load %arg5[%swap3A_408, %swap3A_409, %swap3A_410] {strides = array<i32>} : memref<2x22x1000xf32, #tpu.memory_space<vmem>>, vector<1x1x16xf32>,
      %swap3A_412 = vector.shape_cast %swap3A_411 : vector<1x1x16xf32> to vector<16xf32>
      %swap3A_413 = vector.shape_cast %get3A_405 : vector<16xf32> to vector<1x1x16xf32>
      tpu.vector_store %arg5[%swap3A_408, %swap3A_409, %swap3A_410], %swap3A_413 {strides = array<i32>} : memref<2x22x1000xf32, #tpu.memory_space<vmem>>, vector<1x1x16xf32>,
      %get3A_414 = arith.constant 0 : i32
      %get3A_415 = arith.constant 7 : i32
      %get3A_416 = arith.index_cast %get3A_414 : i32 to index
      %get3A_417 = arith.index_cast %get3A_415 : i32 to index
      %get3A_418 = arith.constant 984 : index
      %get3A_419 = tpu.vector_load %arg4[%get3A_416, %get3A_417, %get3A_418] {strides = array<i32>} : memref<2x40x1000xf32, #tpu.memory_space<vmem>>, vector<1x1x16xf32>,
      %get3A_420 = vector.shape_cast %get3A_419 : vector<1x1x16xf32> to vector<16xf32>
      %swap3A_421 = arith.constant 0 : i32
      %swap3A_422 = arith.constant 2 : i32
      %swap3A_423 = arith.index_cast %swap3A_421 : i32 to index
      %swap3A_424 = arith.index_cast %swap3A_422 : i32 to index
      %swap3A_425 = arith.constant 984 : index
      %swap3A_426 = tpu.vector_load %arg5[%swap3A_423, %swap3A_424, %swap3A_425] {strides = array<i32>} : memref<2x22x1000xf32, #tpu.memory_space<vmem>>, vector<1x1x16xf32>,
      %swap3A_427 = vector.shape_cast %swap3A_426 : vector<1x1x16xf32> to vector<16xf32>
      %swap3A_428 = vector.shape_cast %get3A_420 : vector<16xf32> to vector<1x1x16xf32>
      tpu.vector_store %arg5[%swap3A_423, %swap3A_424, %swap3A_425], %swap3A_428 {strides = array<i32>} : memref<2x22x1000xf32, #tpu.memory_space<vmem>>, vector<1x1x16xf32>,
      %get3A_429 = arith.constant 0 : i32
      %get3A_430 = arith.constant 8 : i32
      %get3A_431 = arith.index_cast %get3A_429 : i32 to index
      %get3A_432 = arith.index_cast %get3A_430 : i32 to index
      %get3A_433 = arith.constant 984 : index
      %get3A_434 = tpu.vector_load %arg4[%get3A_431, %get3A_432, %get3A_433] {strides = array<i32>} : memref<2x40x1000xf32, #tpu.memory_space<vmem>>, vector<1x1x16xf32>,
      %get3A_435 = vector.shape_cast %get3A_434 : vector<1x1x16xf32> to vector<16xf32>
      %swap3A_436 = arith.constant 0 : i32
      %swap3A_437 = arith.constant 3 : i32
      %swap3A_438 = arith.index_cast %swap3A_436 : i32 to index
      %swap3A_439 = arith.index_cast %swap3A_437 : i32 to index
      %swap3A_440 = arith.constant 984 : index
      %swap3A_441 = tpu.vector_load %arg5[%swap3A_438, %swap3A_439, %swap3A_440] {strides = array<i32>} : memref<2x22x1000xf32, #tpu.memory_space<vmem>>, vector<1x1x16xf32>,
      %swap3A_442 = vector.shape_cast %swap3A_441 : vector<1x1x16xf32> to vector<16xf32>
      %swap3A_443 = vector.shape_cast %get3A_435 : vector<16xf32> to vector<1x1x16xf32>
      tpu.vector_store %arg5[%swap3A_438, %swap3A_439, %swap3A_440], %swap3A_443 {strides = array<i32>} : memref<2x22x1000xf32, #tpu.memory_space<vmem>>, vector<1x1x16xf32>,
      %get3A_444 = arith.constant 0 : i32
      %get3A_445 = arith.constant 9 : i32
      %get3A_446 = arith.index_cast %get3A_444 : i32 to index
      %get3A_447 = arith.index_cast %get3A_445 : i32 to index
      %get3A_448 = arith.constant 984 : index
      %get3A_449 = tpu.vector_load %arg4[%get3A_446, %get3A_447, %get3A_448] {strides = array<i32>} : memref<2x40x1000xf32, #tpu.memory_space<vmem>>, vector<1x1x16xf32>,
      %get3A_450 = vector.shape_cast %get3A_449 : vector<1x1x16xf32> to vector<16xf32>
      %swap3A_451 = arith.constant 0 : i32
      %swap3A_452 = arith.constant 4 : i32
      %swap3A_453 = arith.index_cast %swap3A_451 : i32 to index
      %swap3A_454 = arith.index_cast %swap3A_452 : i32 to index
      %swap3A_455 = arith.constant 984 : index
      %swap3A_456 = tpu.vector_load %arg5[%swap3A_453, %swap3A_454, %swap3A_455] {strides = array<i32>} : memref<2x22x1000xf32, #tpu.memory_space<vmem>>, vector<1x1x16xf32>,
      %swap3A_457 = vector.shape_cast %swap3A_456 : vector<1x1x16xf32> to vector<16xf32>
      %swap3A_458 = vector.shape_cast %get3A_450 : vector<16xf32> to vector<1x1x16xf32>
      tpu.vector_store %arg5[%swap3A_453, %swap3A_454, %swap3A_455], %swap3A_458 {strides = array<i32>} : memref<2x22x1000xf32, #tpu.memory_space<vmem>>, vector<1x1x16xf32>,
      %get3A_459 = arith.constant 0 : i32
      %get3A_460 = arith.constant 10 : i32
      %get3A_461 = arith.index_cast %get3A_459 : i32 to index
      %get3A_462 = arith.index_cast %get3A_460 : i32 to index
      %get3A_463 = arith.constant 984 : index
      %get3A_464 = tpu.vector_load %arg4[%get3A_461, %get3A_462, %get3A_463] {strides = array<i32>} : memref<2x40x1000xf32, #tpu.memory_space<vmem>>, vector<1x1x16xf32>,
      %get3A_465 = vector.shape_cast %get3A_464 : vector<1x1x16xf32> to vector<16xf32>
      %swap3A_466 = arith.constant 0 : i32
      %swap3A_467 = arith.constant 5 : i32
      %swap3A_468 = arith.index_cast %swap3A_466 : i32 to index
      %swap3A_469 = arith.index_cast %swap3A_467 : i32 to index
      %swap3A_470 = arith.constant 984 : index
      %swap3A_471 = tpu.vector_load %arg5[%swap3A_468, %swap3A_469, %swap3A_470] {strides = array<i32>} : memref<2x22x1000xf32, #tpu.memory_space<vmem>>, vector<1x1x16xf32>,
      %swap3A_472 = vector.shape_cast %swap3A_471 : vector<1x1x16xf32> to vector<16xf32>
      %swap3A_473 = vector.shape_cast %get3A_465 : vector<16xf32> to vector<1x1x16xf32>
      tpu.vector_store %arg5[%swap3A_468, %swap3A_469, %swap3A_470], %swap3A_473 {strides = array<i32>} : memref<2x22x1000xf32, #tpu.memory_space<vmem>>, vector<1x1x16xf32>,
      %get3A_474 = arith.constant 0 : i32
      %get3A_475 = arith.constant 13 : i32
      %get3A_476 = arith.index_cast %get3A_474 : i32 to index
      %get3A_477 = arith.index_cast %get3A_475 : i32 to index
      %get3A_478 = arith.constant 984 : index
      %get3A_479 = tpu.vector_load %arg4[%get3A_476, %get3A_477, %get3A_478] {strides = array<i32>} : memref<2x40x1000xf32, #tpu.memory_space<vmem>>, vector<1x1x16xf32>,
      %get3A_480 = vector.shape_cast %get3A_479 : vector<1x1x16xf32> to vector<16xf32>
      %swap3A_481 = arith.constant 0 : i32
      %swap3A_482 = arith.constant 6 : i32
      %swap3A_483 = arith.index_cast %swap3A_481 : i32 to index
      %swap3A_484 = arith.index_cast %swap3A_482 : i32 to index
      %swap3A_485 = arith.constant 984 : index
      %swap3A_486 = tpu.vector_load %arg5[%swap3A_483, %swap3A_484, %swap3A_485] {strides = array<i32>} : memref<2x22x1000xf32, #tpu.memory_space<vmem>>, vector<1x1x16xf32>,
      %swap3A_487 = vector.shape_cast %swap3A_486 : vector<1x1x16xf32> to vector<16xf32>
      %swap3A_488 = vector.shape_cast %get3A_480 : vector<16xf32> to vector<1x1x16xf32>
      tpu.vector_store %arg5[%swap3A_483, %swap3A_484, %swap3A_485], %swap3A_488 {strides = array<i32>} : memref<2x22x1000xf32, #tpu.memory_space<vmem>>, vector<1x1x16xf32>,
      %get3A_489 = arith.constant 0 : i32
      %get3A_490 = arith.constant 14 : i32
      %get3A_491 = arith.index_cast %get3A_489 : i32 to index
      %get3A_492 = arith.index_cast %get3A_490 : i32 to index
      %get3A_493 = arith.constant 984 : index
      %get3A_494 = tpu.vector_load %arg4[%get3A_491, %get3A_492, %get3A_493] {strides = array<i32>} : memref<2x40x1000xf32, #tpu.memory_space<vmem>>, vector<1x1x16xf32>,
      %get3A_495 = vector.shape_cast %get3A_494 : vector<1x1x16xf32> to vector<16xf32>
      %swap3A_496 = arith.constant 0 : i32
      %swap3A_497 = arith.constant 7 : i32
      %swap3A_498 = arith.index_cast %swap3A_496 : i32 to index
      %swap3A_499 = arith.index_cast %swap3A_497 : i32 to index
      %swap3A_500 = arith.constant 984 : index
      %swap3A_501 = tpu.vector_load %arg5[%swap3A_498, %swap3A_499, %swap3A_500] {strides = array<i32>} : memref<2x22x1000xf32, #tpu.memory_space<vmem>>, vector<1x1x16xf32>,
      %swap3A_502 = vector.shape_cast %swap3A_501 : vector<1x1x16xf32> to vector<16xf32>
      %swap3A_503 = vector.shape_cast %get3A_495 : vector<16xf32> to vector<1x1x16xf32>
      tpu.vector_store %arg5[%swap3A_498, %swap3A_499, %swap3A_500], %swap3A_503 {strides = array<i32>} : memref<2x22x1000xf32, #tpu.memory_space<vmem>>, vector<1x1x16xf32>,
      %get3A_504 = arith.constant 0 : i32
      %get3A_505 = arith.constant 15 : i32
      %get3A_506 = arith.index_cast %get3A_504 : i32 to index
      %get3A_507 = arith.index_cast %get3A_505 : i32 to index
      %get3A_508 = arith.constant 984 : index
      %get3A_509 = tpu.vector_load %arg4[%get3A_506, %get3A_507, %get3A_508] {strides = array<i32>} : memref<2x40x1000xf32, #tpu.memory_space<vmem>>, vector<1x1x16xf32>,
      %get3A_510 = vector.shape_cast %get3A_509 : vector<1x1x16xf32> to vector<16xf32>
      %swap3A_511 = arith.constant 0 : i32
      %swap3A_512 = arith.constant 8 : i32
      %swap3A_513 = arith.index_cast %swap3A_511 : i32 to index
      %swap3A_514 = arith.index_cast %swap3A_512 : i32 to index
      %swap3A_515 = arith.constant 984 : index
      %swap3A_516 = tpu.vector_load %arg5[%swap3A_513, %swap3A_514, %swap3A_515] {strides = array<i32>} : memref<2x22x1000xf32, #tpu.memory_space<vmem>>, vector<1x1x16xf32>,
      %swap3A_517 = vector.shape_cast %swap3A_516 : vector<1x1x16xf32> to vector<16xf32>
      %swap3A_518 = vector.shape_cast %get3A_510 : vector<16xf32> to vector<1x1x16xf32>
      tpu.vector_store %arg5[%swap3A_513, %swap3A_514, %swap3A_515], %swap3A_518 {strides = array<i32>} : memref<2x22x1000xf32, #tpu.memory_space<vmem>>, vector<1x1x16xf32>,
      %get3A_519 = arith.constant 0 : i32
      %get3A_520 = arith.constant 16 : i32
      %get3A_521 = arith.index_cast %get3A_519 : i32 to index
      %get3A_522 = arith.index_cast %get3A_520 : i32 to index
      %get3A_523 = arith.constant 984 : index
      %get3A_524 = tpu.vector_load %arg4[%get3A_521, %get3A_522, %get3A_523] {strides = array<i32>} : memref<2x40x1000xf32, #tpu.memory_space<vmem>>, vector<1x1x16xf32>,
      %get3A_525 = vector.shape_cast %get3A_524 : vector<1x1x16xf32> to vector<16xf32>
      %swap3A_526 = arith.constant 0 : i32
      %swap3A_527 = arith.constant 9 : i32
      %swap3A_528 = arith.index_cast %swap3A_526 : i32 to index
      %swap3A_529 = arith.index_cast %swap3A_527 : i32 to index
      %swap3A_530 = arith.constant 984 : index
      %swap3A_531 = tpu.vector_load %arg5[%swap3A_528, %swap3A_529, %swap3A_530] {strides = array<i32>} : memref<2x22x1000xf32, #tpu.memory_space<vmem>>, vector<1x1x16xf32>,
      %swap3A_532 = vector.shape_cast %swap3A_531 : vector<1x1x16xf32> to vector<16xf32>
      %swap3A_533 = vector.shape_cast %get3A_525 : vector<16xf32> to vector<1x1x16xf32>
      tpu.vector_store %arg5[%swap3A_528, %swap3A_529, %swap3A_530], %swap3A_533 {strides = array<i32>} : memref<2x22x1000xf32, #tpu.memory_space<vmem>>, vector<1x1x16xf32>,
      %get3A_534 = arith.constant 0 : i32
      %get3A_535 = arith.constant 19 : i32
      %get3A_536 = arith.index_cast %get3A_534 : i32 to index
      %get3A_537 = arith.index_cast %get3A_535 : i32 to index
      %get3A_538 = arith.constant 984 : index
      %get3A_539 = tpu.vector_load %arg4[%get3A_536, %get3A_537, %get3A_538] {strides = array<i32>} : memref<2x40x1000xf32, #tpu.memory_space<vmem>>, vector<1x1x16xf32>,
      %get3A_540 = vector.shape_cast %get3A_539 : vector<1x1x16xf32> to vector<16xf32>
      %swap3A_541 = arith.constant 0 : i32
      %swap3A_542 = arith.constant 10 : i32
      %swap3A_543 = arith.index_cast %swap3A_541 : i32 to index
      %swap3A_544 = arith.index_cast %swap3A_542 : i32 to index
      %swap3A_545 = arith.constant 984 : index
      %swap3A_546 = tpu.vector_load %arg5[%swap3A_543, %swap3A_544, %swap3A_545] {strides = array<i32>} : memref<2x22x1000xf32, #tpu.memory_space<vmem>>, vector<1x1x16xf32>,
      %swap3A_547 = vector.shape_cast %swap3A_546 : vector<1x1x16xf32> to vector<16xf32>
      %swap3A_548 = vector.shape_cast %get3A_540 : vector<16xf32> to vector<1x1x16xf32>
      tpu.vector_store %arg5[%swap3A_543, %swap3A_544, %swap3A_545], %swap3A_548 {strides = array<i32>} : memref<2x22x1000xf32, #tpu.memory_space<vmem>>, vector<1x1x16xf32>,
      %get3A_549 = arith.constant 0 : i32
      %get3A_550 = arith.constant 20 : i32
      %get3A_551 = arith.index_cast %get3A_549 : i32 to index
      %get3A_552 = arith.index_cast %get3A_550 : i32 to index
      %get3A_553 = arith.constant 984 : index
      %get3A_554 = tpu.vector_load %arg4[%get3A_551, %get3A_552, %get3A_553] {strides = array<i32>} : memref<2x40x1000xf32, #tpu.memory_space<vmem>>, vector<1x1x16xf32>,
      %get3A_555 = vector.shape_cast %get3A_554 : vector<1x1x16xf32> to vector<16xf32>
      %swap3A_556 = arith.constant 0 : i32
      %swap3A_557 = arith.constant 11 : i32
      %swap3A_558 = arith.index_cast %swap3A_556 : i32 to index
      %swap3A_559 = arith.index_cast %swap3A_557 : i32 to index
      %swap3A_560 = arith.constant 984 : index
      %swap3A_561 = tpu.vector_load %arg5[%swap3A_558, %swap3A_559, %swap3A_560] {strides = array<i32>} : memref<2x22x1000xf32, #tpu.memory_space<vmem>>, vector<1x1x16xf32>,
      %swap3A_562 = vector.shape_cast %swap3A_561 : vector<1x1x16xf32> to vector<16xf32>
      %swap3A_563 = vector.shape_cast %get3A_555 : vector<16xf32> to vector<1x1x16xf32>
      tpu.vector_store %arg5[%swap3A_558, %swap3A_559, %swap3A_560], %swap3A_563 {strides = array<i32>} : memref<2x22x1000xf32, #tpu.memory_space<vmem>>, vector<1x1x16xf32>,
      %get3A_564 = arith.constant 0 : i32
      %get3A_565 = arith.constant 22 : i32
      %get3A_566 = arith.index_cast %get3A_564 : i32 to index
      %get3A_567 = arith.index_cast %get3A_565 : i32 to index
      %get3A_568 = arith.constant 984 : index
      %get3A_569 = tpu.vector_load %arg4[%get3A_566, %get3A_567, %get3A_568] {strides = array<i32>} : memref<2x40x1000xf32, #tpu.memory_space<vmem>>, vector<1x1x16xf32>,
      %get3A_570 = vector.shape_cast %get3A_569 : vector<1x1x16xf32> to vector<16xf32>
      %swap3A_571 = arith.constant 0 : i32
      %swap3A_572 = arith.constant 12 : i32
      %swap3A_573 = arith.index_cast %swap3A_571 : i32 to index
      %swap3A_574 = arith.index_cast %swap3A_572 : i32 to index
      %swap3A_575 = arith.constant 984 : index
      %swap3A_576 = tpu.vector_load %arg5[%swap3A_573, %swap3A_574, %swap3A_575] {strides = array<i32>} : memref<2x22x1000xf32, #tpu.memory_space<vmem>>, vector<1x1x16xf32>,
      %swap3A_577 = vector.shape_cast %swap3A_576 : vector<1x1x16xf32> to vector<16xf32>
      %swap3A_578 = vector.shape_cast %get3A_570 : vector<16xf32> to vector<1x1x16xf32>
      tpu.vector_store %arg5[%swap3A_573, %swap3A_574, %swap3A_575], %swap3A_578 {strides = array<i32>} : memref<2x22x1000xf32, #tpu.memory_space<vmem>>, vector<1x1x16xf32>,
      %get3A_579 = arith.constant 0 : i32
      %get3A_580 = arith.constant 25 : i32
      %get3A_581 = arith.index_cast %get3A_579 : i32 to index
      %get3A_582 = arith.index_cast %get3A_580 : i32 to index
      %get3A_583 = arith.constant 984 : index
      %get3A_584 = tpu.vector_load %arg4[%get3A_581, %get3A_582, %get3A_583] {strides = array<i32>} : memref<2x40x1000xf32, #tpu.memory_space<vmem>>, vector<1x1x16xf32>,
      %get3A_585 = vector.shape_cast %get3A_584 : vector<1x1x16xf32> to vector<16xf32>
      %swap3A_586 = arith.constant 0 : i32
      %swap3A_587 = arith.constant 13 : i32
      %swap3A_588 = arith.index_cast %swap3A_586 : i32 to index
      %swap3A_589 = arith.index_cast %swap3A_587 : i32 to index
      %swap3A_590 = arith.constant 984 : index
      %swap3A_591 = tpu.vector_load %arg5[%swap3A_588, %swap3A_589, %swap3A_590] {strides = array<i32>} : memref<2x22x1000xf32, #tpu.memory_space<vmem>>, vector<1x1x16xf32>,
      %swap3A_592 = vector.shape_cast %swap3A_591 : vector<1x1x16xf32> to vector<16xf32>
      %swap3A_593 = vector.shape_cast %get3A_585 : vector<16xf32> to vector<1x1x16xf32>
      tpu.vector_store %arg5[%swap3A_588, %swap3A_589, %swap3A_590], %swap3A_593 {strides = array<i32>} : memref<2x22x1000xf32, #tpu.memory_space<vmem>>, vector<1x1x16xf32>,
      %get3A_594 = arith.constant 0 : i32
      %get3A_595 = arith.constant 26 : i32
      %get3A_596 = arith.index_cast %get3A_594 : i32 to index
      %get3A_597 = arith.index_cast %get3A_595 : i32 to index
      %get3A_598 = arith.constant 984 : index
      %get3A_599 = tpu.vector_load %arg4[%get3A_596, %get3A_597, %get3A_598] {strides = array<i32>} : memref<2x40x1000xf32, #tpu.memory_space<vmem>>, vector<1x1x16xf32>,
      %get3A_600 = vector.shape_cast %get3A_599 : vector<1x1x16xf32> to vector<16xf32>
      %swap3A_601 = arith.constant 0 : i32
      %swap3A_602 = arith.constant 14 : i32
      %swap3A_603 = arith.index_cast %swap3A_601 : i32 to index
      %swap3A_604 = arith.index_cast %swap3A_602 : i32 to index
      %swap3A_605 = arith.constant 984 : index
      %swap3A_606 = tpu.vector_load %arg5[%swap3A_603, %swap3A_604, %swap3A_605] {strides = array<i32>} : memref<2x22x1000xf32, #tpu.memory_space<vmem>>, vector<1x1x16xf32>,
      %swap3A_607 = vector.shape_cast %swap3A_606 : vector<1x1x16xf32> to vector<16xf32>
      %swap3A_608 = vector.shape_cast %get3A_600 : vector<16xf32> to vector<1x1x16xf32>
      tpu.vector_store %arg5[%swap3A_603, %swap3A_604, %swap3A_605], %swap3A_608 {strides = array<i32>} : memref<2x22x1000xf32, #tpu.memory_space<vmem>>, vector<1x1x16xf32>,
      %get3A_609 = arith.constant 0 : i32
      %get3A_610 = arith.constant 27 : i32
      %get3A_611 = arith.index_cast %get3A_609 : i32 to index
      %get3A_612 = arith.index_cast %get3A_610 : i32 to index
      %get3A_613 = arith.constant 984 : index
      %get3A_614 = tpu.vector_load %arg4[%get3A_611, %get3A_612, %get3A_613] {strides = array<i32>} : memref<2x40x1000xf32, #tpu.memory_space<vmem>>, vector<1x1x16xf32>,
      %get3A_615 = vector.shape_cast %get3A_614 : vector<1x1x16xf32> to vector<16xf32>
      %swap3A_616 = arith.constant 0 : i32
      %swap3A_617 = arith.constant 15 : i32
      %swap3A_618 = arith.index_cast %swap3A_616 : i32 to index
      %swap3A_619 = arith.index_cast %swap3A_617 : i32 to index
      %swap3A_620 = arith.constant 984 : index
      %swap3A_621 = tpu.vector_load %arg5[%swap3A_618, %swap3A_619, %swap3A_620] {strides = array<i32>} : memref<2x22x1000xf32, #tpu.memory_space<vmem>>, vector<1x1x16xf32>,
      %swap3A_622 = vector.shape_cast %swap3A_621 : vector<1x1x16xf32> to vector<16xf32>
      %swap3A_623 = vector.shape_cast %get3A_615 : vector<16xf32> to vector<1x1x16xf32>
      tpu.vector_store %arg5[%swap3A_618, %swap3A_619, %swap3A_620], %swap3A_623 {strides = array<i32>} : memref<2x22x1000xf32, #tpu.memory_space<vmem>>, vector<1x1x16xf32>,
      %get3A_624 = arith.constant 0 : i32
      %get3A_625 = arith.constant 28 : i32
      %get3A_626 = arith.index_cast %get3A_624 : i32 to index
      %get3A_627 = arith.index_cast %get3A_625 : i32 to index
      %get3A_628 = arith.constant 984 : index
      %get3A_629 = tpu.vector_load %arg4[%get3A_626, %get3A_627, %get3A_628] {strides = array<i32>} : memref<2x40x1000xf32, #tpu.memory_space<vmem>>, vector<1x1x16xf32>,
      %get3A_630 = vector.shape_cast %get3A_629 : vector<1x1x16xf32> to vector<16xf32>
      %swap3A_631 = arith.constant 0 : i32
      %swap3A_632 = arith.constant 16 : i32
      %swap3A_633 = arith.index_cast %swap3A_631 : i32 to index
      %swap3A_634 = arith.index_cast %swap3A_632 : i32 to index
      %swap3A_635 = arith.constant 984 : index
      %swap3A_636 = tpu.vector_load %arg5[%swap3A_633, %swap3A_634, %swap3A_635] {strides = array<i32>} : memref<2x22x1000xf32, #tpu.memory_space<vmem>>, vector<1x1x16xf32>,
      %swap3A_637 = vector.shape_cast %swap3A_636 : vector<1x1x16xf32> to vector<16xf32>
      %swap3A_638 = vector.shape_cast %get3A_630 : vector<16xf32> to vector<1x1x16xf32>
      tpu.vector_store %arg5[%swap3A_633, %swap3A_634, %swap3A_635], %swap3A_638 {strides = array<i32>} : memref<2x22x1000xf32, #tpu.memory_space<vmem>>, vector<1x1x16xf32>,
      %get3A_639 = arith.constant 0 : i32
      %get3A_640 = arith.constant 31 : i32
      %get3A_641 = arith.index_cast %get3A_639 : i32 to index
      %get3A_642 = arith.index_cast %get3A_640 : i32 to index
      %get3A_643 = arith.constant 984 : index
      %get3A_644 = tpu.vector_load %arg4[%get3A_641, %get3A_642, %get3A_643] {strides = array<i32>} : memref<2x40x1000xf32, #tpu.memory_space<vmem>>, vector<1x1x16xf32>,
      %get3A_645 = vector.shape_cast %get3A_644 : vector<1x1x16xf32> to vector<16xf32>
      %swap3A_646 = arith.constant 0 : i32
      %swap3A_647 = arith.constant 17 : i32
      %swap3A_648 = arith.index_cast %swap3A_646 : i32 to index
      %swap3A_649 = arith.index_cast %swap3A_647 : i32 to index
      %swap3A_650 = arith.constant 984 : index
      %swap3A_651 = tpu.vector_load %arg5[%swap3A_648, %swap3A_649, %swap3A_650] {strides = array<i32>} : memref<2x22x1000xf32, #tpu.memory_space<vmem>>, vector<1x1x16xf32>,
      %swap3A_652 = vector.shape_cast %swap3A_651 : vector<1x1x16xf32> to vector<16xf32>
      %swap3A_653 = vector.shape_cast %get3A_645 : vector<16xf32> to vector<1x1x16xf32>
      tpu.vector_store %arg5[%swap3A_648, %swap3A_649, %swap3A_650], %swap3A_653 {strides = array<i32>} : memref<2x22x1000xf32, #tpu.memory_space<vmem>>, vector<1x1x16xf32>,
      %get3A_654 = arith.constant 0 : i32
      %get3A_655 = arith.constant 32 : i32
      %get3A_656 = arith.index_cast %get3A_654 : i32 to index
      %get3A_657 = arith.index_cast %get3A_655 : i32 to index
      %get3A_658 = arith.constant 984 : index
      %get3A_659 = tpu.vector_load %arg4[%get3A_656, %get3A_657, %get3A_658] {strides = array<i32>} : memref<2x40x1000xf32, #tpu.memory_space<vmem>>, vector<1x1x16xf32>,
      %get3A_660 = vector.shape_cast %get3A_659 : vector<1x1x16xf32> to vector<16xf32>
      %swap3A_661 = arith.constant 0 : i32
      %swap3A_662 = arith.constant 18 : i32
      %swap3A_663 = arith.index_cast %swap3A_661 : i32 to index
      %swap3A_664 = arith.index_cast %swap3A_662 : i32 to index
      %swap3A_665 = arith.constant 984 : index
      %swap3A_666 = tpu.vector_load %arg5[%swap3A_663, %swap3A_664, %swap3A_665] {strides = array<i32>} : memref<2x22x1000xf32, #tpu.memory_space<vmem>>, vector<1x1x16xf32>,
      %swap3A_667 = vector.shape_cast %swap3A_666 : vector<1x1x16xf32> to vector<16xf32>
      %swap3A_668 = vector.shape_cast %get3A_660 : vector<16xf32> to vector<1x1x16xf32>
      tpu.vector_store %arg5[%swap3A_663, %swap3A_664, %swap3A_665], %swap3A_668 {strides = array<i32>} : memref<2x22x1000xf32, #tpu.memory_space<vmem>>, vector<1x1x16xf32>,
      %get3A_669 = arith.constant 0 : i32
      %get3A_670 = arith.constant 33 : i32
      %get3A_671 = arith.index_cast %get3A_669 : i32 to index
      %get3A_672 = arith.index_cast %get3A_670 : i32 to index
      %get3A_673 = arith.constant 984 : index
      %get3A_674 = tpu.vector_load %arg4[%get3A_671, %get3A_672, %get3A_673] {strides = array<i32>} : memref<2x40x1000xf32, #tpu.memory_space<vmem>>, vector<1x1x16xf32>,
      %get3A_675 = vector.shape_cast %get3A_674 : vector<1x1x16xf32> to vector<16xf32>
      %swap3A_676 = arith.constant 0 : i32
      %swap3A_677 = arith.constant 19 : i32
      %swap3A_678 = arith.index_cast %swap3A_676 : i32 to index
      %swap3A_679 = arith.index_cast %swap3A_677 : i32 to index
      %swap3A_680 = arith.constant 984 : index
      %swap3A_681 = tpu.vector_load %arg5[%swap3A_678, %swap3A_679, %swap3A_680] {strides = array<i32>} : memref<2x22x1000xf32, #tpu.memory_space<vmem>>, vector<1x1x16xf32>,
      %swap3A_682 = vector.shape_cast %swap3A_681 : vector<1x1x16xf32> to vector<16xf32>
      %swap3A_683 = vector.shape_cast %get3A_675 : vector<16xf32> to vector<1x1x16xf32>
      tpu.vector_store %arg5[%swap3A_678, %swap3A_679, %swap3A_680], %swap3A_683 {strides = array<i32>} : memref<2x22x1000xf32, #tpu.memory_space<vmem>>, vector<1x1x16xf32>,
      %get3A_684 = arith.constant 0 : i32
      %get3A_685 = arith.constant 34 : i32
      %get3A_686 = arith.index_cast %get3A_684 : i32 to index
      %get3A_687 = arith.index_cast %get3A_685 : i32 to index
      %get3A_688 = arith.constant 984 : index
      %get3A_689 = tpu.vector_load %arg4[%get3A_686, %get3A_687, %get3A_688] {strides = array<i32>} : memref<2x40x1000xf32, #tpu.memory_space<vmem>>, vector<1x1x16xf32>,
      %get3A_690 = vector.shape_cast %get3A_689 : vector<1x1x16xf32> to vector<16xf32>
      %swap3A_691 = arith.constant 0 : i32
      %swap3A_692 = arith.constant 20 : i32
      %swap3A_693 = arith.index_cast %swap3A_691 : i32 to index
      %swap3A_694 = arith.index_cast %swap3A_692 : i32 to index
      %swap3A_695 = arith.constant 984 : index
      %swap3A_696 = tpu.vector_load %arg5[%swap3A_693, %swap3A_694, %swap3A_695] {strides = array<i32>} : memref<2x22x1000xf32, #tpu.memory_space<vmem>>, vector<1x1x16xf32>,
      %swap3A_697 = vector.shape_cast %swap3A_696 : vector<1x1x16xf32> to vector<16xf32>
      %swap3A_698 = vector.shape_cast %get3A_690 : vector<16xf32> to vector<1x1x16xf32>
      tpu.vector_store %arg5[%swap3A_693, %swap3A_694, %swap3A_695], %swap3A_698 {strides = array<i32>} : memref<2x22x1000xf32, #tpu.memory_space<vmem>>, vector<1x1x16xf32>,
      %get3A_699 = arith.constant 0 : i32
      %get3A_700 = arith.constant 35 : i32
      %get3A_701 = arith.index_cast %get3A_699 : i32 to index
      %get3A_702 = arith.index_cast %get3A_700 : i32 to index
      %get3A_703 = arith.constant 984 : index
      %get3A_704 = tpu.vector_load %arg4[%get3A_701, %get3A_702, %get3A_703] {strides = array<i32>} : memref<2x40x1000xf32, #tpu.memory_space<vmem>>, vector<1x1x16xf32>,
      %get3A_705 = vector.shape_cast %get3A_704 : vector<1x1x16xf32> to vector<16xf32>
      %swap3A_706 = arith.constant 0 : i32
      %swap3A_707 = arith.constant 21 : i32
      %swap3A_708 = arith.index_cast %swap3A_706 : i32 to index
      %swap3A_709 = arith.index_cast %swap3A_707 : i32 to index
      %swap3A_710 = arith.constant 984 : index
      %swap3A_711 = tpu.vector_load %arg5[%swap3A_708, %swap3A_709, %swap3A_710] {strides = array<i32>} : memref<2x22x1000xf32, #tpu.memory_space<vmem>>, vector<1x1x16xf32>,
      %swap3A_712 = vector.shape_cast %swap3A_711 : vector<1x1x16xf32> to vector<16xf32>
      %swap3A_713 = vector.shape_cast %get3A_705 : vector<16xf32> to vector<1x1x16xf32>
      tpu.vector_store %arg5[%swap3A_708, %swap3A_709, %swap3A_710], %swap3A_713 {strides = array<i32>} : memref<2x22x1000xf32, #tpu.memory_space<vmem>>, vector<1x1x16xf32>,
      %lt3A = arith.constant 15 : i32
      %lt3A_714 = arith.cmpi slt, %scan3A_287, %lt3A : i32
      %convert_element_type3A_715 = arith.extui %lt3A_714 : i1 to i32
      %cond3A_716 = arith.constant 0 : i32
      %cond3A_717 = arith.cmpi ne, %convert_element_type3A_715, %cond3A_716 : i32
      scf.if %cond3A_717 {
        %add3A_1256 = arith.constant 2 : i32
        %add3A_1257 = arith.addi %add3A_292, %add3A_1256 : i32
        %dma_start3A_1258 = arith.constant 0 : i32
        %dma_start3A_1259 = arith.constant 0 : i32
        %dma_start3A_1260 = arith.constant 0 : i32
        %dma_start3A_1261 = tpu.memref_slice %arg4[%dma_start3A_1258, %dma_start3A_1259, %dma_start3A_1260] : memref<2x40x1000xf32, #tpu.memory_space<vmem>> -> memref<1x8x1000xf32, #tpu.memory_space<vmem>>
        %dma_start3A_1262 = tpu.memref_squeeze %dma_start3A_1261 : memref<1x8x1000xf32, #tpu.memory_space<vmem>> -> memref<8x1000xf32, #tpu.memory_space<vmem>>
        %dma_start3A_1263 = arith.constant 0 : i32
        %dma_start3A_1264 = arith.constant 0 : i32
        %dma_start3A_1265 = tpu.memref_slice %arg2[%add3A_1257, %dma_start3A_1263, %dma_start3A_1264] : memref<1024x44x1000xf32, #tpu.memory_space<hbm>> -> memref<1x8x1000xf32, #tpu.memory_space<hbm>>
        %dma_start3A_1266 = tpu.memref_squeeze %dma_start3A_1265 : memref<1x8x1000xf32, #tpu.memory_space<hbm>> -> memref<8x1000xf32, #tpu.memory_space<hbm>>
        %dma_start3A_1267 = arith.constant 0 : i32
        %dma_start3A_1268 = arith.constant 0 : i32
        %dma_start3A_1269 = tpu.memref_slice %arg4[%dma_start3A_1258, %dma_start3A_1267, %dma_start3A_1268] : memref<2x40x1000xf32, #tpu.memory_space<vmem>> -> memref<1x8x1000xf32, #tpu.memory_space<vmem>>
        %dma_start3A_1270 = tpu.memref_squeeze %dma_start3A_1269 : memref<1x8x1000xf32, #tpu.memory_space<vmem>> -> memref<8x1000xf32, #tpu.memory_space<vmem>>
        %dma_start3A_1271 = arith.constant 0 : i32
        %dma_start3A_1272 = arith.constant 0 : i32
        %dma_start3A_1273 = tpu.memref_slice %arg2[%add3A_1257, %dma_start3A_1271, %dma_start3A_1272] : memref<1024x44x1000xf32, #tpu.memory_space<hbm>> -> memref<1x8x1000xf32, #tpu.memory_space<hbm>>
        %dma_start3A_1274 = tpu.memref_squeeze %dma_start3A_1273 : memref<1x8x1000xf32, #tpu.memory_space<hbm>> -> memref<8x1000xf32, #tpu.memory_space<hbm>>
        tpu.enqueue_dma source(%dma_start3A_1274 : memref<8x1000xf32, #tpu.memory_space<hbm>>) target(%dma_start3A_1270 : memref<8x1000xf32, #tpu.memory_space<vmem>>) target_semaphore(%arg6 : memref<!tpu.dma_semaphore, #tpu.memory_space<semaphore_mem>>)
        %dma_start3A_1275 = arith.constant 0 : i32
        %dma_start3A_1276 = arith.constant 8 : i32
        %dma_start3A_1277 = arith.constant 0 : i32
        %dma_start3A_1278 = tpu.memref_slice %arg4[%dma_start3A_1275, %dma_start3A_1276, %dma_start3A_1277] : memref<2x40x1000xf32, #tpu.memory_space<vmem>> -> memref<1x8x1000xf32, #tpu.memory_space<vmem>>
        %dma_start3A_1279 = tpu.memref_squeeze %dma_start3A_1278 : memref<1x8x1000xf32, #tpu.memory_space<vmem>> -> memref<8x1000xf32, #tpu.memory_space<vmem>>
        %dma_start3A_1280 = arith.constant 8 : i32
        %dma_start3A_1281 = arith.constant 0 : i32
        %dma_start3A_1282 = tpu.memref_slice %arg2[%add3A_1257, %dma_start3A_1280, %dma_start3A_1281] : memref<1024x44x1000xf32, #tpu.memory_space<hbm>> -> memref<1x8x1000xf32, #tpu.memory_space<hbm>>
        %dma_start3A_1283 = tpu.memref_squeeze %dma_start3A_1282 : memref<1x8x1000xf32, #tpu.memory_space<hbm>> -> memref<8x1000xf32, #tpu.memory_space<hbm>>
        %dma_start3A_1284 = arith.constant 8 : i32
        %dma_start3A_1285 = arith.constant 0 : i32
        %dma_start3A_1286 = tpu.memref_slice %arg4[%dma_start3A_1275, %dma_start3A_1284, %dma_start3A_1285] : memref<2x40x1000xf32, #tpu.memory_space<vmem>> -> memref<1x8x1000xf32, #tpu.memory_space<vmem>>
        %dma_start3A_1287 = tpu.memref_squeeze %dma_start3A_1286 : memref<1x8x1000xf32, #tpu.memory_space<vmem>> -> memref<8x1000xf32, #tpu.memory_space<vmem>>
        %dma_start3A_1288 = arith.constant 8 : i32
        %dma_start3A_1289 = arith.constant 0 : i32
        %dma_start3A_1290 = tpu.memref_slice %arg2[%add3A_1257, %dma_start3A_1288, %dma_start3A_1289] : memref<1024x44x1000xf32, #tpu.memory_space<hbm>> -> memref<1x8x1000xf32, #tpu.memory_space<hbm>>
        %dma_start3A_1291 = tpu.memref_squeeze %dma_start3A_1290 : memref<1x8x1000xf32, #tpu.memory_space<hbm>> -> memref<8x1000xf32, #tpu.memory_space<hbm>>
        tpu.enqueue_dma source(%dma_start3A_1291 : memref<8x1000xf32, #tpu.memory_space<hbm>>) target(%dma_start3A_1287 : memref<8x1000xf32, #tpu.memory_space<vmem>>) target_semaphore(%arg7 : memref<!tpu.dma_semaphore, #tpu.memory_space<semaphore_mem>>)
        %dma_start3A_1292 = arith.constant 0 : i32
        %dma_start3A_1293 = arith.constant 16 : i32
        %dma_start3A_1294 = arith.constant 0 : i32
        %dma_start3A_1295 = tpu.memref_slice %arg4[%dma_start3A_1292, %dma_start3A_1293, %dma_start3A_1294] : memref<2x40x1000xf32, #tpu.memory_space<vmem>> -> memref<1x8x1000xf32, #tpu.memory_space<vmem>>
        %dma_start3A_1296 = tpu.memref_squeeze %dma_start3A_1295 : memref<1x8x1000xf32, #tpu.memory_space<vmem>> -> memref<8x1000xf32, #tpu.memory_space<vmem>>
        %dma_start3A_1297 = arith.constant 16 : i32
        %dma_start3A_1298 = arith.constant 0 : i32
        %dma_start3A_1299 = tpu.memref_slice %arg2[%add3A_1257, %dma_start3A_1297, %dma_start3A_1298] : memref<1024x44x1000xf32, #tpu.memory_space<hbm>> -> memref<1x8x1000xf32, #tpu.memory_space<hbm>>
        %dma_start3A_1300 = tpu.memref_squeeze %dma_start3A_1299 : memref<1x8x1000xf32, #tpu.memory_space<hbm>> -> memref<8x1000xf32, #tpu.memory_space<hbm>>
        %dma_start3A_1301 = arith.constant 16 : i32
        %dma_start3A_1302 = arith.constant 0 : i32
        %dma_start3A_1303 = tpu.memref_slice %arg4[%dma_start3A_1292, %dma_start3A_1301, %dma_start3A_1302] : memref<2x40x1000xf32, #tpu.memory_space<vmem>> -> memref<1x8x1000xf32, #tpu.memory_space<vmem>>
        %dma_start3A_1304 = tpu.memref_squeeze %dma_start3A_1303 : memref<1x8x1000xf32, #tpu.memory_space<vmem>> -> memref<8x1000xf32, #tpu.memory_space<vmem>>
        %dma_start3A_1305 = arith.constant 16 : i32
        %dma_start3A_1306 = arith.constant 0 : i32
        %dma_start3A_1307 = tpu.memref_slice %arg2[%add3A_1257, %dma_start3A_1305, %dma_start3A_1306] : memref<1024x44x1000xf32, #tpu.memory_space<hbm>> -> memref<1x8x1000xf32, #tpu.memory_space<hbm>>
        %dma_start3A_1308 = tpu.memref_squeeze %dma_start3A_1307 : memref<1x8x1000xf32, #tpu.memory_space<hbm>> -> memref<8x1000xf32, #tpu.memory_space<hbm>>
        tpu.enqueue_dma source(%dma_start3A_1308 : memref<8x1000xf32, #tpu.memory_space<hbm>>) target(%dma_start3A_1304 : memref<8x1000xf32, #tpu.memory_space<vmem>>) target_semaphore(%arg8 : memref<!tpu.dma_semaphore, #tpu.memory_space<semaphore_mem>>)
        %dma_start3A_1309 = arith.constant 0 : i32
        %dma_start3A_1310 = arith.constant 24 : i32
        %dma_start3A_1311 = arith.constant 0 : i32
        %dma_start3A_1312 = tpu.memref_slice %arg4[%dma_start3A_1309, %dma_start3A_1310, %dma_start3A_1311] : memref<2x40x1000xf32, #tpu.memory_space<vmem>> -> memref<1x8x1000xf32, #tpu.memory_space<vmem>>
        %dma_start3A_1313 = tpu.memref_squeeze %dma_start3A_1312 : memref<1x8x1000xf32, #tpu.memory_space<vmem>> -> memref<8x1000xf32, #tpu.memory_space<vmem>>
        %dma_start3A_1314 = arith.constant 24 : i32
        %dma_start3A_1315 = arith.constant 0 : i32
        %dma_start3A_1316 = tpu.memref_slice %arg2[%add3A_1257, %dma_start3A_1314, %dma_start3A_1315] : memref<1024x44x1000xf32, #tpu.memory_space<hbm>> -> memref<1x8x1000xf32, #tpu.memory_space<hbm>>
        %dma_start3A_1317 = tpu.memref_squeeze %dma_start3A_1316 : memref<1x8x1000xf32, #tpu.memory_space<hbm>> -> memref<8x1000xf32, #tpu.memory_space<hbm>>
        %dma_start3A_1318 = arith.constant 24 : i32
        %dma_start3A_1319 = arith.constant 0 : i32
        %dma_start3A_1320 = tpu.memref_slice %arg4[%dma_start3A_1309, %dma_start3A_1318, %dma_start3A_1319] : memref<2x40x1000xf32, #tpu.memory_space<vmem>> -> memref<1x8x1000xf32, #tpu.memory_space<vmem>>
        %dma_start3A_1321 = tpu.memref_squeeze %dma_start3A_1320 : memref<1x8x1000xf32, #tpu.memory_space<vmem>> -> memref<8x1000xf32, #tpu.memory_space<vmem>>
        %dma_start3A_1322 = arith.constant 24 : i32
        %dma_start3A_1323 = arith.constant 0 : i32
        %dma_start3A_1324 = tpu.memref_slice %arg2[%add3A_1257, %dma_start3A_1322, %dma_start3A_1323] : memref<1024x44x1000xf32, #tpu.memory_space<hbm>> -> memref<1x8x1000xf32, #tpu.memory_space<hbm>>
        %dma_start3A_1325 = tpu.memref_squeeze %dma_start3A_1324 : memref<1x8x1000xf32, #tpu.memory_space<hbm>> -> memref<8x1000xf32, #tpu.memory_space<hbm>>
        tpu.enqueue_dma source(%dma_start3A_1325 : memref<8x1000xf32, #tpu.memory_space<hbm>>) target(%dma_start3A_1321 : memref<8x1000xf32, #tpu.memory_space<vmem>>) target_semaphore(%arg9 : memref<!tpu.dma_semaphore, #tpu.memory_space<semaphore_mem>>)
        %dma_start3A_1326 = arith.constant 0 : i32
        %dma_start3A_1327 = arith.constant 32 : i32
        %dma_start3A_1328 = arith.constant 0 : i32
        %dma_start3A_1329 = tpu.memref_slice %arg4[%dma_start3A_1326, %dma_start3A_1327, %dma_start3A_1328] : memref<2x40x1000xf32, #tpu.memory_space<vmem>> -> memref<1x8x1000xf32, #tpu.memory_space<vmem>>
        %dma_start3A_1330 = tpu.memref_squeeze %dma_start3A_1329 : memref<1x8x1000xf32, #tpu.memory_space<vmem>> -> memref<8x1000xf32, #tpu.memory_space<vmem>>
        %dma_start3A_1331 = arith.constant 32 : i32
        %dma_start3A_1332 = arith.constant 0 : i32
        %dma_start3A_1333 = tpu.memref_slice %arg2[%add3A_1257, %dma_start3A_1331, %dma_start3A_1332] : memref<1024x44x1000xf32, #tpu.memory_space<hbm>> -> memref<1x8x1000xf32, #tpu.memory_space<hbm>>
        %dma_start3A_1334 = tpu.memref_squeeze %dma_start3A_1333 : memref<1x8x1000xf32, #tpu.memory_space<hbm>> -> memref<8x1000xf32, #tpu.memory_space<hbm>>
        %dma_start3A_1335 = arith.constant 32 : i32
        %dma_start3A_1336 = arith.constant 0 : i32
        %dma_start3A_1337 = tpu.memref_slice %arg4[%dma_start3A_1326, %dma_start3A_1335, %dma_start3A_1336] : memref<2x40x1000xf32, #tpu.memory_space<vmem>> -> memref<1x8x1000xf32, #tpu.memory_space<vmem>>
        %dma_start3A_1338 = tpu.memref_squeeze %dma_start3A_1337 : memref<1x8x1000xf32, #tpu.memory_space<vmem>> -> memref<8x1000xf32, #tpu.memory_space<vmem>>
        %dma_start3A_1339 = arith.constant 32 : i32
        %dma_start3A_1340 = arith.constant 0 : i32
        %dma_start3A_1341 = tpu.memref_slice %arg2[%add3A_1257, %dma_start3A_1339, %dma_start3A_1340] : memref<1024x44x1000xf32, #tpu.memory_space<hbm>> -> memref<1x8x1000xf32, #tpu.memory_space<hbm>>
        %dma_start3A_1342 = tpu.memref_squeeze %dma_start3A_1341 : memref<1x8x1000xf32, #tpu.memory_space<hbm>> -> memref<8x1000xf32, #tpu.memory_space<hbm>>
        tpu.enqueue_dma source(%dma_start3A_1342 : memref<8x1000xf32, #tpu.memory_space<hbm>>) target(%dma_start3A_1338 : memref<8x1000xf32, #tpu.memory_space<vmem>>) target_semaphore(%arg10 : memref<!tpu.dma_semaphore, #tpu.memory_space<semaphore_mem>>)
      } else {
      }
      %dma_start3A_718 = arith.constant 0 : i32
      %dma_start3A_719 = arith.constant 0 : i32
      %dma_start3A_720 = arith.constant 0 : i32
      %dma_start3A_721 = tpu.memref_slice %arg5[%dma_start3A_718, %dma_start3A_719, %dma_start3A_720] : memref<2x22x1000xf32, #tpu.memory_space<vmem>> -> memref<1x8x1000xf32, #tpu.memory_space<vmem>>
      %dma_start3A_722 = tpu.memref_squeeze %dma_start3A_721 : memref<1x8x1000xf32, #tpu.memory_space<vmem>> -> memref<8x1000xf32, #tpu.memory_space<vmem>>
      %dma_start3A_723 = arith.constant 0 : i32
      %dma_start3A_724 = arith.constant 0 : i32
      %dma_start3A_725 = tpu.memref_slice %arg3[%add3A_292, %dma_start3A_723, %dma_start3A_724] : memref<1024x22x1000xf32, #tpu.memory_space<hbm>> -> memref<1x8x1000xf32, #tpu.memory_space<hbm>>
      %dma_start3A_726 = tpu.memref_squeeze %dma_start3A_725 : memref<1x8x1000xf32, #tpu.memory_space<hbm>> -> memref<8x1000xf32, #tpu.memory_space<hbm>>
      %dma_start3A_727 = arith.constant 0 : i32
      %dma_start3A_728 = arith.constant 0 : i32
      %dma_start3A_729 = tpu.memref_slice %arg3[%add3A_292, %dma_start3A_727, %dma_start3A_728] : memref<1024x22x1000xf32, #tpu.memory_space<hbm>> -> memref<1x8x1000xf32, #tpu.memory_space<hbm>>
      %dma_start3A_730 = tpu.memref_squeeze %dma_start3A_729 : memref<1x8x1000xf32, #tpu.memory_space<hbm>> -> memref<8x1000xf32, #tpu.memory_space<hbm>>
      %dma_start3A_731 = arith.constant 0 : i32
      %dma_start3A_732 = arith.constant 0 : i32
      %dma_start3A_733 = tpu.memref_slice %arg5[%dma_start3A_718, %dma_start3A_731, %dma_start3A_732] : memref<2x22x1000xf32, #tpu.memory_space<vmem>> -> memref<1x8x1000xf32, #tpu.memory_space<vmem>>
      %dma_start3A_734 = tpu.memref_squeeze %dma_start3A_733 : memref<1x8x1000xf32, #tpu.memory_space<vmem>> -> memref<8x1000xf32, #tpu.memory_space<vmem>>
      tpu.enqueue_dma source(%dma_start3A_734 : memref<8x1000xf32, #tpu.memory_space<vmem>>) target(%dma_start3A_730 : memref<8x1000xf32, #tpu.memory_space<hbm>>) target_semaphore(%arg16 : memref<!tpu.dma_semaphore, #tpu.memory_space<semaphore_mem>>)
      %dma_start3A_735 = arith.constant 0 : i32
      %dma_start3A_736 = arith.constant 8 : i32
      %dma_start3A_737 = arith.constant 0 : i32
      %dma_start3A_738 = tpu.memref_slice %arg5[%dma_start3A_735, %dma_start3A_736, %dma_start3A_737] : memref<2x22x1000xf32, #tpu.memory_space<vmem>> -> memref<1x8x1000xf32, #tpu.memory_space<vmem>>
      %dma_start3A_739 = tpu.memref_squeeze %dma_start3A_738 : memref<1x8x1000xf32, #tpu.memory_space<vmem>> -> memref<8x1000xf32, #tpu.memory_space<vmem>>
      %dma_start3A_740 = arith.constant 8 : i32
      %dma_start3A_741 = arith.constant 0 : i32
      %dma_start3A_742 = tpu.memref_slice %arg3[%add3A_292, %dma_start3A_740, %dma_start3A_741] : memref<1024x22x1000xf32, #tpu.memory_space<hbm>> -> memref<1x8x1000xf32, #tpu.memory_space<hbm>>
      %dma_start3A_743 = tpu.memref_squeeze %dma_start3A_742 : memref<1x8x1000xf32, #tpu.memory_space<hbm>> -> memref<8x1000xf32, #tpu.memory_space<hbm>>
      %dma_start3A_744 = arith.constant 8 : i32
      %dma_start3A_745 = arith.constant 0 : i32
      %dma_start3A_746 = tpu.memref_slice %arg3[%add3A_292, %dma_start3A_744, %dma_start3A_745] : memref<1024x22x1000xf32, #tpu.memory_space<hbm>> -> memref<1x8x1000xf32, #tpu.memory_space<hbm>>
      %dma_start3A_747 = tpu.memref_squeeze %dma_start3A_746 : memref<1x8x1000xf32, #tpu.memory_space<hbm>> -> memref<8x1000xf32, #tpu.memory_space<hbm>>
      %dma_start3A_748 = arith.constant 8 : i32
      %dma_start3A_749 = arith.constant 0 : i32
      %dma_start3A_750 = tpu.memref_slice %arg5[%dma_start3A_735, %dma_start3A_748, %dma_start3A_749] : memref<2x22x1000xf32, #tpu.memory_space<vmem>> -> memref<1x8x1000xf32, #tpu.memory_space<vmem>>
      %dma_start3A_751 = tpu.memref_squeeze %dma_start3A_750 : memref<1x8x1000xf32, #tpu.memory_space<vmem>> -> memref<8x1000xf32, #tpu.memory_space<vmem>>
      tpu.enqueue_dma source(%dma_start3A_751 : memref<8x1000xf32, #tpu.memory_space<vmem>>) target(%dma_start3A_747 : memref<8x1000xf32, #tpu.memory_space<hbm>>) target_semaphore(%arg17 : memref<!tpu.dma_semaphore, #tpu.memory_space<semaphore_mem>>)
      %dma_start3A_752 = arith.constant 0 : i32
      %dma_start3A_753 = arith.constant 16 : i32
      %dma_start3A_754 = arith.constant 0 : i32
      %dma_start3A_755 = tpu.memref_slice %arg5[%dma_start3A_752, %dma_start3A_753, %dma_start3A_754] : memref<2x22x1000xf32, #tpu.memory_space<vmem>> -> memref<1x6x1000xf32, #tpu.memory_space<vmem>>
      %dma_start3A_756 = tpu.memref_squeeze %dma_start3A_755 : memref<1x6x1000xf32, #tpu.memory_space<vmem>> -> memref<6x1000xf32, #tpu.memory_space<vmem>>
      %dma_start3A_757 = arith.constant 16 : i32
      %dma_start3A_758 = arith.constant 0 : i32
      %dma_start3A_759 = tpu.memref_slice %arg3[%add3A_292, %dma_start3A_757, %dma_start3A_758] : memref<1024x22x1000xf32, #tpu.memory_space<hbm>> -> memref<1x6x1000xf32, #tpu.memory_space<hbm>>
      %dma_start3A_760 = tpu.memref_squeeze %dma_start3A_759 : memref<1x6x1000xf32, #tpu.memory_space<hbm>> -> memref<6x1000xf32, #tpu.memory_space<hbm>>
      %dma_start3A_761 = arith.constant 16 : i32
      %dma_start3A_762 = arith.constant 0 : i32
      %dma_start3A_763 = tpu.memref_slice %arg3[%add3A_292, %dma_start3A_761, %dma_start3A_762] : memref<1024x22x1000xf32, #tpu.memory_space<hbm>> -> memref<1x6x1000xf32, #tpu.memory_space<hbm>>
      %dma_start3A_764 = tpu.memref_squeeze %dma_start3A_763 : memref<1x6x1000xf32, #tpu.memory_space<hbm>> -> memref<6x1000xf32, #tpu.memory_space<hbm>>
      %dma_start3A_765 = arith.constant 16 : i32
      %dma_start3A_766 = arith.constant 0 : i32
      %dma_start3A_767 = tpu.memref_slice %arg5[%dma_start3A_752, %dma_start3A_765, %dma_start3A_766] : memref<2x22x1000xf32, #tpu.memory_space<vmem>> -> memref<1x6x1000xf32, #tpu.memory_space<vmem>>
      %dma_start3A_768 = tpu.memref_squeeze %dma_start3A_767 : memref<1x6x1000xf32, #tpu.memory_space<vmem>> -> memref<6x1000xf32, #tpu.memory_space<vmem>>
      tpu.enqueue_dma source(%dma_start3A_768 : memref<6x1000xf32, #tpu.memory_space<vmem>>) target(%dma_start3A_764 : memref<6x1000xf32, #tpu.memory_space<hbm>>) target_semaphore(%arg18 : memref<!tpu.dma_semaphore, #tpu.memory_space<semaphore_mem>>)
      %mul3A_769 = arith.constant 2 : i32
      %mul3A_770 = arith.muli %mul3A_769, %scan3A_287 : i32
      %add3A_771 = arith.addi %mul3A_2, %mul3A_770 : i32
      %add3A_772 = arith.constant 1 : i32
      %add3A_773 = arith.addi %add3A_771, %add3A_772 : i32
      %dma_wait3A_774 = arith.constant 1 : i32
      %dma_wait3A_775 = arith.constant 0 : i32
      %dma_wait3A_776 = arith.constant 0 : i32
      %dma_wait3A_777 = tpu.memref_slice %arg4[%dma_wait3A_774, %dma_wait3A_775, %dma_wait3A_776] : memref<2x40x1000xf32, #tpu.memory_space<vmem>> -> memref<1x8x1000xf32, #tpu.memory_space<vmem>>
      %dma_wait3A_778 = tpu.memref_squeeze %dma_wait3A_777 : memref<1x8x1000xf32, #tpu.memory_space<vmem>> -> memref<8x1000xf32, #tpu.memory_space<vmem>>
      %dma_wait3A_779 = arith.constant 0 : i32
      %dma_wait3A_780 = arith.constant 0 : i32
      %dma_wait3A_781 = tpu.memref_slice %arg2[%add3A_773, %dma_wait3A_779, %dma_wait3A_780] : memref<1024x44x1000xf32, #tpu.memory_space<hbm>> -> memref<1x8x1000xf32, #tpu.memory_space<hbm>>
      %dma_wait3A_782 = tpu.memref_squeeze %dma_wait3A_781 : memref<1x8x1000xf32, #tpu.memory_space<hbm>> -> memref<8x1000xf32, #tpu.memory_space<hbm>>
      %dma_wait3A_783 = arith.constant 0 : i32
      %dma_wait3A_784 = arith.constant 0 : i32
      %dma_wait3A_785 = tpu.memref_slice %arg4[%dma_wait3A_774, %dma_wait3A_783, %dma_wait3A_784] : memref<2x40x1000xf32, #tpu.memory_space<vmem>> -> memref<1x8x1000xf32, #tpu.memory_space<vmem>>
      %dma_wait3A_786 = tpu.memref_squeeze %dma_wait3A_785 : memref<1x8x1000xf32, #tpu.memory_space<vmem>> -> memref<8x1000xf32, #tpu.memory_space<vmem>>
      %dma_wait3A_787 = arith.constant 0 : i32
      %dma_wait3A_788 = arith.constant 0 : i32
      %dma_wait3A_789 = tpu.memref_slice %arg2[%add3A_773, %dma_wait3A_787, %dma_wait3A_788] : memref<1024x44x1000xf32, #tpu.memory_space<hbm>> -> memref<1x8x1000xf32, #tpu.memory_space<hbm>>
      %dma_wait3A_790 = tpu.memref_squeeze %dma_wait3A_789 : memref<1x8x1000xf32, #tpu.memory_space<hbm>> -> memref<8x1000xf32, #tpu.memory_space<hbm>>
      tpu.wait_dma2 semaphore(%arg11 : memref<!tpu.dma_semaphore, #tpu.memory_space<semaphore_mem>>) src(%dma_wait3A_790 : memref<8x1000xf32, #tpu.memory_space<hbm>>) dst(%dma_wait3A_786 : memref<8x1000xf32, #tpu.memory_space<vmem>>)
      %dma_wait3A_791 = arith.constant 1 : i32
      %dma_wait3A_792 = arith.constant 8 : i32
      %dma_wait3A_793 = arith.constant 0 : i32
      %dma_wait3A_794 = tpu.memref_slice %arg4[%dma_wait3A_791, %dma_wait3A_792, %dma_wait3A_793] : memref<2x40x1000xf32, #tpu.memory_space<vmem>> -> memref<1x8x1000xf32, #tpu.memory_space<vmem>>
      %dma_wait3A_795 = tpu.memref_squeeze %dma_wait3A_794 : memref<1x8x1000xf32, #tpu.memory_space<vmem>> -> memref<8x1000xf32, #tpu.memory_space<vmem>>
      %dma_wait3A_796 = arith.constant 8 : i32
      %dma_wait3A_797 = arith.constant 0 : i32
      %dma_wait3A_798 = tpu.memref_slice %arg2[%add3A_773, %dma_wait3A_796, %dma_wait3A_797] : memref<1024x44x1000xf32, #tpu.memory_space<hbm>> -> memref<1x8x1000xf32, #tpu.memory_space<hbm>>
      %dma_wait3A_799 = tpu.memref_squeeze %dma_wait3A_798 : memref<1x8x1000xf32, #tpu.memory_space<hbm>> -> memref<8x1000xf32, #tpu.memory_space<hbm>>
      %dma_wait3A_800 = arith.constant 8 : i32
      %dma_wait3A_801 = arith.constant 0 : i32
      %dma_wait3A_802 = tpu.memref_slice %arg4[%dma_wait3A_791, %dma_wait3A_800, %dma_wait3A_801] : memref<2x40x1000xf32, #tpu.memory_space<vmem>> -> memref<1x8x1000xf32, #tpu.memory_space<vmem>>
      %dma_wait3A_803 = tpu.memref_squeeze %dma_wait3A_802 : memref<1x8x1000xf32, #tpu.memory_space<vmem>> -> memref<8x1000xf32, #tpu.memory_space<vmem>>
      %dma_wait3A_804 = arith.constant 8 : i32
      %dma_wait3A_805 = arith.constant 0 : i32
      %dma_wait3A_806 = tpu.memref_slice %arg2[%add3A_773, %dma_wait3A_804, %dma_wait3A_805] : memref<1024x44x1000xf32, #tpu.memory_space<hbm>> -> memref<1x8x1000xf32, #tpu.memory_space<hbm>>
      %dma_wait3A_807 = tpu.memref_squeeze %dma_wait3A_806 : memref<1x8x1000xf32, #tpu.memory_space<hbm>> -> memref<8x1000xf32, #tpu.memory_space<hbm>>
      tpu.wait_dma2 semaphore(%arg12 : memref<!tpu.dma_semaphore, #tpu.memory_space<semaphore_mem>>) src(%dma_wait3A_807 : memref<8x1000xf32, #tpu.memory_space<hbm>>) dst(%dma_wait3A_803 : memref<8x1000xf32, #tpu.memory_space<vmem>>)
      %dma_wait3A_808 = arith.constant 1 : i32
      %dma_wait3A_809 = arith.constant 16 : i32
      %dma_wait3A_810 = arith.constant 0 : i32
      %dma_wait3A_811 = tpu.memref_slice %arg4[%dma_wait3A_808, %dma_wait3A_809, %dma_wait3A_810] : memref<2x40x1000xf32, #tpu.memory_space<vmem>> -> memref<1x8x1000xf32, #tpu.memory_space<vmem>>
      %dma_wait3A_812 = tpu.memref_squeeze %dma_wait3A_811 : memref<1x8x1000xf32, #tpu.memory_space<vmem>> -> memref<8x1000xf32, #tpu.memory_space<vmem>>
      %dma_wait3A_813 = arith.constant 16 : i32
      %dma_wait3A_814 = arith.constant 0 : i32
      %dma_wait3A_815 = tpu.memref_slice %arg2[%add3A_773, %dma_wait3A_813, %dma_wait3A_814] : memref<1024x44x1000xf32, #tpu.memory_space<hbm>> -> memref<1x8x1000xf32, #tpu.memory_space<hbm>>
      %dma_wait3A_816 = tpu.memref_squeeze %dma_wait3A_815 : memref<1x8x1000xf32, #tpu.memory_space<hbm>> -> memref<8x1000xf32, #tpu.memory_space<hbm>>
      %dma_wait3A_817 = arith.constant 16 : i32
      %dma_wait3A_818 = arith.constant 0 : i32
      %dma_wait3A_819 = tpu.memref_slice %arg4[%dma_wait3A_808, %dma_wait3A_817, %dma_wait3A_818] : memref<2x40x1000xf32, #tpu.memory_space<vmem>> -> memref<1x8x1000xf32, #tpu.memory_space<vmem>>
      %dma_wait3A_820 = tpu.memref_squeeze %dma_wait3A_819 : memref<1x8x1000xf32, #tpu.memory_space<vmem>> -> memref<8x1000xf32, #tpu.memory_space<vmem>>
      %dma_wait3A_821 = arith.constant 16 : i32
      %dma_wait3A_822 = arith.constant 0 : i32
      %dma_wait3A_823 = tpu.memref_slice %arg2[%add3A_773, %dma_wait3A_821, %dma_wait3A_822] : memref<1024x44x1000xf32, #tpu.memory_space<hbm>> -> memref<1x8x1000xf32, #tpu.memory_space<hbm>>
      %dma_wait3A_824 = tpu.memref_squeeze %dma_wait3A_823 : memref<1x8x1000xf32, #tpu.memory_space<hbm>> -> memref<8x1000xf32, #tpu.memory_space<hbm>>
      tpu.wait_dma2 semaphore(%arg13 : memref<!tpu.dma_semaphore, #tpu.memory_space<semaphore_mem>>) src(%dma_wait3A_824 : memref<8x1000xf32, #tpu.memory_space<hbm>>) dst(%dma_wait3A_820 : memref<8x1000xf32, #tpu.memory_space<vmem>>)
      %dma_wait3A_825 = arith.constant 1 : i32
      %dma_wait3A_826 = arith.constant 24 : i32
      %dma_wait3A_827 = arith.constant 0 : i32
      %dma_wait3A_828 = tpu.memref_slice %arg4[%dma_wait3A_825, %dma_wait3A_826, %dma_wait3A_827] : memref<2x40x1000xf32, #tpu.memory_space<vmem>> -> memref<1x8x1000xf32, #tpu.memory_space<vmem>>
      %dma_wait3A_829 = tpu.memref_squeeze %dma_wait3A_828 : memref<1x8x1000xf32, #tpu.memory_space<vmem>> -> memref<8x1000xf32, #tpu.memory_space<vmem>>
      %dma_wait3A_830 = arith.constant 24 : i32
      %dma_wait3A_831 = arith.constant 0 : i32
      %dma_wait3A_832 = tpu.memref_slice %arg2[%add3A_773, %dma_wait3A_830, %dma_wait3A_831] : memref<1024x44x1000xf32, #tpu.memory_space<hbm>> -> memref<1x8x1000xf32, #tpu.memory_space<hbm>>
      %dma_wait3A_833 = tpu.memref_squeeze %dma_wait3A_832 : memref<1x8x1000xf32, #tpu.memory_space<hbm>> -> memref<8x1000xf32, #tpu.memory_space<hbm>>
      %dma_wait3A_834 = arith.constant 24 : i32
      %dma_wait3A_835 = arith.constant 0 : i32
      %dma_wait3A_836 = tpu.memref_slice %arg4[%dma_wait3A_825, %dma_wait3A_834, %dma_wait3A_835] : memref<2x40x1000xf32, #tpu.memory_space<vmem>> -> memref<1x8x1000xf32, #tpu.memory_space<vmem>>
      %dma_wait3A_837 = tpu.memref_squeeze %dma_wait3A_836 : memref<1x8x1000xf32, #tpu.memory_space<vmem>> -> memref<8x1000xf32, #tpu.memory_space<vmem>>
      %dma_wait3A_838 = arith.constant 24 : i32
      %dma_wait3A_839 = arith.constant 0 : i32
      %dma_wait3A_840 = tpu.memref_slice %arg2[%add3A_773, %dma_wait3A_838, %dma_wait3A_839] : memref<1024x44x1000xf32, #tpu.memory_space<hbm>> -> memref<1x8x1000xf32, #tpu.memory_space<hbm>>
      %dma_wait3A_841 = tpu.memref_squeeze %dma_wait3A_840 : memref<1x8x1000xf32, #tpu.memory_space<hbm>> -> memref<8x1000xf32, #tpu.memory_space<hbm>>
      tpu.wait_dma2 semaphore(%arg14 : memref<!tpu.dma_semaphore, #tpu.memory_space<semaphore_mem>>) src(%dma_wait3A_841 : memref<8x1000xf32, #tpu.memory_space<hbm>>) dst(%dma_wait3A_837 : memref<8x1000xf32, #tpu.memory_space<vmem>>)
      %dma_wait3A_842 = arith.constant 1 : i32
      %dma_wait3A_843 = arith.constant 32 : i32
      %dma_wait3A_844 = arith.constant 0 : i32
      %dma_wait3A_845 = tpu.memref_slice %arg4[%dma_wait3A_842, %dma_wait3A_843, %dma_wait3A_844] : memref<2x40x1000xf32, #tpu.memory_space<vmem>> -> memref<1x8x1000xf32, #tpu.memory_space<vmem>>
      %dma_wait3A_846 = tpu.memref_squeeze %dma_wait3A_845 : memref<1x8x1000xf32, #tpu.memory_space<vmem>> -> memref<8x1000xf32, #tpu.memory_space<vmem>>
      %dma_wait3A_847 = arith.constant 32 : i32
      %dma_wait3A_848 = arith.constant 0 : i32
      %dma_wait3A_849 = tpu.memref_slice %arg2[%add3A_773, %dma_wait3A_847, %dma_wait3A_848] : memref<1024x44x1000xf32, #tpu.memory_space<hbm>> -> memref<1x8x1000xf32, #tpu.memory_space<hbm>>
      %dma_wait3A_850 = tpu.memref_squeeze %dma_wait3A_849 : memref<1x8x1000xf32, #tpu.memory_space<hbm>> -> memref<8x1000xf32, #tpu.memory_space<hbm>>
      %dma_wait3A_851 = arith.constant 32 : i32
      %dma_wait3A_852 = arith.constant 0 : i32
      %dma_wait3A_853 = tpu.memref_slice %arg4[%dma_wait3A_842, %dma_wait3A_851, %dma_wait3A_852] : memref<2x40x1000xf32, #tpu.memory_space<vmem>> -> memref<1x8x1000xf32, #tpu.memory_space<vmem>>
      %dma_wait3A_854 = tpu.memref_squeeze %dma_wait3A_853 : memref<1x8x1000xf32, #tpu.memory_space<vmem>> -> memref<8x1000xf32, #tpu.memory_space<vmem>>
      %dma_wait3A_855 = arith.constant 32 : i32
      %dma_wait3A_856 = arith.constant 0 : i32
      %dma_wait3A_857 = tpu.memref_slice %arg2[%add3A_773, %dma_wait3A_855, %dma_wait3A_856] : memref<1024x44x1000xf32, #tpu.memory_space<hbm>> -> memref<1x8x1000xf32, #tpu.memory_space<hbm>>
      %dma_wait3A_858 = tpu.memref_squeeze %dma_wait3A_857 : memref<1x8x1000xf32, #tpu.memory_space<hbm>> -> memref<8x1000xf32, #tpu.memory_space<hbm>>
      tpu.wait_dma2 semaphore(%arg15 : memref<!tpu.dma_semaphore, #tpu.memory_space<semaphore_mem>>) src(%dma_wait3A_858 : memref<8x1000xf32, #tpu.memory_space<hbm>>) dst(%dma_wait3A_854 : memref<8x1000xf32, #tpu.memory_space<vmem>>)
      %gt3A_859 = arith.constant 0 : i32
      %gt3A_860 = arith.cmpi sgt, %scan3A_287, %gt3A_859 : i32
      %convert_element_type3A_861 = arith.extui %gt3A_860 : i1 to i32
      %cond3A_862 = arith.constant 0 : i32
      %cond3A_863 = arith.cmpi ne, %convert_element_type3A_861, %cond3A_862 : i32
      scf.if %cond3A_863 {
        %sub3A_1256 = arith.constant 2 : i32
        %sub3A_1257 = arith.subi %add3A_773, %sub3A_1256 : i32
        %dma_wait3A_1258 = arith.constant 1 : i32
        %dma_wait3A_1259 = arith.constant 0 : i32
        %dma_wait3A_1260 = arith.constant 0 : i32
        %dma_wait3A_1261 = tpu.memref_slice %arg5[%dma_wait3A_1258, %dma_wait3A_1259, %dma_wait3A_1260] : memref<2x22x1000xf32, #tpu.memory_space<vmem>> -> memref<1x8x1000xf32, #tpu.memory_space<vmem>>
        %dma_wait3A_1262 = tpu.memref_squeeze %dma_wait3A_1261 : memref<1x8x1000xf32, #tpu.memory_space<vmem>> -> memref<8x1000xf32, #tpu.memory_space<vmem>>
        %dma_wait3A_1263 = arith.constant 0 : i32
        %dma_wait3A_1264 = arith.constant 0 : i32
        %dma_wait3A_1265 = tpu.memref_slice %arg3[%sub3A_1257, %dma_wait3A_1263, %dma_wait3A_1264] : memref<1024x22x1000xf32, #tpu.memory_space<hbm>> -> memref<1x8x1000xf32, #tpu.memory_space<hbm>>
        %dma_wait3A_1266 = tpu.memref_squeeze %dma_wait3A_1265 : memref<1x8x1000xf32, #tpu.memory_space<hbm>> -> memref<8x1000xf32, #tpu.memory_space<hbm>>
        %dma_wait3A_1267 = arith.constant 0 : i32
        %dma_wait3A_1268 = arith.constant 0 : i32
        %dma_wait3A_1269 = tpu.memref_slice %arg3[%sub3A_1257, %dma_wait3A_1267, %dma_wait3A_1268] : memref<1024x22x1000xf32, #tpu.memory_space<hbm>> -> memref<1x8x1000xf32, #tpu.memory_space<hbm>>
        %dma_wait3A_1270 = tpu.memref_squeeze %dma_wait3A_1269 : memref<1x8x1000xf32, #tpu.memory_space<hbm>> -> memref<8x1000xf32, #tpu.memory_space<hbm>>
        %dma_wait3A_1271 = arith.constant 0 : i32
        %dma_wait3A_1272 = arith.constant 0 : i32
        %dma_wait3A_1273 = tpu.memref_slice %arg5[%dma_wait3A_1258, %dma_wait3A_1271, %dma_wait3A_1272] : memref<2x22x1000xf32, #tpu.memory_space<vmem>> -> memref<1x8x1000xf32, #tpu.memory_space<vmem>>
        %dma_wait3A_1274 = tpu.memref_squeeze %dma_wait3A_1273 : memref<1x8x1000xf32, #tpu.memory_space<vmem>> -> memref<8x1000xf32, #tpu.memory_space<vmem>>
        tpu.wait_dma2 semaphore(%arg19 : memref<!tpu.dma_semaphore, #tpu.memory_space<semaphore_mem>>) src(%dma_wait3A_1274 : memref<8x1000xf32, #tpu.memory_space<vmem>>) dst(%dma_wait3A_1270 : memref<8x1000xf32, #tpu.memory_space<hbm>>)
        %dma_wait3A_1275 = arith.constant 1 : i32
        %dma_wait3A_1276 = arith.constant 8 : i32
        %dma_wait3A_1277 = arith.constant 0 : i32
        %dma_wait3A_1278 = tpu.memref_slice %arg5[%dma_wait3A_1275, %dma_wait3A_1276, %dma_wait3A_1277] : memref<2x22x1000xf32, #tpu.memory_space<vmem>> -> memref<1x8x1000xf32, #tpu.memory_space<vmem>>
        %dma_wait3A_1279 = tpu.memref_squeeze %dma_wait3A_1278 : memref<1x8x1000xf32, #tpu.memory_space<vmem>> -> memref<8x1000xf32, #tpu.memory_space<vmem>>
        %dma_wait3A_1280 = arith.constant 8 : i32
        %dma_wait3A_1281 = arith.constant 0 : i32
        %dma_wait3A_1282 = tpu.memref_slice %arg3[%sub3A_1257, %dma_wait3A_1280, %dma_wait3A_1281] : memref<1024x22x1000xf32, #tpu.memory_space<hbm>> -> memref<1x8x1000xf32, #tpu.memory_space<hbm>>
        %dma_wait3A_1283 = tpu.memref_squeeze %dma_wait3A_1282 : memref<1x8x1000xf32, #tpu.memory_space<hbm>> -> memref<8x1000xf32, #tpu.memory_space<hbm>>
        %dma_wait3A_1284 = arith.constant 8 : i32
        %dma_wait3A_1285 = arith.constant 0 : i32
        %dma_wait3A_1286 = tpu.memref_slice %arg3[%sub3A_1257, %dma_wait3A_1284, %dma_wait3A_1285] : memref<1024x22x1000xf32, #tpu.memory_space<hbm>> -> memref<1x8x1000xf32, #tpu.memory_space<hbm>>
        %dma_wait3A_1287 = tpu.memref_squeeze %dma_wait3A_1286 : memref<1x8x1000xf32, #tpu.memory_space<hbm>> -> memref<8x1000xf32, #tpu.memory_space<hbm>>
        %dma_wait3A_1288 = arith.constant 8 : i32
        %dma_wait3A_1289 = arith.constant 0 : i32
        %dma_wait3A_1290 = tpu.memref_slice %arg5[%dma_wait3A_1275, %dma_wait3A_1288, %dma_wait3A_1289] : memref<2x22x1000xf32, #tpu.memory_space<vmem>> -> memref<1x8x1000xf32, #tpu.memory_space<vmem>>
        %dma_wait3A_1291 = tpu.memref_squeeze %dma_wait3A_1290 : memref<1x8x1000xf32, #tpu.memory_space<vmem>> -> memref<8x1000xf32, #tpu.memory_space<vmem>>
        tpu.wait_dma2 semaphore(%arg20 : memref<!tpu.dma_semaphore, #tpu.memory_space<semaphore_mem>>) src(%dma_wait3A_1291 : memref<8x1000xf32, #tpu.memory_space<vmem>>) dst(%dma_wait3A_1287 : memref<8x1000xf32, #tpu.memory_space<hbm>>)
        %dma_wait3A_1292 = arith.constant 1 : i32
        %dma_wait3A_1293 = arith.constant 16 : i32
        %dma_wait3A_1294 = arith.constant 0 : i32
        %dma_wait3A_1295 = tpu.memref_slice %arg5[%dma_wait3A_1292, %dma_wait3A_1293, %dma_wait3A_1294] : memref<2x22x1000xf32, #tpu.memory_space<vmem>> -> memref<1x6x1000xf32, #tpu.memory_space<vmem>>
        %dma_wait3A_1296 = tpu.memref_squeeze %dma_wait3A_1295 : memref<1x6x1000xf32, #tpu.memory_space<vmem>> -> memref<6x1000xf32, #tpu.memory_space<vmem>>
        %dma_wait3A_1297 = arith.constant 16 : i32
        %dma_wait3A_1298 = arith.constant 0 : i32
        %dma_wait3A_1299 = tpu.memref_slice %arg3[%sub3A_1257, %dma_wait3A_1297, %dma_wait3A_1298] : memref<1024x22x1000xf32, #tpu.memory_space<hbm>> -> memref<1x6x1000xf32, #tpu.memory_space<hbm>>
        %dma_wait3A_1300 = tpu.memref_squeeze %dma_wait3A_1299 : memref<1x6x1000xf32, #tpu.memory_space<hbm>> -> memref<6x1000xf32, #tpu.memory_space<hbm>>
        %dma_wait3A_1301 = arith.constant 16 : i32
        %dma_wait3A_1302 = arith.constant 0 : i32
        %dma_wait3A_1303 = tpu.memref_slice %arg3[%sub3A_1257, %dma_wait3A_1301, %dma_wait3A_1302] : memref<1024x22x1000xf32, #tpu.memory_space<hbm>> -> memref<1x6x1000xf32, #tpu.memory_space<hbm>>
        %dma_wait3A_1304 = tpu.memref_squeeze %dma_wait3A_1303 : memref<1x6x1000xf32, #tpu.memory_space<hbm>> -> memref<6x1000xf32, #tpu.memory_space<hbm>>
        %dma_wait3A_1305 = arith.constant 16 : i32
        %dma_wait3A_1306 = arith.constant 0 : i32
        %dma_wait3A_1307 = tpu.memref_slice %arg5[%dma_wait3A_1292, %dma_wait3A_1305, %dma_wait3A_1306] : memref<2x22x1000xf32, #tpu.memory_space<vmem>> -> memref<1x6x1000xf32, #tpu.memory_space<vmem>>
        %dma_wait3A_1308 = tpu.memref_squeeze %dma_wait3A_1307 : memref<1x6x1000xf32, #tpu.memory_space<vmem>> -> memref<6x1000xf32, #tpu.memory_space<vmem>>
        tpu.wait_dma2 semaphore(%arg21 : memref<!tpu.dma_semaphore, #tpu.memory_space<semaphore_mem>>) src(%dma_wait3A_1308 : memref<6x1000xf32, #tpu.memory_space<vmem>>) dst(%dma_wait3A_1304 : memref<6x1000xf32, #tpu.memory_space<hbm>>)
      } else {
      }
      %scan3A_864 = arith.constant 0 : i32
      %scan3A_865 = arith.constant 0 : i32
      %scan3A_866 = arith.constant 62 : i32
      %scan3A_867 = arith.addi %scan3A_865, %scan3A_866 : i32
      %scan3A_868 = arith.constant 1 : i32
      scf.for %scan3A_1256 = %scan3A_865 to %scan3A_867 step %scan3A_868  : i32 {
        %mul3A_1257 = arith.constant 16 : i32
        %mul3A_1258 = arith.muli %scan3A_1256, %mul3A_1257 : i32
        %get3A_1259 = arith.constant 1 : i32
        %get3A_1260 = arith.constant 21 : i32
        %get3A_1261 = arith.index_cast %get3A_1259 : i32 to index
        %get3A_1262 = arith.index_cast %get3A_1260 : i32 to index
        %get3A_1263 = arith.index_cast %mul3A_1258 : i32 to index
        %get3A_1264 = tpu.vector_load %arg4[%get3A_1261, %get3A_1262, %get3A_1263] {strides = array<i32>} : memref<2x40x1000xf32, #tpu.memory_space<vmem>>, vector<1x1x16xf32>,
        %get3A_1265 = vector.shape_cast %get3A_1264 : vector<1x1x16xf32> to vector<16xf32>
        %swap3A_1266 = arith.constant 1 : i32
        %swap3A_1267 = arith.constant 0 : i32
        %swap3A_1268 = arith.index_cast %swap3A_1266 : i32 to index
        %swap3A_1269 = arith.index_cast %swap3A_1267 : i32 to index
        %swap3A_1270 = arith.index_cast %mul3A_1258 : i32 to index
        %swap3A_1271 = tpu.vector_load %arg5[%swap3A_1268, %swap3A_1269, %swap3A_1270] {strides = array<i32>} : memref<2x22x1000xf32, #tpu.memory_space<vmem>>, vector<1x1x16xf32>,
        %swap3A_1272 = vector.shape_cast %swap3A_1271 : vector<1x1x16xf32> to vector<16xf32>
        %swap3A_1273 = vector.shape_cast %get3A_1265 : vector<16xf32> to vector<1x1x16xf32>
        tpu.vector_store %arg5[%swap3A_1268, %swap3A_1269, %swap3A_1270], %swap3A_1273 {strides = array<i32>} : memref<2x22x1000xf32, #tpu.memory_space<vmem>>, vector<1x1x16xf32>,
        %get3A_1274 = arith.constant 1 : i32
        %get3A_1275 = arith.constant 6 : i32
        %get3A_1276 = arith.index_cast %get3A_1274 : i32 to index
        %get3A_1277 = arith.index_cast %get3A_1275 : i32 to index
        %get3A_1278 = arith.index_cast %mul3A_1258 : i32 to index
        %get3A_1279 = tpu.vector_load %arg4[%get3A_1276, %get3A_1277, %get3A_1278] {strides = array<i32>} : memref<2x40x1000xf32, #tpu.memory_space<vmem>>, vector<1x1x16xf32>,
        %get3A_1280 = vector.shape_cast %get3A_1279 : vector<1x1x16xf32> to vector<16xf32>
        %swap3A_1281 = arith.constant 1 : i32
        %swap3A_1282 = arith.constant 1 : i32
        %swap3A_1283 = arith.index_cast %swap3A_1281 : i32 to index
        %swap3A_1284 = arith.index_cast %swap3A_1282 : i32 to index
        %swap3A_1285 = arith.index_cast %mul3A_1258 : i32 to index
        %swap3A_1286 = tpu.vector_load %arg5[%swap3A_1283, %swap3A_1284, %swap3A_1285] {strides = array<i32>} : memref<2x22x1000xf32, #tpu.memory_space<vmem>>, vector<1x1x16xf32>,
        %swap3A_1287 = vector.shape_cast %swap3A_1286 : vector<1x1x16xf32> to vector<16xf32>
        %swap3A_1288 = vector.shape_cast %get3A_1280 : vector<16xf32> to vector<1x1x16xf32>
        tpu.vector_store %arg5[%swap3A_1283, %swap3A_1284, %swap3A_1285], %swap3A_1288 {strides = array<i32>} : memref<2x22x1000xf32, #tpu.memory_space<vmem>>, vector<1x1x16xf32>,
        %get3A_1289 = arith.constant 1 : i32
        %get3A_1290 = arith.constant 7 : i32
        %get3A_1291 = arith.index_cast %get3A_1289 : i32 to index
        %get3A_1292 = arith.index_cast %get3A_1290 : i32 to index
        %get3A_1293 = arith.index_cast %mul3A_1258 : i32 to index
        %get3A_1294 = tpu.vector_load %arg4[%get3A_1291, %get3A_1292, %get3A_1293] {strides = array<i32>} : memref<2x40x1000xf32, #tpu.memory_space<vmem>>, vector<1x1x16xf32>,
        %get3A_1295 = vector.shape_cast %get3A_1294 : vector<1x1x16xf32> to vector<16xf32>
        %swap3A_1296 = arith.constant 1 : i32
        %swap3A_1297 = arith.constant 2 : i32
        %swap3A_1298 = arith.index_cast %swap3A_1296 : i32 to index
        %swap3A_1299 = arith.index_cast %swap3A_1297 : i32 to index
        %swap3A_1300 = arith.index_cast %mul3A_1258 : i32 to index
        %swap3A_1301 = tpu.vector_load %arg5[%swap3A_1298, %swap3A_1299, %swap3A_1300] {strides = array<i32>} : memref<2x22x1000xf32, #tpu.memory_space<vmem>>, vector<1x1x16xf32>,
        %swap3A_1302 = vector.shape_cast %swap3A_1301 : vector<1x1x16xf32> to vector<16xf32>
        %swap3A_1303 = vector.shape_cast %get3A_1295 : vector<16xf32> to vector<1x1x16xf32>
        tpu.vector_store %arg5[%swap3A_1298, %swap3A_1299, %swap3A_1300], %swap3A_1303 {strides = array<i32>} : memref<2x22x1000xf32, #tpu.memory_space<vmem>>, vector<1x1x16xf32>,
        %get3A_1304 = arith.constant 1 : i32
        %get3A_1305 = arith.constant 8 : i32
        %get3A_1306 = arith.index_cast %get3A_1304 : i32 to index
        %get3A_1307 = arith.index_cast %get3A_1305 : i32 to index
        %get3A_1308 = arith.index_cast %mul3A_1258 : i32 to index
        %get3A_1309 = tpu.vector_load %arg4[%get3A_1306, %get3A_1307, %get3A_1308] {strides = array<i32>} : memref<2x40x1000xf32, #tpu.memory_space<vmem>>, vector<1x1x16xf32>,
        %get3A_1310 = vector.shape_cast %get3A_1309 : vector<1x1x16xf32> to vector<16xf32>
        %swap3A_1311 = arith.constant 1 : i32
        %swap3A_1312 = arith.constant 3 : i32
        %swap3A_1313 = arith.index_cast %swap3A_1311 : i32 to index
        %swap3A_1314 = arith.index_cast %swap3A_1312 : i32 to index
        %swap3A_1315 = arith.index_cast %mul3A_1258 : i32 to index
        %swap3A_1316 = tpu.vector_load %arg5[%swap3A_1313, %swap3A_1314, %swap3A_1315] {strides = array<i32>} : memref<2x22x1000xf32, #tpu.memory_space<vmem>>, vector<1x1x16xf32>,
        %swap3A_1317 = vector.shape_cast %swap3A_1316 : vector<1x1x16xf32> to vector<16xf32>
        %swap3A_1318 = vector.shape_cast %get3A_1310 : vector<16xf32> to vector<1x1x16xf32>
        tpu.vector_store %arg5[%swap3A_1313, %swap3A_1314, %swap3A_1315], %swap3A_1318 {strides = array<i32>} : memref<2x22x1000xf32, #tpu.memory_space<vmem>>, vector<1x1x16xf32>,
        %get3A_1319 = arith.constant 1 : i32
        %get3A_1320 = arith.constant 9 : i32
        %get3A_1321 = arith.index_cast %get3A_1319 : i32 to index
        %get3A_1322 = arith.index_cast %get3A_1320 : i32 to index
        %get3A_1323 = arith.index_cast %mul3A_1258 : i32 to index
        %get3A_1324 = tpu.vector_load %arg4[%get3A_1321, %get3A_1322, %get3A_1323] {strides = array<i32>} : memref<2x40x1000xf32, #tpu.memory_space<vmem>>, vector<1x1x16xf32>,
        %get3A_1325 = vector.shape_cast %get3A_1324 : vector<1x1x16xf32> to vector<16xf32>
        %swap3A_1326 = arith.constant 1 : i32
        %swap3A_1327 = arith.constant 4 : i32
        %swap3A_1328 = arith.index_cast %swap3A_1326 : i32 to index
        %swap3A_1329 = arith.index_cast %swap3A_1327 : i32 to index
        %swap3A_1330 = arith.index_cast %mul3A_1258 : i32 to index
        %swap3A_1331 = tpu.vector_load %arg5[%swap3A_1328, %swap3A_1329, %swap3A_1330] {strides = array<i32>} : memref<2x22x1000xf32, #tpu.memory_space<vmem>>, vector<1x1x16xf32>,
        %swap3A_1332 = vector.shape_cast %swap3A_1331 : vector<1x1x16xf32> to vector<16xf32>
        %swap3A_1333 = vector.shape_cast %get3A_1325 : vector<16xf32> to vector<1x1x16xf32>
        tpu.vector_store %arg5[%swap3A_1328, %swap3A_1329, %swap3A_1330], %swap3A_1333 {strides = array<i32>} : memref<2x22x1000xf32, #tpu.memory_space<vmem>>, vector<1x1x16xf32>,
        %get3A_1334 = arith.constant 1 : i32
        %get3A_1335 = arith.constant 10 : i32
        %get3A_1336 = arith.index_cast %get3A_1334 : i32 to index
        %get3A_1337 = arith.index_cast %get3A_1335 : i32 to index
        %get3A_1338 = arith.index_cast %mul3A_1258 : i32 to index
        %get3A_1339 = tpu.vector_load %arg4[%get3A_1336, %get3A_1337, %get3A_1338] {strides = array<i32>} : memref<2x40x1000xf32, #tpu.memory_space<vmem>>, vector<1x1x16xf32>,
        %get3A_1340 = vector.shape_cast %get3A_1339 : vector<1x1x16xf32> to vector<16xf32>
        %swap3A_1341 = arith.constant 1 : i32
        %swap3A_1342 = arith.constant 5 : i32
        %swap3A_1343 = arith.index_cast %swap3A_1341 : i32 to index
        %swap3A_1344 = arith.index_cast %swap3A_1342 : i32 to index
        %swap3A_1345 = arith.index_cast %mul3A_1258 : i32 to index
        %swap3A_1346 = tpu.vector_load %arg5[%swap3A_1343, %swap3A_1344, %swap3A_1345] {strides = array<i32>} : memref<2x22x1000xf32, #tpu.memory_space<vmem>>, vector<1x1x16xf32>,
        %swap3A_1347 = vector.shape_cast %swap3A_1346 : vector<1x1x16xf32> to vector<16xf32>
        %swap3A_1348 = vector.shape_cast %get3A_1340 : vector<16xf32> to vector<1x1x16xf32>
        tpu.vector_store %arg5[%swap3A_1343, %swap3A_1344, %swap3A_1345], %swap3A_1348 {strides = array<i32>} : memref<2x22x1000xf32, #tpu.memory_space<vmem>>, vector<1x1x16xf32>,
        %get3A_1349 = arith.constant 1 : i32
        %get3A_1350 = arith.constant 13 : i32
        %get3A_1351 = arith.index_cast %get3A_1349 : i32 to index
        %get3A_1352 = arith.index_cast %get3A_1350 : i32 to index
        %get3A_1353 = arith.index_cast %mul3A_1258 : i32 to index
        %get3A_1354 = tpu.vector_load %arg4[%get3A_1351, %get3A_1352, %get3A_1353] {strides = array<i32>} : memref<2x40x1000xf32, #tpu.memory_space<vmem>>, vector<1x1x16xf32>,
        %get3A_1355 = vector.shape_cast %get3A_1354 : vector<1x1x16xf32> to vector<16xf32>
        %swap3A_1356 = arith.constant 1 : i32
        %swap3A_1357 = arith.constant 6 : i32
        %swap3A_1358 = arith.index_cast %swap3A_1356 : i32 to index
        %swap3A_1359 = arith.index_cast %swap3A_1357 : i32 to index
        %swap3A_1360 = arith.index_cast %mul3A_1258 : i32 to index
        %swap3A_1361 = tpu.vector_load %arg5[%swap3A_1358, %swap3A_1359, %swap3A_1360] {strides = array<i32>} : memref<2x22x1000xf32, #tpu.memory_space<vmem>>, vector<1x1x16xf32>,
        %swap3A_1362 = vector.shape_cast %swap3A_1361 : vector<1x1x16xf32> to vector<16xf32>
        %swap3A_1363 = vector.shape_cast %get3A_1355 : vector<16xf32> to vector<1x1x16xf32>
        tpu.vector_store %arg5[%swap3A_1358, %swap3A_1359, %swap3A_1360], %swap3A_1363 {strides = array<i32>} : memref<2x22x1000xf32, #tpu.memory_space<vmem>>, vector<1x1x16xf32>,
        %get3A_1364 = arith.constant 1 : i32
        %get3A_1365 = arith.constant 14 : i32
        %get3A_1366 = arith.index_cast %get3A_1364 : i32 to index
        %get3A_1367 = arith.index_cast %get3A_1365 : i32 to index
        %get3A_1368 = arith.index_cast %mul3A_1258 : i32 to index
        %get3A_1369 = tpu.vector_load %arg4[%get3A_1366, %get3A_1367, %get3A_1368] {strides = array<i32>} : memref<2x40x1000xf32, #tpu.memory_space<vmem>>, vector<1x1x16xf32>,
        %get3A_1370 = vector.shape_cast %get3A_1369 : vector<1x1x16xf32> to vector<16xf32>
        %swap3A_1371 = arith.constant 1 : i32
        %swap3A_1372 = arith.constant 7 : i32
        %swap3A_1373 = arith.index_cast %swap3A_1371 : i32 to index
        %swap3A_1374 = arith.index_cast %swap3A_1372 : i32 to index
        %swap3A_1375 = arith.index_cast %mul3A_1258 : i32 to index
        %swap3A_1376 = tpu.vector_load %arg5[%swap3A_1373, %swap3A_1374, %swap3A_1375] {strides = array<i32>} : memref<2x22x1000xf32, #tpu.memory_space<vmem>>, vector<1x1x16xf32>,
        %swap3A_1377 = vector.shape_cast %swap3A_1376 : vector<1x1x16xf32> to vector<16xf32>
        %swap3A_1378 = vector.shape_cast %get3A_1370 : vector<16xf32> to vector<1x1x16xf32>
        tpu.vector_store %arg5[%swap3A_1373, %swap3A_1374, %swap3A_1375], %swap3A_1378 {strides = array<i32>} : memref<2x22x1000xf32, #tpu.memory_space<vmem>>, vector<1x1x16xf32>,
        %get3A_1379 = arith.constant 1 : i32
        %get3A_1380 = arith.constant 15 : i32
        %get3A_1381 = arith.index_cast %get3A_1379 : i32 to index
        %get3A_1382 = arith.index_cast %get3A_1380 : i32 to index
        %get3A_1383 = arith.index_cast %mul3A_1258 : i32 to index
        %get3A_1384 = tpu.vector_load %arg4[%get3A_1381, %get3A_1382, %get3A_1383] {strides = array<i32>} : memref<2x40x1000xf32, #tpu.memory_space<vmem>>, vector<1x1x16xf32>,
        %get3A_1385 = vector.shape_cast %get3A_1384 : vector<1x1x16xf32> to vector<16xf32>
        %swap3A_1386 = arith.constant 1 : i32
        %swap3A_1387 = arith.constant 8 : i32
        %swap3A_1388 = arith.index_cast %swap3A_1386 : i32 to index
        %swap3A_1389 = arith.index_cast %swap3A_1387 : i32 to index
        %swap3A_1390 = arith.index_cast %mul3A_1258 : i32 to index
        %swap3A_1391 = tpu.vector_load %arg5[%swap3A_1388, %swap3A_1389, %swap3A_1390] {strides = array<i32>} : memref<2x22x1000xf32, #tpu.memory_space<vmem>>, vector<1x1x16xf32>,
        %swap3A_1392 = vector.shape_cast %swap3A_1391 : vector<1x1x16xf32> to vector<16xf32>
        %swap3A_1393 = vector.shape_cast %get3A_1385 : vector<16xf32> to vector<1x1x16xf32>
        tpu.vector_store %arg5[%swap3A_1388, %swap3A_1389, %swap3A_1390], %swap3A_1393 {strides = array<i32>} : memref<2x22x1000xf32, #tpu.memory_space<vmem>>, vector<1x1x16xf32>,
        %get3A_1394 = arith.constant 1 : i32
        %get3A_1395 = arith.constant 16 : i32
        %get3A_1396 = arith.index_cast %get3A_1394 : i32 to index
        %get3A_1397 = arith.index_cast %get3A_1395 : i32 to index
        %get3A_1398 = arith.index_cast %mul3A_1258 : i32 to index
        %get3A_1399 = tpu.vector_load %arg4[%get3A_1396, %get3A_1397, %get3A_1398] {strides = array<i32>} : memref<2x40x1000xf32, #tpu.memory_space<vmem>>, vector<1x1x16xf32>,
        %get3A_1400 = vector.shape_cast %get3A_1399 : vector<1x1x16xf32> to vector<16xf32>
        %swap3A_1401 = arith.constant 1 : i32
        %swap3A_1402 = arith.constant 9 : i32
        %swap3A_1403 = arith.index_cast %swap3A_1401 : i32 to index
        %swap3A_1404 = arith.index_cast %swap3A_1402 : i32 to index
        %swap3A_1405 = arith.index_cast %mul3A_1258 : i32 to index
        %swap3A_1406 = tpu.vector_load %arg5[%swap3A_1403, %swap3A_1404, %swap3A_1405] {strides = array<i32>} : memref<2x22x1000xf32, #tpu.memory_space<vmem>>, vector<1x1x16xf32>,
        %swap3A_1407 = vector.shape_cast %swap3A_1406 : vector<1x1x16xf32> to vector<16xf32>
        %swap3A_1408 = vector.shape_cast %get3A_1400 : vector<16xf32> to vector<1x1x16xf32>
        tpu.vector_store %arg5[%swap3A_1403, %swap3A_1404, %swap3A_1405], %swap3A_1408 {strides = array<i32>} : memref<2x22x1000xf32, #tpu.memory_space<vmem>>, vector<1x1x16xf32>,
        %get3A_1409 = arith.constant 1 : i32
        %get3A_1410 = arith.constant 19 : i32
        %get3A_1411 = arith.index_cast %get3A_1409 : i32 to index
        %get3A_1412 = arith.index_cast %get3A_1410 : i32 to index
        %get3A_1413 = arith.index_cast %mul3A_1258 : i32 to index
        %get3A_1414 = tpu.vector_load %arg4[%get3A_1411, %get3A_1412, %get3A_1413] {strides = array<i32>} : memref<2x40x1000xf32, #tpu.memory_space<vmem>>, vector<1x1x16xf32>,
        %get3A_1415 = vector.shape_cast %get3A_1414 : vector<1x1x16xf32> to vector<16xf32>
        %swap3A_1416 = arith.constant 1 : i32
        %swap3A_1417 = arith.constant 10 : i32
        %swap3A_1418 = arith.index_cast %swap3A_1416 : i32 to index
        %swap3A_1419 = arith.index_cast %swap3A_1417 : i32 to index
        %swap3A_1420 = arith.index_cast %mul3A_1258 : i32 to index
        %swap3A_1421 = tpu.vector_load %arg5[%swap3A_1418, %swap3A_1419, %swap3A_1420] {strides = array<i32>} : memref<2x22x1000xf32, #tpu.memory_space<vmem>>, vector<1x1x16xf32>,
        %swap3A_1422 = vector.shape_cast %swap3A_1421 : vector<1x1x16xf32> to vector<16xf32>
        %swap3A_1423 = vector.shape_cast %get3A_1415 : vector<16xf32> to vector<1x1x16xf32>
        tpu.vector_store %arg5[%swap3A_1418, %swap3A_1419, %swap3A_1420], %swap3A_1423 {strides = array<i32>} : memref<2x22x1000xf32, #tpu.memory_space<vmem>>, vector<1x1x16xf32>,
        %get3A_1424 = arith.constant 1 : i32
        %get3A_1425 = arith.constant 20 : i32
        %get3A_1426 = arith.index_cast %get3A_1424 : i32 to index
        %get3A_1427 = arith.index_cast %get3A_1425 : i32 to index
        %get3A_1428 = arith.index_cast %mul3A_1258 : i32 to index
        %get3A_1429 = tpu.vector_load %arg4[%get3A_1426, %get3A_1427, %get3A_1428] {strides = array<i32>} : memref<2x40x1000xf32, #tpu.memory_space<vmem>>, vector<1x1x16xf32>,
        %get3A_1430 = vector.shape_cast %get3A_1429 : vector<1x1x16xf32> to vector<16xf32>
        %swap3A_1431 = arith.constant 1 : i32
        %swap3A_1432 = arith.constant 11 : i32
        %swap3A_1433 = arith.index_cast %swap3A_1431 : i32 to index
        %swap3A_1434 = arith.index_cast %swap3A_1432 : i32 to index
        %swap3A_1435 = arith.index_cast %mul3A_1258 : i32 to index
        %swap3A_1436 = tpu.vector_load %arg5[%swap3A_1433, %swap3A_1434, %swap3A_1435] {strides = array<i32>} : memref<2x22x1000xf32, #tpu.memory_space<vmem>>, vector<1x1x16xf32>,
        %swap3A_1437 = vector.shape_cast %swap3A_1436 : vector<1x1x16xf32> to vector<16xf32>
        %swap3A_1438 = vector.shape_cast %get3A_1430 : vector<16xf32> to vector<1x1x16xf32>
        tpu.vector_store %arg5[%swap3A_1433, %swap3A_1434, %swap3A_1435], %swap3A_1438 {strides = array<i32>} : memref<2x22x1000xf32, #tpu.memory_space<vmem>>, vector<1x1x16xf32>,
        %get3A_1439 = arith.constant 1 : i32
        %get3A_1440 = arith.constant 22 : i32
        %get3A_1441 = arith.index_cast %get3A_1439 : i32 to index
        %get3A_1442 = arith.index_cast %get3A_1440 : i32 to index
        %get3A_1443 = arith.index_cast %mul3A_1258 : i32 to index
        %get3A_1444 = tpu.vector_load %arg4[%get3A_1441, %get3A_1442, %get3A_1443] {strides = array<i32>} : memref<2x40x1000xf32, #tpu.memory_space<vmem>>, vector<1x1x16xf32>,
        %get3A_1445 = vector.shape_cast %get3A_1444 : vector<1x1x16xf32> to vector<16xf32>
        %swap3A_1446 = arith.constant 1 : i32
        %swap3A_1447 = arith.constant 12 : i32
        %swap3A_1448 = arith.index_cast %swap3A_1446 : i32 to index
        %swap3A_1449 = arith.index_cast %swap3A_1447 : i32 to index
        %swap3A_1450 = arith.index_cast %mul3A_1258 : i32 to index
        %swap3A_1451 = tpu.vector_load %arg5[%swap3A_1448, %swap3A_1449, %swap3A_1450] {strides = array<i32>} : memref<2x22x1000xf32, #tpu.memory_space<vmem>>, vector<1x1x16xf32>,
        %swap3A_1452 = vector.shape_cast %swap3A_1451 : vector<1x1x16xf32> to vector<16xf32>
        %swap3A_1453 = vector.shape_cast %get3A_1445 : vector<16xf32> to vector<1x1x16xf32>
        tpu.vector_store %arg5[%swap3A_1448, %swap3A_1449, %swap3A_1450], %swap3A_1453 {strides = array<i32>} : memref<2x22x1000xf32, #tpu.memory_space<vmem>>, vector<1x1x16xf32>,
        %get3A_1454 = arith.constant 1 : i32
        %get3A_1455 = arith.constant 25 : i32
        %get3A_1456 = arith.index_cast %get3A_1454 : i32 to index
        %get3A_1457 = arith.index_cast %get3A_1455 : i32 to index
        %get3A_1458 = arith.index_cast %mul3A_1258 : i32 to index
        %get3A_1459 = tpu.vector_load %arg4[%get3A_1456, %get3A_1457, %get3A_1458] {strides = array<i32>} : memref<2x40x1000xf32, #tpu.memory_space<vmem>>, vector<1x1x16xf32>,
        %get3A_1460 = vector.shape_cast %get3A_1459 : vector<1x1x16xf32> to vector<16xf32>
        %swap3A_1461 = arith.constant 1 : i32
        %swap3A_1462 = arith.constant 13 : i32
        %swap3A_1463 = arith.index_cast %swap3A_1461 : i32 to index
        %swap3A_1464 = arith.index_cast %swap3A_1462 : i32 to index
        %swap3A_1465 = arith.index_cast %mul3A_1258 : i32 to index
        %swap3A_1466 = tpu.vector_load %arg5[%swap3A_1463, %swap3A_1464, %swap3A_1465] {strides = array<i32>} : memref<2x22x1000xf32, #tpu.memory_space<vmem>>, vector<1x1x16xf32>,
        %swap3A_1467 = vector.shape_cast %swap3A_1466 : vector<1x1x16xf32> to vector<16xf32>
        %swap3A_1468 = vector.shape_cast %get3A_1460 : vector<16xf32> to vector<1x1x16xf32>
        tpu.vector_store %arg5[%swap3A_1463, %swap3A_1464, %swap3A_1465], %swap3A_1468 {strides = array<i32>} : memref<2x22x1000xf32, #tpu.memory_space<vmem>>, vector<1x1x16xf32>,
        %get3A_1469 = arith.constant 1 : i32
        %get3A_1470 = arith.constant 26 : i32
        %get3A_1471 = arith.index_cast %get3A_1469 : i32 to index
        %get3A_1472 = arith.index_cast %get3A_1470 : i32 to index
        %get3A_1473 = arith.index_cast %mul3A_1258 : i32 to index
        %get3A_1474 = tpu.vector_load %arg4[%get3A_1471, %get3A_1472, %get3A_1473] {strides = array<i32>} : memref<2x40x1000xf32, #tpu.memory_space<vmem>>, vector<1x1x16xf32>,
        %get3A_1475 = vector.shape_cast %get3A_1474 : vector<1x1x16xf32> to vector<16xf32>
        %swap3A_1476 = arith.constant 1 : i32
        %swap3A_1477 = arith.constant 14 : i32
        %swap3A_1478 = arith.index_cast %swap3A_1476 : i32 to index
        %swap3A_1479 = arith.index_cast %swap3A_1477 : i32 to index
        %swap3A_1480 = arith.index_cast %mul3A_1258 : i32 to index
        %swap3A_1481 = tpu.vector_load %arg5[%swap3A_1478, %swap3A_1479, %swap3A_1480] {strides = array<i32>} : memref<2x22x1000xf32, #tpu.memory_space<vmem>>, vector<1x1x16xf32>,
        %swap3A_1482 = vector.shape_cast %swap3A_1481 : vector<1x1x16xf32> to vector<16xf32>
        %swap3A_1483 = vector.shape_cast %get3A_1475 : vector<16xf32> to vector<1x1x16xf32>
        tpu.vector_store %arg5[%swap3A_1478, %swap3A_1479, %swap3A_1480], %swap3A_1483 {strides = array<i32>} : memref<2x22x1000xf32, #tpu.memory_space<vmem>>, vector<1x1x16xf32>,
        %get3A_1484 = arith.constant 1 : i32
        %get3A_1485 = arith.constant 27 : i32
        %get3A_1486 = arith.index_cast %get3A_1484 : i32 to index
        %get3A_1487 = arith.index_cast %get3A_1485 : i32 to index
        %get3A_1488 = arith.index_cast %mul3A_1258 : i32 to index
        %get3A_1489 = tpu.vector_load %arg4[%get3A_1486, %get3A_1487, %get3A_1488] {strides = array<i32>} : memref<2x40x1000xf32, #tpu.memory_space<vmem>>, vector<1x1x16xf32>,
        %get3A_1490 = vector.shape_cast %get3A_1489 : vector<1x1x16xf32> to vector<16xf32>
        %swap3A_1491 = arith.constant 1 : i32
        %swap3A_1492 = arith.constant 15 : i32
        %swap3A_1493 = arith.index_cast %swap3A_1491 : i32 to index
        %swap3A_1494 = arith.index_cast %swap3A_1492 : i32 to index
        %swap3A_1495 = arith.index_cast %mul3A_1258 : i32 to index
        %swap3A_1496 = tpu.vector_load %arg5[%swap3A_1493, %swap3A_1494, %swap3A_1495] {strides = array<i32>} : memref<2x22x1000xf32, #tpu.memory_space<vmem>>, vector<1x1x16xf32>,
        %swap3A_1497 = vector.shape_cast %swap3A_1496 : vector<1x1x16xf32> to vector<16xf32>
        %swap3A_1498 = vector.shape_cast %get3A_1490 : vector<16xf32> to vector<1x1x16xf32>
        tpu.vector_store %arg5[%swap3A_1493, %swap3A_1494, %swap3A_1495], %swap3A_1498 {strides = array<i32>} : memref<2x22x1000xf32, #tpu.memory_space<vmem>>, vector<1x1x16xf32>,
        %get3A_1499 = arith.constant 1 : i32
        %get3A_1500 = arith.constant 28 : i32
        %get3A_1501 = arith.index_cast %get3A_1499 : i32 to index
        %get3A_1502 = arith.index_cast %get3A_1500 : i32 to index
        %get3A_1503 = arith.index_cast %mul3A_1258 : i32 to index
        %get3A_1504 = tpu.vector_load %arg4[%get3A_1501, %get3A_1502, %get3A_1503] {strides = array<i32>} : memref<2x40x1000xf32, #tpu.memory_space<vmem>>, vector<1x1x16xf32>,
        %get3A_1505 = vector.shape_cast %get3A_1504 : vector<1x1x16xf32> to vector<16xf32>
        %swap3A_1506 = arith.constant 1 : i32
        %swap3A_1507 = arith.constant 16 : i32
        %swap3A_1508 = arith.index_cast %swap3A_1506 : i32 to index
        %swap3A_1509 = arith.index_cast %swap3A_1507 : i32 to index
        %swap3A_1510 = arith.index_cast %mul3A_1258 : i32 to index
        %swap3A_1511 = tpu.vector_load %arg5[%swap3A_1508, %swap3A_1509, %swap3A_1510] {strides = array<i32>} : memref<2x22x1000xf32, #tpu.memory_space<vmem>>, vector<1x1x16xf32>,
        %swap3A_1512 = vector.shape_cast %swap3A_1511 : vector<1x1x16xf32> to vector<16xf32>
        %swap3A_1513 = vector.shape_cast %get3A_1505 : vector<16xf32> to vector<1x1x16xf32>
        tpu.vector_store %arg5[%swap3A_1508, %swap3A_1509, %swap3A_1510], %swap3A_1513 {strides = array<i32>} : memref<2x22x1000xf32, #tpu.memory_space<vmem>>, vector<1x1x16xf32>,
        %get3A_1514 = arith.constant 1 : i32
        %get3A_1515 = arith.constant 31 : i32
        %get3A_1516 = arith.index_cast %get3A_1514 : i32 to index
        %get3A_1517 = arith.index_cast %get3A_1515 : i32 to index
        %get3A_1518 = arith.index_cast %mul3A_1258 : i32 to index
        %get3A_1519 = tpu.vector_load %arg4[%get3A_1516, %get3A_1517, %get3A_1518] {strides = array<i32>} : memref<2x40x1000xf32, #tpu.memory_space<vmem>>, vector<1x1x16xf32>,
        %get3A_1520 = vector.shape_cast %get3A_1519 : vector<1x1x16xf32> to vector<16xf32>
        %swap3A_1521 = arith.constant 1 : i32
        %swap3A_1522 = arith.constant 17 : i32
        %swap3A_1523 = arith.index_cast %swap3A_1521 : i32 to index
        %swap3A_1524 = arith.index_cast %swap3A_1522 : i32 to index
        %swap3A_1525 = arith.index_cast %mul3A_1258 : i32 to index
        %swap3A_1526 = tpu.vector_load %arg5[%swap3A_1523, %swap3A_1524, %swap3A_1525] {strides = array<i32>} : memref<2x22x1000xf32, #tpu.memory_space<vmem>>, vector<1x1x16xf32>,
        %swap3A_1527 = vector.shape_cast %swap3A_1526 : vector<1x1x16xf32> to vector<16xf32>
        %swap3A_1528 = vector.shape_cast %get3A_1520 : vector<16xf32> to vector<1x1x16xf32>
        tpu.vector_store %arg5[%swap3A_1523, %swap3A_1524, %swap3A_1525], %swap3A_1528 {strides = array<i32>} : memref<2x22x1000xf32, #tpu.memory_space<vmem>>, vector<1x1x16xf32>,
        %get3A_1529 = arith.constant 1 : i32
        %get3A_1530 = arith.constant 32 : i32
        %get3A_1531 = arith.index_cast %get3A_1529 : i32 to index
        %get3A_1532 = arith.index_cast %get3A_1530 : i32 to index
        %get3A_1533 = arith.index_cast %mul3A_1258 : i32 to index
        %get3A_1534 = tpu.vector_load %arg4[%get3A_1531, %get3A_1532, %get3A_1533] {strides = array<i32>} : memref<2x40x1000xf32, #tpu.memory_space<vmem>>, vector<1x1x16xf32>,
        %get3A_1535 = vector.shape_cast %get3A_1534 : vector<1x1x16xf32> to vector<16xf32>
        %swap3A_1536 = arith.constant 1 : i32
        %swap3A_1537 = arith.constant 18 : i32
        %swap3A_1538 = arith.index_cast %swap3A_1536 : i32 to index
        %swap3A_1539 = arith.index_cast %swap3A_1537 : i32 to index
        %swap3A_1540 = arith.index_cast %mul3A_1258 : i32 to index
        %swap3A_1541 = tpu.vector_load %arg5[%swap3A_1538, %swap3A_1539, %swap3A_1540] {strides = array<i32>} : memref<2x22x1000xf32, #tpu.memory_space<vmem>>, vector<1x1x16xf32>,
        %swap3A_1542 = vector.shape_cast %swap3A_1541 : vector<1x1x16xf32> to vector<16xf32>
        %swap3A_1543 = vector.shape_cast %get3A_1535 : vector<16xf32> to vector<1x1x16xf32>
        tpu.vector_store %arg5[%swap3A_1538, %swap3A_1539, %swap3A_1540], %swap3A_1543 {strides = array<i32>} : memref<2x22x1000xf32, #tpu.memory_space<vmem>>, vector<1x1x16xf32>,
        %get3A_1544 = arith.constant 1 : i32
        %get3A_1545 = arith.constant 33 : i32
        %get3A_1546 = arith.index_cast %get3A_1544 : i32 to index
        %get3A_1547 = arith.index_cast %get3A_1545 : i32 to index
        %get3A_1548 = arith.index_cast %mul3A_1258 : i32 to index
        %get3A_1549 = tpu.vector_load %arg4[%get3A_1546, %get3A_1547, %get3A_1548] {strides = array<i32>} : memref<2x40x1000xf32, #tpu.memory_space<vmem>>, vector<1x1x16xf32>,
        %get3A_1550 = vector.shape_cast %get3A_1549 : vector<1x1x16xf32> to vector<16xf32>
        %swap3A_1551 = arith.constant 1 : i32
        %swap3A_1552 = arith.constant 19 : i32
        %swap3A_1553 = arith.index_cast %swap3A_1551 : i32 to index
        %swap3A_1554 = arith.index_cast %swap3A_1552 : i32 to index
        %swap3A_1555 = arith.index_cast %mul3A_1258 : i32 to index
        %swap3A_1556 = tpu.vector_load %arg5[%swap3A_1553, %swap3A_1554, %swap3A_1555] {strides = array<i32>} : memref<2x22x1000xf32, #tpu.memory_space<vmem>>, vector<1x1x16xf32>,
        %swap3A_1557 = vector.shape_cast %swap3A_1556 : vector<1x1x16xf32> to vector<16xf32>
        %swap3A_1558 = vector.shape_cast %get3A_1550 : vector<16xf32> to vector<1x1x16xf32>
        tpu.vector_store %arg5[%swap3A_1553, %swap3A_1554, %swap3A_1555], %swap3A_1558 {strides = array<i32>} : memref<2x22x1000xf32, #tpu.memory_space<vmem>>, vector<1x1x16xf32>,
        %get3A_1559 = arith.constant 1 : i32
        %get3A_1560 = arith.constant 34 : i32
        %get3A_1561 = arith.index_cast %get3A_1559 : i32 to index
        %get3A_1562 = arith.index_cast %get3A_1560 : i32 to index
        %get3A_1563 = arith.index_cast %mul3A_1258 : i32 to index
        %get3A_1564 = tpu.vector_load %arg4[%get3A_1561, %get3A_1562, %get3A_1563] {strides = array<i32>} : memref<2x40x1000xf32, #tpu.memory_space<vmem>>, vector<1x1x16xf32>,
        %get3A_1565 = vector.shape_cast %get3A_1564 : vector<1x1x16xf32> to vector<16xf32>
        %swap3A_1566 = arith.constant 1 : i32
        %swap3A_1567 = arith.constant 20 : i32
        %swap3A_1568 = arith.index_cast %swap3A_1566 : i32 to index
        %swap3A_1569 = arith.index_cast %swap3A_1567 : i32 to index
        %swap3A_1570 = arith.index_cast %mul3A_1258 : i32 to index
        %swap3A_1571 = tpu.vector_load %arg5[%swap3A_1568, %swap3A_1569, %swap3A_1570] {strides = array<i32>} : memref<2x22x1000xf32, #tpu.memory_space<vmem>>, vector<1x1x16xf32>,
        %swap3A_1572 = vector.shape_cast %swap3A_1571 : vector<1x1x16xf32> to vector<16xf32>
        %swap3A_1573 = vector.shape_cast %get3A_1565 : vector<16xf32> to vector<1x1x16xf32>
        tpu.vector_store %arg5[%swap3A_1568, %swap3A_1569, %swap3A_1570], %swap3A_1573 {strides = array<i32>} : memref<2x22x1000xf32, #tpu.memory_space<vmem>>, vector<1x1x16xf32>,
        %get3A_1574 = arith.constant 1 : i32
        %get3A_1575 = arith.constant 35 : i32
        %get3A_1576 = arith.index_cast %get3A_1574 : i32 to index
        %get3A_1577 = arith.index_cast %get3A_1575 : i32 to index
        %get3A_1578 = arith.index_cast %mul3A_1258 : i32 to index
        %get3A_1579 = tpu.vector_load %arg4[%get3A_1576, %get3A_1577, %get3A_1578] {strides = array<i32>} : memref<2x40x1000xf32, #tpu.memory_space<vmem>>, vector<1x1x16xf32>,
        %get3A_1580 = vector.shape_cast %get3A_1579 : vector<1x1x16xf32> to vector<16xf32>
        %swap3A_1581 = arith.constant 1 : i32
        %swap3A_1582 = arith.constant 21 : i32
        %swap3A_1583 = arith.index_cast %swap3A_1581 : i32 to index
        %swap3A_1584 = arith.index_cast %swap3A_1582 : i32 to index
        %swap3A_1585 = arith.index_cast %mul3A_1258 : i32 to index
        %swap3A_1586 = tpu.vector_load %arg5[%swap3A_1583, %swap3A_1584, %swap3A_1585] {strides = array<i32>} : memref<2x22x1000xf32, #tpu.memory_space<vmem>>, vector<1x1x16xf32>,
        %swap3A_1587 = vector.shape_cast %swap3A_1586 : vector<1x1x16xf32> to vector<16xf32>
        %swap3A_1588 = vector.shape_cast %get3A_1580 : vector<16xf32> to vector<1x1x16xf32>
        tpu.vector_store %arg5[%swap3A_1583, %swap3A_1584, %swap3A_1585], %swap3A_1588 {strides = array<i32>} : memref<2x22x1000xf32, #tpu.memory_space<vmem>>, vector<1x1x16xf32>,
      }
      %scan3A_869 = arith.constant 62 : i32
      %get3A_870 = arith.constant 1 : i32
      %get3A_871 = arith.constant 21 : i32
      %get3A_872 = arith.index_cast %get3A_870 : i32 to index
      %get3A_873 = arith.index_cast %get3A_871 : i32 to index
      %get3A_874 = arith.constant 984 : index
      %get3A_875 = tpu.vector_load %arg4[%get3A_872, %get3A_873, %get3A_874] {strides = array<i32>} : memref<2x40x1000xf32, #tpu.memory_space<vmem>>, vector<1x1x16xf32>,
      %get3A_876 = vector.shape_cast %get3A_875 : vector<1x1x16xf32> to vector<16xf32>
      %swap3A_877 = arith.constant 1 : i32
      %swap3A_878 = arith.constant 0 : i32
      %swap3A_879 = arith.index_cast %swap3A_877 : i32 to index
      %swap3A_880 = arith.index_cast %swap3A_878 : i32 to index
      %swap3A_881 = arith.constant 984 : index
      %swap3A_882 = tpu.vector_load %arg5[%swap3A_879, %swap3A_880, %swap3A_881] {strides = array<i32>} : memref<2x22x1000xf32, #tpu.memory_space<vmem>>, vector<1x1x16xf32>,
      %swap3A_883 = vector.shape_cast %swap3A_882 : vector<1x1x16xf32> to vector<16xf32>
      %swap3A_884 = vector.shape_cast %get3A_876 : vector<16xf32> to vector<1x1x16xf32>
      tpu.vector_store %arg5[%swap3A_879, %swap3A_880, %swap3A_881], %swap3A_884 {strides = array<i32>} : memref<2x22x1000xf32, #tpu.memory_space<vmem>>, vector<1x1x16xf32>,
      %get3A_885 = arith.constant 1 : i32
      %get3A_886 = arith.constant 6 : i32
      %get3A_887 = arith.index_cast %get3A_885 : i32 to index
      %get3A_888 = arith.index_cast %get3A_886 : i32 to index
      %get3A_889 = arith.constant 984 : index
      %get3A_890 = tpu.vector_load %arg4[%get3A_887, %get3A_888, %get3A_889] {strides = array<i32>} : memref<2x40x1000xf32, #tpu.memory_space<vmem>>, vector<1x1x16xf32>,
      %get3A_891 = vector.shape_cast %get3A_890 : vector<1x1x16xf32> to vector<16xf32>
      %swap3A_892 = arith.constant 1 : i32
      %swap3A_893 = arith.constant 1 : i32
      %swap3A_894 = arith.index_cast %swap3A_892 : i32 to index
      %swap3A_895 = arith.index_cast %swap3A_893 : i32 to index
      %swap3A_896 = arith.constant 984 : index
      %swap3A_897 = tpu.vector_load %arg5[%swap3A_894, %swap3A_895, %swap3A_896] {strides = array<i32>} : memref<2x22x1000xf32, #tpu.memory_space<vmem>>, vector<1x1x16xf32>,
      %swap3A_898 = vector.shape_cast %swap3A_897 : vector<1x1x16xf32> to vector<16xf32>
      %swap3A_899 = vector.shape_cast %get3A_891 : vector<16xf32> to vector<1x1x16xf32>
      tpu.vector_store %arg5[%swap3A_894, %swap3A_895, %swap3A_896], %swap3A_899 {strides = array<i32>} : memref<2x22x1000xf32, #tpu.memory_space<vmem>>, vector<1x1x16xf32>,
      %get3A_900 = arith.constant 1 : i32
      %get3A_901 = arith.constant 7 : i32
      %get3A_902 = arith.index_cast %get3A_900 : i32 to index
      %get3A_903 = arith.index_cast %get3A_901 : i32 to index
      %get3A_904 = arith.constant 984 : index
      %get3A_905 = tpu.vector_load %arg4[%get3A_902, %get3A_903, %get3A_904] {strides = array<i32>} : memref<2x40x1000xf32, #tpu.memory_space<vmem>>, vector<1x1x16xf32>,
      %get3A_906 = vector.shape_cast %get3A_905 : vector<1x1x16xf32> to vector<16xf32>
      %swap3A_907 = arith.constant 1 : i32
      %swap3A_908 = arith.constant 2 : i32
      %swap3A_909 = arith.index_cast %swap3A_907 : i32 to index
      %swap3A_910 = arith.index_cast %swap3A_908 : i32 to index
      %swap3A_911 = arith.constant 984 : index
      %swap3A_912 = tpu.vector_load %arg5[%swap3A_909, %swap3A_910, %swap3A_911] {strides = array<i32>} : memref<2x22x1000xf32, #tpu.memory_space<vmem>>, vector<1x1x16xf32>,
      %swap3A_913 = vector.shape_cast %swap3A_912 : vector<1x1x16xf32> to vector<16xf32>
      %swap3A_914 = vector.shape_cast %get3A_906 : vector<16xf32> to vector<1x1x16xf32>
      tpu.vector_store %arg5[%swap3A_909, %swap3A_910, %swap3A_911], %swap3A_914 {strides = array<i32>} : memref<2x22x1000xf32, #tpu.memory_space<vmem>>, vector<1x1x16xf32>,
      %get3A_915 = arith.constant 1 : i32
      %get3A_916 = arith.constant 8 : i32
      %get3A_917 = arith.index_cast %get3A_915 : i32 to index
      %get3A_918 = arith.index_cast %get3A_916 : i32 to index
      %get3A_919 = arith.constant 984 : index
      %get3A_920 = tpu.vector_load %arg4[%get3A_917, %get3A_918, %get3A_919] {strides = array<i32>} : memref<2x40x1000xf32, #tpu.memory_space<vmem>>, vector<1x1x16xf32>,
      %get3A_921 = vector.shape_cast %get3A_920 : vector<1x1x16xf32> to vector<16xf32>
      %swap3A_922 = arith.constant 1 : i32
      %swap3A_923 = arith.constant 3 : i32
      %swap3A_924 = arith.index_cast %swap3A_922 : i32 to index
      %swap3A_925 = arith.index_cast %swap3A_923 : i32 to index
      %swap3A_926 = arith.constant 984 : index
      %swap3A_927 = tpu.vector_load %arg5[%swap3A_924, %swap3A_925, %swap3A_926] {strides = array<i32>} : memref<2x22x1000xf32, #tpu.memory_space<vmem>>, vector<1x1x16xf32>,
      %swap3A_928 = vector.shape_cast %swap3A_927 : vector<1x1x16xf32> to vector<16xf32>
      %swap3A_929 = vector.shape_cast %get3A_921 : vector<16xf32> to vector<1x1x16xf32>
      tpu.vector_store %arg5[%swap3A_924, %swap3A_925, %swap3A_926], %swap3A_929 {strides = array<i32>} : memref<2x22x1000xf32, #tpu.memory_space<vmem>>, vector<1x1x16xf32>,
      %get3A_930 = arith.constant 1 : i32
      %get3A_931 = arith.constant 9 : i32
      %get3A_932 = arith.index_cast %get3A_930 : i32 to index
      %get3A_933 = arith.index_cast %get3A_931 : i32 to index
      %get3A_934 = arith.constant 984 : index
      %get3A_935 = tpu.vector_load %arg4[%get3A_932, %get3A_933, %get3A_934] {strides = array<i32>} : memref<2x40x1000xf32, #tpu.memory_space<vmem>>, vector<1x1x16xf32>,
      %get3A_936 = vector.shape_cast %get3A_935 : vector<1x1x16xf32> to vector<16xf32>
      %swap3A_937 = arith.constant 1 : i32
      %swap3A_938 = arith.constant 4 : i32
      %swap3A_939 = arith.index_cast %swap3A_937 : i32 to index
      %swap3A_940 = arith.index_cast %swap3A_938 : i32 to index
      %swap3A_941 = arith.constant 984 : index
      %swap3A_942 = tpu.vector_load %arg5[%swap3A_939, %swap3A_940, %swap3A_941] {strides = array<i32>} : memref<2x22x1000xf32, #tpu.memory_space<vmem>>, vector<1x1x16xf32>,
      %swap3A_943 = vector.shape_cast %swap3A_942 : vector<1x1x16xf32> to vector<16xf32>
      %swap3A_944 = vector.shape_cast %get3A_936 : vector<16xf32> to vector<1x1x16xf32>
      tpu.vector_store %arg5[%swap3A_939, %swap3A_940, %swap3A_941], %swap3A_944 {strides = array<i32>} : memref<2x22x1000xf32, #tpu.memory_space<vmem>>, vector<1x1x16xf32>,
      %get3A_945 = arith.constant 1 : i32
      %get3A_946 = arith.constant 10 : i32
      %get3A_947 = arith.index_cast %get3A_945 : i32 to index
      %get3A_948 = arith.index_cast %get3A_946 : i32 to index
      %get3A_949 = arith.constant 984 : index
      %get3A_950 = tpu.vector_load %arg4[%get3A_947, %get3A_948, %get3A_949] {strides = array<i32>} : memref<2x40x1000xf32, #tpu.memory_space<vmem>>, vector<1x1x16xf32>,
      %get3A_951 = vector.shape_cast %get3A_950 : vector<1x1x16xf32> to vector<16xf32>
      %swap3A_952 = arith.constant 1 : i32
      %swap3A_953 = arith.constant 5 : i32
      %swap3A_954 = arith.index_cast %swap3A_952 : i32 to index
      %swap3A_955 = arith.index_cast %swap3A_953 : i32 to index
      %swap3A_956 = arith.constant 984 : index
      %swap3A_957 = tpu.vector_load %arg5[%swap3A_954, %swap3A_955, %swap3A_956] {strides = array<i32>} : memref<2x22x1000xf32, #tpu.memory_space<vmem>>, vector<1x1x16xf32>,
      %swap3A_958 = vector.shape_cast %swap3A_957 : vector<1x1x16xf32> to vector<16xf32>
      %swap3A_959 = vector.shape_cast %get3A_951 : vector<16xf32> to vector<1x1x16xf32>
      tpu.vector_store %arg5[%swap3A_954, %swap3A_955, %swap3A_956], %swap3A_959 {strides = array<i32>} : memref<2x22x1000xf32, #tpu.memory_space<vmem>>, vector<1x1x16xf32>,
      %get3A_960 = arith.constant 1 : i32
      %get3A_961 = arith.constant 13 : i32
      %get3A_962 = arith.index_cast %get3A_960 : i32 to index
      %get3A_963 = arith.index_cast %get3A_961 : i32 to index
      %get3A_964 = arith.constant 984 : index
      %get3A_965 = tpu.vector_load %arg4[%get3A_962, %get3A_963, %get3A_964] {strides = array<i32>} : memref<2x40x1000xf32, #tpu.memory_space<vmem>>, vector<1x1x16xf32>,
      %get3A_966 = vector.shape_cast %get3A_965 : vector<1x1x16xf32> to vector<16xf32>
      %swap3A_967 = arith.constant 1 : i32
      %swap3A_968 = arith.constant 6 : i32
      %swap3A_969 = arith.index_cast %swap3A_967 : i32 to index
      %swap3A_970 = arith.index_cast %swap3A_968 : i32 to index
      %swap3A_971 = arith.constant 984 : index
      %swap3A_972 = tpu.vector_load %arg5[%swap3A_969, %swap3A_970, %swap3A_971] {strides = array<i32>} : memref<2x22x1000xf32, #tpu.memory_space<vmem>>, vector<1x1x16xf32>,
      %swap3A_973 = vector.shape_cast %swap3A_972 : vector<1x1x16xf32> to vector<16xf32>
      %swap3A_974 = vector.shape_cast %get3A_966 : vector<16xf32> to vector<1x1x16xf32>
      tpu.vector_store %arg5[%swap3A_969, %swap3A_970, %swap3A_971], %swap3A_974 {strides = array<i32>} : memref<2x22x1000xf32, #tpu.memory_space<vmem>>, vector<1x1x16xf32>,
      %get3A_975 = arith.constant 1 : i32
      %get3A_976 = arith.constant 14 : i32
      %get3A_977 = arith.index_cast %get3A_975 : i32 to index
      %get3A_978 = arith.index_cast %get3A_976 : i32 to index
      %get3A_979 = arith.constant 984 : index
      %get3A_980 = tpu.vector_load %arg4[%get3A_977, %get3A_978, %get3A_979] {strides = array<i32>} : memref<2x40x1000xf32, #tpu.memory_space<vmem>>, vector<1x1x16xf32>,
      %get3A_981 = vector.shape_cast %get3A_980 : vector<1x1x16xf32> to vector<16xf32>
      %swap3A_982 = arith.constant 1 : i32
      %swap3A_983 = arith.constant 7 : i32
      %swap3A_984 = arith.index_cast %swap3A_982 : i32 to index
      %swap3A_985 = arith.index_cast %swap3A_983 : i32 to index
      %swap3A_986 = arith.constant 984 : index
      %swap3A_987 = tpu.vector_load %arg5[%swap3A_984, %swap3A_985, %swap3A_986] {strides = array<i32>} : memref<2x22x1000xf32, #tpu.memory_space<vmem>>, vector<1x1x16xf32>,
      %swap3A_988 = vector.shape_cast %swap3A_987 : vector<1x1x16xf32> to vector<16xf32>
      %swap3A_989 = vector.shape_cast %get3A_981 : vector<16xf32> to vector<1x1x16xf32>
      tpu.vector_store %arg5[%swap3A_984, %swap3A_985, %swap3A_986], %swap3A_989 {strides = array<i32>} : memref<2x22x1000xf32, #tpu.memory_space<vmem>>, vector<1x1x16xf32>,
      %get3A_990 = arith.constant 1 : i32
      %get3A_991 = arith.constant 15 : i32
      %get3A_992 = arith.index_cast %get3A_990 : i32 to index
      %get3A_993 = arith.index_cast %get3A_991 : i32 to index
      %get3A_994 = arith.constant 984 : index
      %get3A_995 = tpu.vector_load %arg4[%get3A_992, %get3A_993, %get3A_994] {strides = array<i32>} : memref<2x40x1000xf32, #tpu.memory_space<vmem>>, vector<1x1x16xf32>,
      %get3A_996 = vector.shape_cast %get3A_995 : vector<1x1x16xf32> to vector<16xf32>
      %swap3A_997 = arith.constant 1 : i32
      %swap3A_998 = arith.constant 8 : i32
      %swap3A_999 = arith.index_cast %swap3A_997 : i32 to index
      %swap3A_1000 = arith.index_cast %swap3A_998 : i32 to index
      %swap3A_1001 = arith.constant 984 : index
      %swap3A_1002 = tpu.vector_load %arg5[%swap3A_999, %swap3A_1000, %swap3A_1001] {strides = array<i32>} : memref<2x22x1000xf32, #tpu.memory_space<vmem>>, vector<1x1x16xf32>,
      %swap3A_1003 = vector.shape_cast %swap3A_1002 : vector<1x1x16xf32> to vector<16xf32>
      %swap3A_1004 = vector.shape_cast %get3A_996 : vector<16xf32> to vector<1x1x16xf32>
      tpu.vector_store %arg5[%swap3A_999, %swap3A_1000, %swap3A_1001], %swap3A_1004 {strides = array<i32>} : memref<2x22x1000xf32, #tpu.memory_space<vmem>>, vector<1x1x16xf32>,
      %get3A_1005 = arith.constant 1 : i32
      %get3A_1006 = arith.constant 16 : i32
      %get3A_1007 = arith.index_cast %get3A_1005 : i32 to index
      %get3A_1008 = arith.index_cast %get3A_1006 : i32 to index
      %get3A_1009 = arith.constant 984 : index
      %get3A_1010 = tpu.vector_load %arg4[%get3A_1007, %get3A_1008, %get3A_1009] {strides = array<i32>} : memref<2x40x1000xf32, #tpu.memory_space<vmem>>, vector<1x1x16xf32>,
      %get3A_1011 = vector.shape_cast %get3A_1010 : vector<1x1x16xf32> to vector<16xf32>
      %swap3A_1012 = arith.constant 1 : i32
      %swap3A_1013 = arith.constant 9 : i32
      %swap3A_1014 = arith.index_cast %swap3A_1012 : i32 to index
      %swap3A_1015 = arith.index_cast %swap3A_1013 : i32 to index
      %swap3A_1016 = arith.constant 984 : index
      %swap3A_1017 = tpu.vector_load %arg5[%swap3A_1014, %swap3A_1015, %swap3A_1016] {strides = array<i32>} : memref<2x22x1000xf32, #tpu.memory_space<vmem>>, vector<1x1x16xf32>,
      %swap3A_1018 = vector.shape_cast %swap3A_1017 : vector<1x1x16xf32> to vector<16xf32>
      %swap3A_1019 = vector.shape_cast %get3A_1011 : vector<16xf32> to vector<1x1x16xf32>
      tpu.vector_store %arg5[%swap3A_1014, %swap3A_1015, %swap3A_1016], %swap3A_1019 {strides = array<i32>} : memref<2x22x1000xf32, #tpu.memory_space<vmem>>, vector<1x1x16xf32>,
      %get3A_1020 = arith.constant 1 : i32
      %get3A_1021 = arith.constant 19 : i32
      %get3A_1022 = arith.index_cast %get3A_1020 : i32 to index
      %get3A_1023 = arith.index_cast %get3A_1021 : i32 to index
      %get3A_1024 = arith.constant 984 : index
      %get3A_1025 = tpu.vector_load %arg4[%get3A_1022, %get3A_1023, %get3A_1024] {strides = array<i32>} : memref<2x40x1000xf32, #tpu.memory_space<vmem>>, vector<1x1x16xf32>,
      %get3A_1026 = vector.shape_cast %get3A_1025 : vector<1x1x16xf32> to vector<16xf32>
      %swap3A_1027 = arith.constant 1 : i32
      %swap3A_1028 = arith.constant 10 : i32
      %swap3A_1029 = arith.index_cast %swap3A_1027 : i32 to index
      %swap3A_1030 = arith.index_cast %swap3A_1028 : i32 to index
      %swap3A_1031 = arith.constant 984 : index
      %swap3A_1032 = tpu.vector_load %arg5[%swap3A_1029, %swap3A_1030, %swap3A_1031] {strides = array<i32>} : memref<2x22x1000xf32, #tpu.memory_space<vmem>>, vector<1x1x16xf32>,
      %swap3A_1033 = vector.shape_cast %swap3A_1032 : vector<1x1x16xf32> to vector<16xf32>
      %swap3A_1034 = vector.shape_cast %get3A_1026 : vector<16xf32> to vector<1x1x16xf32>
      tpu.vector_store %arg5[%swap3A_1029, %swap3A_1030, %swap3A_1031], %swap3A_1034 {strides = array<i32>} : memref<2x22x1000xf32, #tpu.memory_space<vmem>>, vector<1x1x16xf32>,
      %get3A_1035 = arith.constant 1 : i32
      %get3A_1036 = arith.constant 20 : i32
      %get3A_1037 = arith.index_cast %get3A_1035 : i32 to index
      %get3A_1038 = arith.index_cast %get3A_1036 : i32 to index
      %get3A_1039 = arith.constant 984 : index
      %get3A_1040 = tpu.vector_load %arg4[%get3A_1037, %get3A_1038, %get3A_1039] {strides = array<i32>} : memref<2x40x1000xf32, #tpu.memory_space<vmem>>, vector<1x1x16xf32>,
      %get3A_1041 = vector.shape_cast %get3A_1040 : vector<1x1x16xf32> to vector<16xf32>
      %swap3A_1042 = arith.constant 1 : i32
      %swap3A_1043 = arith.constant 11 : i32
      %swap3A_1044 = arith.index_cast %swap3A_1042 : i32 to index
      %swap3A_1045 = arith.index_cast %swap3A_1043 : i32 to index
      %swap3A_1046 = arith.constant 984 : index
      %swap3A_1047 = tpu.vector_load %arg5[%swap3A_1044, %swap3A_1045, %swap3A_1046] {strides = array<i32>} : memref<2x22x1000xf32, #tpu.memory_space<vmem>>, vector<1x1x16xf32>,
      %swap3A_1048 = vector.shape_cast %swap3A_1047 : vector<1x1x16xf32> to vector<16xf32>
      %swap3A_1049 = vector.shape_cast %get3A_1041 : vector<16xf32> to vector<1x1x16xf32>
      tpu.vector_store %arg5[%swap3A_1044, %swap3A_1045, %swap3A_1046], %swap3A_1049 {strides = array<i32>} : memref<2x22x1000xf32, #tpu.memory_space<vmem>>, vector<1x1x16xf32>,
      %get3A_1050 = arith.constant 1 : i32
      %get3A_1051 = arith.constant 22 : i32
      %get3A_1052 = arith.index_cast %get3A_1050 : i32 to index
      %get3A_1053 = arith.index_cast %get3A_1051 : i32 to index
      %get3A_1054 = arith.constant 984 : index
      %get3A_1055 = tpu.vector_load %arg4[%get3A_1052, %get3A_1053, %get3A_1054] {strides = array<i32>} : memref<2x40x1000xf32, #tpu.memory_space<vmem>>, vector<1x1x16xf32>,
      %get3A_1056 = vector.shape_cast %get3A_1055 : vector<1x1x16xf32> to vector<16xf32>
      %swap3A_1057 = arith.constant 1 : i32
      %swap3A_1058 = arith.constant 12 : i32
      %swap3A_1059 = arith.index_cast %swap3A_1057 : i32 to index
      %swap3A_1060 = arith.index_cast %swap3A_1058 : i32 to index
      %swap3A_1061 = arith.constant 984 : index
      %swap3A_1062 = tpu.vector_load %arg5[%swap3A_1059, %swap3A_1060, %swap3A_1061] {strides = array<i32>} : memref<2x22x1000xf32, #tpu.memory_space<vmem>>, vector<1x1x16xf32>,
      %swap3A_1063 = vector.shape_cast %swap3A_1062 : vector<1x1x16xf32> to vector<16xf32>
      %swap3A_1064 = vector.shape_cast %get3A_1056 : vector<16xf32> to vector<1x1x16xf32>
      tpu.vector_store %arg5[%swap3A_1059, %swap3A_1060, %swap3A_1061], %swap3A_1064 {strides = array<i32>} : memref<2x22x1000xf32, #tpu.memory_space<vmem>>, vector<1x1x16xf32>,
      %get3A_1065 = arith.constant 1 : i32
      %get3A_1066 = arith.constant 25 : i32
      %get3A_1067 = arith.index_cast %get3A_1065 : i32 to index
      %get3A_1068 = arith.index_cast %get3A_1066 : i32 to index
      %get3A_1069 = arith.constant 984 : index
      %get3A_1070 = tpu.vector_load %arg4[%get3A_1067, %get3A_1068, %get3A_1069] {strides = array<i32>} : memref<2x40x1000xf32, #tpu.memory_space<vmem>>, vector<1x1x16xf32>,
      %get3A_1071 = vector.shape_cast %get3A_1070 : vector<1x1x16xf32> to vector<16xf32>
      %swap3A_1072 = arith.constant 1 : i32
      %swap3A_1073 = arith.constant 13 : i32
      %swap3A_1074 = arith.index_cast %swap3A_1072 : i32 to index
      %swap3A_1075 = arith.index_cast %swap3A_1073 : i32 to index
      %swap3A_1076 = arith.constant 984 : index
      %swap3A_1077 = tpu.vector_load %arg5[%swap3A_1074, %swap3A_1075, %swap3A_1076] {strides = array<i32>} : memref<2x22x1000xf32, #tpu.memory_space<vmem>>, vector<1x1x16xf32>,
      %swap3A_1078 = vector.shape_cast %swap3A_1077 : vector<1x1x16xf32> to vector<16xf32>
      %swap3A_1079 = vector.shape_cast %get3A_1071 : vector<16xf32> to vector<1x1x16xf32>
      tpu.vector_store %arg5[%swap3A_1074, %swap3A_1075, %swap3A_1076], %swap3A_1079 {strides = array<i32>} : memref<2x22x1000xf32, #tpu.memory_space<vmem>>, vector<1x1x16xf32>,
      %get3A_1080 = arith.constant 1 : i32
      %get3A_1081 = arith.constant 26 : i32
      %get3A_1082 = arith.index_cast %get3A_1080 : i32 to index
      %get3A_1083 = arith.index_cast %get3A_1081 : i32 to index
      %get3A_1084 = arith.constant 984 : index
      %get3A_1085 = tpu.vector_load %arg4[%get3A_1082, %get3A_1083, %get3A_1084] {strides = array<i32>} : memref<2x40x1000xf32, #tpu.memory_space<vmem>>, vector<1x1x16xf32>,
      %get3A_1086 = vector.shape_cast %get3A_1085 : vector<1x1x16xf32> to vector<16xf32>
      %swap3A_1087 = arith.constant 1 : i32
      %swap3A_1088 = arith.constant 14 : i32
      %swap3A_1089 = arith.index_cast %swap3A_1087 : i32 to index
      %swap3A_1090 = arith.index_cast %swap3A_1088 : i32 to index
      %swap3A_1091 = arith.constant 984 : index
      %swap3A_1092 = tpu.vector_load %arg5[%swap3A_1089, %swap3A_1090, %swap3A_1091] {strides = array<i32>} : memref<2x22x1000xf32, #tpu.memory_space<vmem>>, vector<1x1x16xf32>,
      %swap3A_1093 = vector.shape_cast %swap3A_1092 : vector<1x1x16xf32> to vector<16xf32>
      %swap3A_1094 = vector.shape_cast %get3A_1086 : vector<16xf32> to vector<1x1x16xf32>
      tpu.vector_store %arg5[%swap3A_1089, %swap3A_1090, %swap3A_1091], %swap3A_1094 {strides = array<i32>} : memref<2x22x1000xf32, #tpu.memory_space<vmem>>, vector<1x1x16xf32>,
      %get3A_1095 = arith.constant 1 : i32
      %get3A_1096 = arith.constant 27 : i32
      %get3A_1097 = arith.index_cast %get3A_1095 : i32 to index
      %get3A_1098 = arith.index_cast %get3A_1096 : i32 to index
      %get3A_1099 = arith.constant 984 : index
      %get3A_1100 = tpu.vector_load %arg4[%get3A_1097, %get3A_1098, %get3A_1099] {strides = array<i32>} : memref<2x40x1000xf32, #tpu.memory_space<vmem>>, vector<1x1x16xf32>,
      %get3A_1101 = vector.shape_cast %get3A_1100 : vector<1x1x16xf32> to vector<16xf32>
      %swap3A_1102 = arith.constant 1 : i32
      %swap3A_1103 = arith.constant 15 : i32
      %swap3A_1104 = arith.index_cast %swap3A_1102 : i32 to index
      %swap3A_1105 = arith.index_cast %swap3A_1103 : i32 to index
      %swap3A_1106 = arith.constant 984 : index
      %swap3A_1107 = tpu.vector_load %arg5[%swap3A_1104, %swap3A_1105, %swap3A_1106] {strides = array<i32>} : memref<2x22x1000xf32, #tpu.memory_space<vmem>>, vector<1x1x16xf32>,
      %swap3A_1108 = vector.shape_cast %swap3A_1107 : vector<1x1x16xf32> to vector<16xf32>
      %swap3A_1109 = vector.shape_cast %get3A_1101 : vector<16xf32> to vector<1x1x16xf32>
      tpu.vector_store %arg5[%swap3A_1104, %swap3A_1105, %swap3A_1106], %swap3A_1109 {strides = array<i32>} : memref<2x22x1000xf32, #tpu.memory_space<vmem>>, vector<1x1x16xf32>,
      %get3A_1110 = arith.constant 1 : i32
      %get3A_1111 = arith.constant 28 : i32
      %get3A_1112 = arith.index_cast %get3A_1110 : i32 to index
      %get3A_1113 = arith.index_cast %get3A_1111 : i32 to index
      %get3A_1114 = arith.constant 984 : index
      %get3A_1115 = tpu.vector_load %arg4[%get3A_1112, %get3A_1113, %get3A_1114] {strides = array<i32>} : memref<2x40x1000xf32, #tpu.memory_space<vmem>>, vector<1x1x16xf32>,
      %get3A_1116 = vector.shape_cast %get3A_1115 : vector<1x1x16xf32> to vector<16xf32>
      %swap3A_1117 = arith.constant 1 : i32
      %swap3A_1118 = arith.constant 16 : i32
      %swap3A_1119 = arith.index_cast %swap3A_1117 : i32 to index
      %swap3A_1120 = arith.index_cast %swap3A_1118 : i32 to index
      %swap3A_1121 = arith.constant 984 : index
      %swap3A_1122 = tpu.vector_load %arg5[%swap3A_1119, %swap3A_1120, %swap3A_1121] {strides = array<i32>} : memref<2x22x1000xf32, #tpu.memory_space<vmem>>, vector<1x1x16xf32>,
      %swap3A_1123 = vector.shape_cast %swap3A_1122 : vector<1x1x16xf32> to vector<16xf32>
      %swap3A_1124 = vector.shape_cast %get3A_1116 : vector<16xf32> to vector<1x1x16xf32>
      tpu.vector_store %arg5[%swap3A_1119, %swap3A_1120, %swap3A_1121], %swap3A_1124 {strides = array<i32>} : memref<2x22x1000xf32, #tpu.memory_space<vmem>>, vector<1x1x16xf32>,
      %get3A_1125 = arith.constant 1 : i32
      %get3A_1126 = arith.constant 31 : i32
      %get3A_1127 = arith.index_cast %get3A_1125 : i32 to index
      %get3A_1128 = arith.index_cast %get3A_1126 : i32 to index
      %get3A_1129 = arith.constant 984 : index
      %get3A_1130 = tpu.vector_load %arg4[%get3A_1127, %get3A_1128, %get3A_1129] {strides = array<i32>} : memref<2x40x1000xf32, #tpu.memory_space<vmem>>, vector<1x1x16xf32>,
      %get3A_1131 = vector.shape_cast %get3A_1130 : vector<1x1x16xf32> to vector<16xf32>
      %swap3A_1132 = arith.constant 1 : i32
      %swap3A_1133 = arith.constant 17 : i32
      %swap3A_1134 = arith.index_cast %swap3A_1132 : i32 to index
      %swap3A_1135 = arith.index_cast %swap3A_1133 : i32 to index
      %swap3A_1136 = arith.constant 984 : index
      %swap3A_1137 = tpu.vector_load %arg5[%swap3A_1134, %swap3A_1135, %swap3A_1136] {strides = array<i32>} : memref<2x22x1000xf32, #tpu.memory_space<vmem>>, vector<1x1x16xf32>,
      %swap3A_1138 = vector.shape_cast %swap3A_1137 : vector<1x1x16xf32> to vector<16xf32>
      %swap3A_1139 = vector.shape_cast %get3A_1131 : vector<16xf32> to vector<1x1x16xf32>
      tpu.vector_store %arg5[%swap3A_1134, %swap3A_1135, %swap3A_1136], %swap3A_1139 {strides = array<i32>} : memref<2x22x1000xf32, #tpu.memory_space<vmem>>, vector<1x1x16xf32>,
      %get3A_1140 = arith.constant 1 : i32
      %get3A_1141 = arith.constant 32 : i32
      %get3A_1142 = arith.index_cast %get3A_1140 : i32 to index
      %get3A_1143 = arith.index_cast %get3A_1141 : i32 to index
      %get3A_1144 = arith.constant 984 : index
      %get3A_1145 = tpu.vector_load %arg4[%get3A_1142, %get3A_1143, %get3A_1144] {strides = array<i32>} : memref<2x40x1000xf32, #tpu.memory_space<vmem>>, vector<1x1x16xf32>,
      %get3A_1146 = vector.shape_cast %get3A_1145 : vector<1x1x16xf32> to vector<16xf32>
      %swap3A_1147 = arith.constant 1 : i32
      %swap3A_1148 = arith.constant 18 : i32
      %swap3A_1149 = arith.index_cast %swap3A_1147 : i32 to index
      %swap3A_1150 = arith.index_cast %swap3A_1148 : i32 to index
      %swap3A_1151 = arith.constant 984 : index
      %swap3A_1152 = tpu.vector_load %arg5[%swap3A_1149, %swap3A_1150, %swap3A_1151] {strides = array<i32>} : memref<2x22x1000xf32, #tpu.memory_space<vmem>>, vector<1x1x16xf32>,
      %swap3A_1153 = vector.shape_cast %swap3A_1152 : vector<1x1x16xf32> to vector<16xf32>
      %swap3A_1154 = vector.shape_cast %get3A_1146 : vector<16xf32> to vector<1x1x16xf32>
      tpu.vector_store %arg5[%swap3A_1149, %swap3A_1150, %swap3A_1151], %swap3A_1154 {strides = array<i32>} : memref<2x22x1000xf32, #tpu.memory_space<vmem>>, vector<1x1x16xf32>,
      %get3A_1155 = arith.constant 1 : i32
      %get3A_1156 = arith.constant 33 : i32
      %get3A_1157 = arith.index_cast %get3A_1155 : i32 to index
      %get3A_1158 = arith.index_cast %get3A_1156 : i32 to index
      %get3A_1159 = arith.constant 984 : index
      %get3A_1160 = tpu.vector_load %arg4[%get3A_1157, %get3A_1158, %get3A_1159] {strides = array<i32>} : memref<2x40x1000xf32, #tpu.memory_space<vmem>>, vector<1x1x16xf32>,
      %get3A_1161 = vector.shape_cast %get3A_1160 : vector<1x1x16xf32> to vector<16xf32>
      %swap3A_1162 = arith.constant 1 : i32
      %swap3A_1163 = arith.constant 19 : i32
      %swap3A_1164 = arith.index_cast %swap3A_1162 : i32 to index
      %swap3A_1165 = arith.index_cast %swap3A_1163 : i32 to index
      %swap3A_1166 = arith.constant 984 : index
      %swap3A_1167 = tpu.vector_load %arg5[%swap3A_1164, %swap3A_1165, %swap3A_1166] {strides = array<i32>} : memref<2x22x1000xf32, #tpu.memory_space<vmem>>, vector<1x1x16xf32>,
      %swap3A_1168 = vector.shape_cast %swap3A_1167 : vector<1x1x16xf32> to vector<16xf32>
      %swap3A_1169 = vector.shape_cast %get3A_1161 : vector<16xf32> to vector<1x1x16xf32>
      tpu.vector_store %arg5[%swap3A_1164, %swap3A_1165, %swap3A_1166], %swap3A_1169 {strides = array<i32>} : memref<2x22x1000xf32, #tpu.memory_space<vmem>>, vector<1x1x16xf32>,
      %get3A_1170 = arith.constant 1 : i32
      %get3A_1171 = arith.constant 34 : i32
      %get3A_1172 = arith.index_cast %get3A_1170 : i32 to index
      %get3A_1173 = arith.index_cast %get3A_1171 : i32 to index
      %get3A_1174 = arith.constant 984 : index
      %get3A_1175 = tpu.vector_load %arg4[%get3A_1172, %get3A_1173, %get3A_1174] {strides = array<i32>} : memref<2x40x1000xf32, #tpu.memory_space<vmem>>, vector<1x1x16xf32>,
      %get3A_1176 = vector.shape_cast %get3A_1175 : vector<1x1x16xf32> to vector<16xf32>
      %swap3A_1177 = arith.constant 1 : i32
      %swap3A_1178 = arith.constant 20 : i32
      %swap3A_1179 = arith.index_cast %swap3A_1177 : i32 to index
      %swap3A_1180 = arith.index_cast %swap3A_1178 : i32 to index
      %swap3A_1181 = arith.constant 984 : index
      %swap3A_1182 = tpu.vector_load %arg5[%swap3A_1179, %swap3A_1180, %swap3A_1181] {strides = array<i32>} : memref<2x22x1000xf32, #tpu.memory_space<vmem>>, vector<1x1x16xf32>,
      %swap3A_1183 = vector.shape_cast %swap3A_1182 : vector<1x1x16xf32> to vector<16xf32>
      %swap3A_1184 = vector.shape_cast %get3A_1176 : vector<16xf32> to vector<1x1x16xf32>
      tpu.vector_store %arg5[%swap3A_1179, %swap3A_1180, %swap3A_1181], %swap3A_1184 {strides = array<i32>} : memref<2x22x1000xf32, #tpu.memory_space<vmem>>, vector<1x1x16xf32>,
      %get3A_1185 = arith.constant 1 : i32
      %get3A_1186 = arith.constant 35 : i32
      %get3A_1187 = arith.index_cast %get3A_1185 : i32 to index
      %get3A_1188 = arith.index_cast %get3A_1186 : i32 to index
      %get3A_1189 = arith.constant 984 : index
      %get3A_1190 = tpu.vector_load %arg4[%get3A_1187, %get3A_1188, %get3A_1189] {strides = array<i32>} : memref<2x40x1000xf32, #tpu.memory_space<vmem>>, vector<1x1x16xf32>,
      %get3A_1191 = vector.shape_cast %get3A_1190 : vector<1x1x16xf32> to vector<16xf32>
      %swap3A_1192 = arith.constant 1 : i32
      %swap3A_1193 = arith.constant 21 : i32
      %swap3A_1194 = arith.index_cast %swap3A_1192 : i32 to index
      %swap3A_1195 = arith.index_cast %swap3A_1193 : i32 to index
      %swap3A_1196 = arith.constant 984 : index
      %swap3A_1197 = tpu.vector_load %arg5[%swap3A_1194, %swap3A_1195, %swap3A_1196] {strides = array<i32>} : memref<2x22x1000xf32, #tpu.memory_space<vmem>>, vector<1x1x16xf32>,
      %swap3A_1198 = vector.shape_cast %swap3A_1197 : vector<1x1x16xf32> to vector<16xf32>
      %swap3A_1199 = vector.shape_cast %get3A_1191 : vector<16xf32> to vector<1x1x16xf32>
      tpu.vector_store %arg5[%swap3A_1194, %swap3A_1195, %swap3A_1196], %swap3A_1199 {strides = array<i32>} : memref<2x22x1000xf32, #tpu.memory_space<vmem>>, vector<1x1x16xf32>,
      %lt3A_1200 = arith.constant 15 : i32
      %lt3A_1201 = arith.cmpi slt, %scan3A_287, %lt3A_1200 : i32
      %convert_element_type3A_1202 = arith.extui %lt3A_1201 : i1 to i32
      %cond3A_1203 = arith.constant 0 : i32
      %cond3A_1204 = arith.cmpi ne, %convert_element_type3A_1202, %cond3A_1203 : i32
      scf.if %cond3A_1204 {
        %add3A_1256 = arith.constant 2 : i32
        %add3A_1257 = arith.addi %add3A_773, %add3A_1256 : i32
        %dma_start3A_1258 = arith.constant 1 : i32
        %dma_start3A_1259 = arith.constant 0 : i32
        %dma_start3A_1260 = arith.constant 0 : i32
        %dma_start3A_1261 = tpu.memref_slice %arg4[%dma_start3A_1258, %dma_start3A_1259, %dma_start3A_1260] : memref<2x40x1000xf32, #tpu.memory_space<vmem>> -> memref<1x8x1000xf32, #tpu.memory_space<vmem>>
        %dma_start3A_1262 = tpu.memref_squeeze %dma_start3A_1261 : memref<1x8x1000xf32, #tpu.memory_space<vmem>> -> memref<8x1000xf32, #tpu.memory_space<vmem>>
        %dma_start3A_1263 = arith.constant 0 : i32
        %dma_start3A_1264 = arith.constant 0 : i32
        %dma_start3A_1265 = tpu.memref_slice %arg2[%add3A_1257, %dma_start3A_1263, %dma_start3A_1264] : memref<1024x44x1000xf32, #tpu.memory_space<hbm>> -> memref<1x8x1000xf32, #tpu.memory_space<hbm>>
        %dma_start3A_1266 = tpu.memref_squeeze %dma_start3A_1265 : memref<1x8x1000xf32, #tpu.memory_space<hbm>> -> memref<8x1000xf32, #tpu.memory_space<hbm>>
        %dma_start3A_1267 = arith.constant 0 : i32
        %dma_start3A_1268 = arith.constant 0 : i32
        %dma_start3A_1269 = tpu.memref_slice %arg4[%dma_start3A_1258, %dma_start3A_1267, %dma_start3A_1268] : memref<2x40x1000xf32, #tpu.memory_space<vmem>> -> memref<1x8x1000xf32, #tpu.memory_space<vmem>>
        %dma_start3A_1270 = tpu.memref_squeeze %dma_start3A_1269 : memref<1x8x1000xf32, #tpu.memory_space<vmem>> -> memref<8x1000xf32, #tpu.memory_space<vmem>>
        %dma_start3A_1271 = arith.constant 0 : i32
        %dma_start3A_1272 = arith.constant 0 : i32
        %dma_start3A_1273 = tpu.memref_slice %arg2[%add3A_1257, %dma_start3A_1271, %dma_start3A_1272] : memref<1024x44x1000xf32, #tpu.memory_space<hbm>> -> memref<1x8x1000xf32, #tpu.memory_space<hbm>>
        %dma_start3A_1274 = tpu.memref_squeeze %dma_start3A_1273 : memref<1x8x1000xf32, #tpu.memory_space<hbm>> -> memref<8x1000xf32, #tpu.memory_space<hbm>>
        tpu.enqueue_dma source(%dma_start3A_1274 : memref<8x1000xf32, #tpu.memory_space<hbm>>) target(%dma_start3A_1270 : memref<8x1000xf32, #tpu.memory_space<vmem>>) target_semaphore(%arg11 : memref<!tpu.dma_semaphore, #tpu.memory_space<semaphore_mem>>)
        %dma_start3A_1275 = arith.constant 1 : i32
        %dma_start3A_1276 = arith.constant 8 : i32
        %dma_start3A_1277 = arith.constant 0 : i32
        %dma_start3A_1278 = tpu.memref_slice %arg4[%dma_start3A_1275, %dma_start3A_1276, %dma_start3A_1277] : memref<2x40x1000xf32, #tpu.memory_space<vmem>> -> memref<1x8x1000xf32, #tpu.memory_space<vmem>>
        %dma_start3A_1279 = tpu.memref_squeeze %dma_start3A_1278 : memref<1x8x1000xf32, #tpu.memory_space<vmem>> -> memref<8x1000xf32, #tpu.memory_space<vmem>>
        %dma_start3A_1280 = arith.constant 8 : i32
        %dma_start3A_1281 = arith.constant 0 : i32
        %dma_start3A_1282 = tpu.memref_slice %arg2[%add3A_1257, %dma_start3A_1280, %dma_start3A_1281] : memref<1024x44x1000xf32, #tpu.memory_space<hbm>> -> memref<1x8x1000xf32, #tpu.memory_space<hbm>>
        %dma_start3A_1283 = tpu.memref_squeeze %dma_start3A_1282 : memref<1x8x1000xf32, #tpu.memory_space<hbm>> -> memref<8x1000xf32, #tpu.memory_space<hbm>>
        %dma_start3A_1284 = arith.constant 8 : i32
        %dma_start3A_1285 = arith.constant 0 : i32
        %dma_start3A_1286 = tpu.memref_slice %arg4[%dma_start3A_1275, %dma_start3A_1284, %dma_start3A_1285] : memref<2x40x1000xf32, #tpu.memory_space<vmem>> -> memref<1x8x1000xf32, #tpu.memory_space<vmem>>
        %dma_start3A_1287 = tpu.memref_squeeze %dma_start3A_1286 : memref<1x8x1000xf32, #tpu.memory_space<vmem>> -> memref<8x1000xf32, #tpu.memory_space<vmem>>
        %dma_start3A_1288 = arith.constant 8 : i32
        %dma_start3A_1289 = arith.constant 0 : i32
        %dma_start3A_1290 = tpu.memref_slice %arg2[%add3A_1257, %dma_start3A_1288, %dma_start3A_1289] : memref<1024x44x1000xf32, #tpu.memory_space<hbm>> -> memref<1x8x1000xf32, #tpu.memory_space<hbm>>
        %dma_start3A_1291 = tpu.memref_squeeze %dma_start3A_1290 : memref<1x8x1000xf32, #tpu.memory_space<hbm>> -> memref<8x1000xf32, #tpu.memory_space<hbm>>
        tpu.enqueue_dma source(%dma_start3A_1291 : memref<8x1000xf32, #tpu.memory_space<hbm>>) target(%dma_start3A_1287 : memref<8x1000xf32, #tpu.memory_space<vmem>>) target_semaphore(%arg12 : memref<!tpu.dma_semaphore, #tpu.memory_space<semaphore_mem>>)
        %dma_start3A_1292 = arith.constant 1 : i32
        %dma_start3A_1293 = arith.constant 16 : i32
        %dma_start3A_1294 = arith.constant 0 : i32
        %dma_start3A_1295 = tpu.memref_slice %arg4[%dma_start3A_1292, %dma_start3A_1293, %dma_start3A_1294] : memref<2x40x1000xf32, #tpu.memory_space<vmem>> -> memref<1x8x1000xf32, #tpu.memory_space<vmem>>
        %dma_start3A_1296 = tpu.memref_squeeze %dma_start3A_1295 : memref<1x8x1000xf32, #tpu.memory_space<vmem>> -> memref<8x1000xf32, #tpu.memory_space<vmem>>
        %dma_start3A_1297 = arith.constant 16 : i32
        %dma_start3A_1298 = arith.constant 0 : i32
        %dma_start3A_1299 = tpu.memref_slice %arg2[%add3A_1257, %dma_start3A_1297, %dma_start3A_1298] : memref<1024x44x1000xf32, #tpu.memory_space<hbm>> -> memref<1x8x1000xf32, #tpu.memory_space<hbm>>
        %dma_start3A_1300 = tpu.memref_squeeze %dma_start3A_1299 : memref<1x8x1000xf32, #tpu.memory_space<hbm>> -> memref<8x1000xf32, #tpu.memory_space<hbm>>
        %dma_start3A_1301 = arith.constant 16 : i32
        %dma_start3A_1302 = arith.constant 0 : i32
        %dma_start3A_1303 = tpu.memref_slice %arg4[%dma_start3A_1292, %dma_start3A_1301, %dma_start3A_1302] : memref<2x40x1000xf32, #tpu.memory_space<vmem>> -> memref<1x8x1000xf32, #tpu.memory_space<vmem>>
        %dma_start3A_1304 = tpu.memref_squeeze %dma_start3A_1303 : memref<1x8x1000xf32, #tpu.memory_space<vmem>> -> memref<8x1000xf32, #tpu.memory_space<vmem>>
        %dma_start3A_1305 = arith.constant 16 : i32
        %dma_start3A_1306 = arith.constant 0 : i32
        %dma_start3A_1307 = tpu.memref_slice %arg2[%add3A_1257, %dma_start3A_1305, %dma_start3A_1306] : memref<1024x44x1000xf32, #tpu.memory_space<hbm>> -> memref<1x8x1000xf32, #tpu.memory_space<hbm>>
        %dma_start3A_1308 = tpu.memref_squeeze %dma_start3A_1307 : memref<1x8x1000xf32, #tpu.memory_space<hbm>> -> memref<8x1000xf32, #tpu.memory_space<hbm>>
        tpu.enqueue_dma source(%dma_start3A_1308 : memref<8x1000xf32, #tpu.memory_space<hbm>>) target(%dma_start3A_1304 : memref<8x1000xf32, #tpu.memory_space<vmem>>) target_semaphore(%arg13 : memref<!tpu.dma_semaphore, #tpu.memory_space<semaphore_mem>>)
        %dma_start3A_1309 = arith.constant 1 : i32
        %dma_start3A_1310 = arith.constant 24 : i32
        %dma_start3A_1311 = arith.constant 0 : i32
        %dma_start3A_1312 = tpu.memref_slice %arg4[%dma_start3A_1309, %dma_start3A_1310, %dma_start3A_1311] : memref<2x40x1000xf32, #tpu.memory_space<vmem>> -> memref<1x8x1000xf32, #tpu.memory_space<vmem>>
        %dma_start3A_1313 = tpu.memref_squeeze %dma_start3A_1312 : memref<1x8x1000xf32, #tpu.memory_space<vmem>> -> memref<8x1000xf32, #tpu.memory_space<vmem>>
        %dma_start3A_1314 = arith.constant 24 : i32
        %dma_start3A_1315 = arith.constant 0 : i32
        %dma_start3A_1316 = tpu.memref_slice %arg2[%add3A_1257, %dma_start3A_1314, %dma_start3A_1315] : memref<1024x44x1000xf32, #tpu.memory_space<hbm>> -> memref<1x8x1000xf32, #tpu.memory_space<hbm>>
        %dma_start3A_1317 = tpu.memref_squeeze %dma_start3A_1316 : memref<1x8x1000xf32, #tpu.memory_space<hbm>> -> memref<8x1000xf32, #tpu.memory_space<hbm>>
        %dma_start3A_1318 = arith.constant 24 : i32
        %dma_start3A_1319 = arith.constant 0 : i32
        %dma_start3A_1320 = tpu.memref_slice %arg4[%dma_start3A_1309, %dma_start3A_1318, %dma_start3A_1319] : memref<2x40x1000xf32, #tpu.memory_space<vmem>> -> memref<1x8x1000xf32, #tpu.memory_space<vmem>>
        %dma_start3A_1321 = tpu.memref_squeeze %dma_start3A_1320 : memref<1x8x1000xf32, #tpu.memory_space<vmem>> -> memref<8x1000xf32, #tpu.memory_space<vmem>>
        %dma_start3A_1322 = arith.constant 24 : i32
        %dma_start3A_1323 = arith.constant 0 : i32
        %dma_start3A_1324 = tpu.memref_slice %arg2[%add3A_1257, %dma_start3A_1322, %dma_start3A_1323] : memref<1024x44x1000xf32, #tpu.memory_space<hbm>> -> memref<1x8x1000xf32, #tpu.memory_space<hbm>>
        %dma_start3A_1325 = tpu.memref_squeeze %dma_start3A_1324 : memref<1x8x1000xf32, #tpu.memory_space<hbm>> -> memref<8x1000xf32, #tpu.memory_space<hbm>>
        tpu.enqueue_dma source(%dma_start3A_1325 : memref<8x1000xf32, #tpu.memory_space<hbm>>) target(%dma_start3A_1321 : memref<8x1000xf32, #tpu.memory_space<vmem>>) target_semaphore(%arg14 : memref<!tpu.dma_semaphore, #tpu.memory_space<semaphore_mem>>)
        %dma_start3A_1326 = arith.constant 1 : i32
        %dma_start3A_1327 = arith.constant 32 : i32
        %dma_start3A_1328 = arith.constant 0 : i32
        %dma_start3A_1329 = tpu.memref_slice %arg4[%dma_start3A_1326, %dma_start3A_1327, %dma_start3A_1328] : memref<2x40x1000xf32, #tpu.memory_space<vmem>> -> memref<1x8x1000xf32, #tpu.memory_space<vmem>>
        %dma_start3A_1330 = tpu.memref_squeeze %dma_start3A_1329 : memref<1x8x1000xf32, #tpu.memory_space<vmem>> -> memref<8x1000xf32, #tpu.memory_space<vmem>>
        %dma_start3A_1331 = arith.constant 32 : i32
        %dma_start3A_1332 = arith.constant 0 : i32
        %dma_start3A_1333 = tpu.memref_slice %arg2[%add3A_1257, %dma_start3A_1331, %dma_start3A_1332] : memref<1024x44x1000xf32, #tpu.memory_space<hbm>> -> memref<1x8x1000xf32, #tpu.memory_space<hbm>>
        %dma_start3A_1334 = tpu.memref_squeeze %dma_start3A_1333 : memref<1x8x1000xf32, #tpu.memory_space<hbm>> -> memref<8x1000xf32, #tpu.memory_space<hbm>>
        %dma_start3A_1335 = arith.constant 32 : i32
        %dma_start3A_1336 = arith.constant 0 : i32
        %dma_start3A_1337 = tpu.memref_slice %arg4[%dma_start3A_1326, %dma_start3A_1335, %dma_start3A_1336] : memref<2x40x1000xf32, #tpu.memory_space<vmem>> -> memref<1x8x1000xf32, #tpu.memory_space<vmem>>
        %dma_start3A_1338 = tpu.memref_squeeze %dma_start3A_1337 : memref<1x8x1000xf32, #tpu.memory_space<vmem>> -> memref<8x1000xf32, #tpu.memory_space<vmem>>
        %dma_start3A_1339 = arith.constant 32 : i32
        %dma_start3A_1340 = arith.constant 0 : i32
        %dma_start3A_1341 = tpu.memref_slice %arg2[%add3A_1257, %dma_start3A_1339, %dma_start3A_1340] : memref<1024x44x1000xf32, #tpu.memory_space<hbm>> -> memref<1x8x1000xf32, #tpu.memory_space<hbm>>
        %dma_start3A_1342 = tpu.memref_squeeze %dma_start3A_1341 : memref<1x8x1000xf32, #tpu.memory_space<hbm>> -> memref<8x1000xf32, #tpu.memory_space<hbm>>
        tpu.enqueue_dma source(%dma_start3A_1342 : memref<8x1000xf32, #tpu.memory_space<hbm>>) target(%dma_start3A_1338 : memref<8x1000xf32, #tpu.memory_space<vmem>>) target_semaphore(%arg15 : memref<!tpu.dma_semaphore, #tpu.memory_space<semaphore_mem>>)
      } else {
      }
      %dma_start3A_1205 = arith.constant 1 : i32
      %dma_start3A_1206 = arith.constant 0 : i32
      %dma_start3A_1207 = arith.constant 0 : i32
      %dma_start3A_1208 = tpu.memref_slice %arg5[%dma_start3A_1205, %dma_start3A_1206, %dma_start3A_1207] : memref<2x22x1000xf32, #tpu.memory_space<vmem>> -> memref<1x8x1000xf32, #tpu.memory_space<vmem>>
      %dma_start3A_1209 = tpu.memref_squeeze %dma_start3A_1208 : memref<1x8x1000xf32, #tpu.memory_space<vmem>> -> memref<8x1000xf32, #tpu.memory_space<vmem>>
      %dma_start3A_1210 = arith.constant 0 : i32
      %dma_start3A_1211 = arith.constant 0 : i32
      %dma_start3A_1212 = tpu.memref_slice %arg3[%add3A_773, %dma_start3A_1210, %dma_start3A_1211] : memref<1024x22x1000xf32, #tpu.memory_space<hbm>> -> memref<1x8x1000xf32, #tpu.memory_space<hbm>>
      %dma_start3A_1213 = tpu.memref_squeeze %dma_start3A_1212 : memref<1x8x1000xf32, #tpu.memory_space<hbm>> -> memref<8x1000xf32, #tpu.memory_space<hbm>>
      %dma_start3A_1214 = arith.constant 0 : i32
      %dma_start3A_1215 = arith.constant 0 : i32
      %dma_start3A_1216 = tpu.memref_slice %arg3[%add3A_773, %dma_start3A_1214, %dma_start3A_1215] : memref<1024x22x1000xf32, #tpu.memory_space<hbm>> -> memref<1x8x1000xf32, #tpu.memory_space<hbm>>
      %dma_start3A_1217 = tpu.memref_squeeze %dma_start3A_1216 : memref<1x8x1000xf32, #tpu.memory_space<hbm>> -> memref<8x1000xf32, #tpu.memory_space<hbm>>
      %dma_start3A_1218 = arith.constant 0 : i32
      %dma_start3A_1219 = arith.constant 0 : i32
      %dma_start3A_1220 = tpu.memref_slice %arg5[%dma_start3A_1205, %dma_start3A_1218, %dma_start3A_1219] : memref<2x22x1000xf32, #tpu.memory_space<vmem>> -> memref<1x8x1000xf32, #tpu.memory_space<vmem>>
      %dma_start3A_1221 = tpu.memref_squeeze %dma_start3A_1220 : memref<1x8x1000xf32, #tpu.memory_space<vmem>> -> memref<8x1000xf32, #tpu.memory_space<vmem>>
      tpu.enqueue_dma source(%dma_start3A_1221 : memref<8x1000xf32, #tpu.memory_space<vmem>>) target(%dma_start3A_1217 : memref<8x1000xf32, #tpu.memory_space<hbm>>) target_semaphore(%arg19 : memref<!tpu.dma_semaphore, #tpu.memory_space<semaphore_mem>>)
      %dma_start3A_1222 = arith.constant 1 : i32
      %dma_start3A_1223 = arith.constant 8 : i32
      %dma_start3A_1224 = arith.constant 0 : i32
      %dma_start3A_1225 = tpu.memref_slice %arg5[%dma_start3A_1222, %dma_start3A_1223, %dma_start3A_1224] : memref<2x22x1000xf32, #tpu.memory_space<vmem>> -> memref<1x8x1000xf32, #tpu.memory_space<vmem>>
      %dma_start3A_1226 = tpu.memref_squeeze %dma_start3A_1225 : memref<1x8x1000xf32, #tpu.memory_space<vmem>> -> memref<8x1000xf32, #tpu.memory_space<vmem>>
      %dma_start3A_1227 = arith.constant 8 : i32
      %dma_start3A_1228 = arith.constant 0 : i32
      %dma_start3A_1229 = tpu.memref_slice %arg3[%add3A_773, %dma_start3A_1227, %dma_start3A_1228] : memref<1024x22x1000xf32, #tpu.memory_space<hbm>> -> memref<1x8x1000xf32, #tpu.memory_space<hbm>>
      %dma_start3A_1230 = tpu.memref_squeeze %dma_start3A_1229 : memref<1x8x1000xf32, #tpu.memory_space<hbm>> -> memref<8x1000xf32, #tpu.memory_space<hbm>>
      %dma_start3A_1231 = arith.constant 8 : i32
      %dma_start3A_1232 = arith.constant 0 : i32
      %dma_start3A_1233 = tpu.memref_slice %arg3[%add3A_773, %dma_start3A_1231, %dma_start3A_1232] : memref<1024x22x1000xf32, #tpu.memory_space<hbm>> -> memref<1x8x1000xf32, #tpu.memory_space<hbm>>
      %dma_start3A_1234 = tpu.memref_squeeze %dma_start3A_1233 : memref<1x8x1000xf32, #tpu.memory_space<hbm>> -> memref<8x1000xf32, #tpu.memory_space<hbm>>
      %dma_start3A_1235 = arith.constant 8 : i32
      %dma_start3A_1236 = arith.constant 0 : i32
      %dma_start3A_1237 = tpu.memref_slice %arg5[%dma_start3A_1222, %dma_start3A_1235, %dma_start3A_1236] : memref<2x22x1000xf32, #tpu.memory_space<vmem>> -> memref<1x8x1000xf32, #tpu.memory_space<vmem>>
      %dma_start3A_1238 = tpu.memref_squeeze %dma_start3A_1237 : memref<1x8x1000xf32, #tpu.memory_space<vmem>> -> memref<8x1000xf32, #tpu.memory_space<vmem>>
      tpu.enqueue_dma source(%dma_start3A_1238 : memref<8x1000xf32, #tpu.memory_space<vmem>>) target(%dma_start3A_1234 : memref<8x1000xf32, #tpu.memory_space<hbm>>) target_semaphore(%arg20 : memref<!tpu.dma_semaphore, #tpu.memory_space<semaphore_mem>>)
      %dma_start3A_1239 = arith.constant 1 : i32
      %dma_start3A_1240 = arith.constant 16 : i32
      %dma_start3A_1241 = arith.constant 0 : i32
      %dma_start3A_1242 = tpu.memref_slice %arg5[%dma_start3A_1239, %dma_start3A_1240, %dma_start3A_1241] : memref<2x22x1000xf32, #tpu.memory_space<vmem>> -> memref<1x6x1000xf32, #tpu.memory_space<vmem>>
      %dma_start3A_1243 = tpu.memref_squeeze %dma_start3A_1242 : memref<1x6x1000xf32, #tpu.memory_space<vmem>> -> memref<6x1000xf32, #tpu.memory_space<vmem>>
      %dma_start3A_1244 = arith.constant 16 : i32
      %dma_start3A_1245 = arith.constant 0 : i32
      %dma_start3A_1246 = tpu.memref_slice %arg3[%add3A_773, %dma_start3A_1244, %dma_start3A_1245] : memref<1024x22x1000xf32, #tpu.memory_space<hbm>> -> memref<1x6x1000xf32, #tpu.memory_space<hbm>>
      %dma_start3A_1247 = tpu.memref_squeeze %dma_start3A_1246 : memref<1x6x1000xf32, #tpu.memory_space<hbm>> -> memref<6x1000xf32, #tpu.memory_space<hbm>>
      %dma_start3A_1248 = arith.constant 16 : i32
      %dma_start3A_1249 = arith.constant 0 : i32
      %dma_start3A_1250 = tpu.memref_slice %arg3[%add3A_773, %dma_start3A_1248, %dma_start3A_1249] : memref<1024x22x1000xf32, #tpu.memory_space<hbm>> -> memref<1x6x1000xf32, #tpu.memory_space<hbm>>
      %dma_start3A_1251 = tpu.memref_squeeze %dma_start3A_1250 : memref<1x6x1000xf32, #tpu.memory_space<hbm>> -> memref<6x1000xf32, #tpu.memory_space<hbm>>
      %dma_start3A_1252 = arith.constant 16 : i32
      %dma_start3A_1253 = arith.constant 0 : i32
      %dma_start3A_1254 = tpu.memref_slice %arg5[%dma_start3A_1239, %dma_start3A_1252, %dma_start3A_1253] : memref<2x22x1000xf32, #tpu.memory_space<vmem>> -> memref<1x6x1000xf32, #tpu.memory_space<vmem>>
      %dma_start3A_1255 = tpu.memref_squeeze %dma_start3A_1254 : memref<1x6x1000xf32, #tpu.memory_space<vmem>> -> memref<6x1000xf32, #tpu.memory_space<vmem>>
      tpu.enqueue_dma source(%dma_start3A_1255 : memref<6x1000xf32, #tpu.memory_space<vmem>>) target(%dma_start3A_1251 : memref<6x1000xf32, #tpu.memory_space<hbm>>) target_semaphore(%arg21 : memref<!tpu.dma_semaphore, #tpu.memory_space<semaphore_mem>>)
    }
    %scan3A_178 = arith.constant 16 : i32
    %add3A_179 = arith.constant 32 : i32
    %add3A_180 = arith.addi %mul3A_2, %add3A_179 : i32
    %sub3A = arith.constant 2 : i32
    %sub3A_181 = arith.subi %add3A_180, %sub3A : i32
    %dma_wait3A = arith.constant 0 : i32
    %dma_wait3A_182 = arith.constant 0 : i32
    %dma_wait3A_183 = arith.constant 0 : i32
    %dma_wait3A_184 = tpu.memref_slice %arg5[%dma_wait3A, %dma_wait3A_182, %dma_wait3A_183] : memref<2x22x1000xf32, #tpu.memory_space<vmem>> -> memref<1x8x1000xf32, #tpu.memory_space<vmem>>
    %dma_wait3A_185 = tpu.memref_squeeze %dma_wait3A_184 : memref<1x8x1000xf32, #tpu.memory_space<vmem>> -> memref<8x1000xf32, #tpu.memory_space<vmem>>
    %dma_wait3A_186 = arith.constant 0 : i32
    %dma_wait3A_187 = arith.constant 0 : i32
    %dma_wait3A_188 = tpu.memref_slice %arg3[%sub3A_181, %dma_wait3A_186, %dma_wait3A_187] : memref<1024x22x1000xf32, #tpu.memory_space<hbm>> -> memref<1x8x1000xf32, #tpu.memory_space<hbm>>
    %dma_wait3A_189 = tpu.memref_squeeze %dma_wait3A_188 : memref<1x8x1000xf32, #tpu.memory_space<hbm>> -> memref<8x1000xf32, #tpu.memory_space<hbm>>
    %dma_wait3A_190 = arith.constant 0 : i32
    %dma_wait3A_191 = arith.constant 0 : i32
    %dma_wait3A_192 = tpu.memref_slice %arg3[%sub3A_181, %dma_wait3A_190, %dma_wait3A_191] : memref<1024x22x1000xf32, #tpu.memory_space<hbm>> -> memref<1x8x1000xf32, #tpu.memory_space<hbm>>
    %dma_wait3A_193 = tpu.memref_squeeze %dma_wait3A_192 : memref<1x8x1000xf32, #tpu.memory_space<hbm>> -> memref<8x1000xf32, #tpu.memory_space<hbm>>
    %dma_wait3A_194 = arith.constant 0 : i32
    %dma_wait3A_195 = arith.constant 0 : i32
    %dma_wait3A_196 = tpu.memref_slice %arg5[%dma_wait3A, %dma_wait3A_194, %dma_wait3A_195] : memref<2x22x1000xf32, #tpu.memory_space<vmem>> -> memref<1x8x1000xf32, #tpu.memory_space<vmem>>
    %dma_wait3A_197 = tpu.memref_squeeze %dma_wait3A_196 : memref<1x8x1000xf32, #tpu.memory_space<vmem>> -> memref<8x1000xf32, #tpu.memory_space<vmem>>
    tpu.wait_dma2 semaphore(%arg16 : memref<!tpu.dma_semaphore, #tpu.memory_space<semaphore_mem>>) src(%dma_wait3A_197 : memref<8x1000xf32, #tpu.memory_space<vmem>>) dst(%dma_wait3A_193 : memref<8x1000xf32, #tpu.memory_space<hbm>>)
    %dma_wait3A_198 = arith.constant 0 : i32
    %dma_wait3A_199 = arith.constant 8 : i32
    %dma_wait3A_200 = arith.constant 0 : i32
    %dma_wait3A_201 = tpu.memref_slice %arg5[%dma_wait3A_198, %dma_wait3A_199, %dma_wait3A_200] : memref<2x22x1000xf32, #tpu.memory_space<vmem>> -> memref<1x8x1000xf32, #tpu.memory_space<vmem>>
    %dma_wait3A_202 = tpu.memref_squeeze %dma_wait3A_201 : memref<1x8x1000xf32, #tpu.memory_space<vmem>> -> memref<8x1000xf32, #tpu.memory_space<vmem>>
    %dma_wait3A_203 = arith.constant 8 : i32
    %dma_wait3A_204 = arith.constant 0 : i32
    %dma_wait3A_205 = tpu.memref_slice %arg3[%sub3A_181, %dma_wait3A_203, %dma_wait3A_204] : memref<1024x22x1000xf32, #tpu.memory_space<hbm>> -> memref<1x8x1000xf32, #tpu.memory_space<hbm>>
    %dma_wait3A_206 = tpu.memref_squeeze %dma_wait3A_205 : memref<1x8x1000xf32, #tpu.memory_space<hbm>> -> memref<8x1000xf32, #tpu.memory_space<hbm>>
    %dma_wait3A_207 = arith.constant 8 : i32
    %dma_wait3A_208 = arith.constant 0 : i32
    %dma_wait3A_209 = tpu.memref_slice %arg3[%sub3A_181, %dma_wait3A_207, %dma_wait3A_208] : memref<1024x22x1000xf32, #tpu.memory_space<hbm>> -> memref<1x8x1000xf32, #tpu.memory_space<hbm>>
    %dma_wait3A_210 = tpu.memref_squeeze %dma_wait3A_209 : memref<1x8x1000xf32, #tpu.memory_space<hbm>> -> memref<8x1000xf32, #tpu.memory_space<hbm>>
    %dma_wait3A_211 = arith.constant 8 : i32
    %dma_wait3A_212 = arith.constant 0 : i32
    %dma_wait3A_213 = tpu.memref_slice %arg5[%dma_wait3A_198, %dma_wait3A_211, %dma_wait3A_212] : memref<2x22x1000xf32, #tpu.memory_space<vmem>> -> memref<1x8x1000xf32, #tpu.memory_space<vmem>>
    %dma_wait3A_214 = tpu.memref_squeeze %dma_wait3A_213 : memref<1x8x1000xf32, #tpu.memory_space<vmem>> -> memref<8x1000xf32, #tpu.memory_space<vmem>>
    tpu.wait_dma2 semaphore(%arg17 : memref<!tpu.dma_semaphore, #tpu.memory_space<semaphore_mem>>) src(%dma_wait3A_214 : memref<8x1000xf32, #tpu.memory_space<vmem>>) dst(%dma_wait3A_210 : memref<8x1000xf32, #tpu.memory_space<hbm>>)
    %dma_wait3A_215 = arith.constant 0 : i32
    %dma_wait3A_216 = arith.constant 16 : i32
    %dma_wait3A_217 = arith.constant 0 : i32
    %dma_wait3A_218 = tpu.memref_slice %arg5[%dma_wait3A_215, %dma_wait3A_216, %dma_wait3A_217] : memref<2x22x1000xf32, #tpu.memory_space<vmem>> -> memref<1x6x1000xf32, #tpu.memory_space<vmem>>
    %dma_wait3A_219 = tpu.memref_squeeze %dma_wait3A_218 : memref<1x6x1000xf32, #tpu.memory_space<vmem>> -> memref<6x1000xf32, #tpu.memory_space<vmem>>
    %dma_wait3A_220 = arith.constant 16 : i32
    %dma_wait3A_221 = arith.constant 0 : i32
    %dma_wait3A_222 = tpu.memref_slice %arg3[%sub3A_181, %dma_wait3A_220, %dma_wait3A_221] : memref<1024x22x1000xf32, #tpu.memory_space<hbm>> -> memref<1x6x1000xf32, #tpu.memory_space<hbm>>
    %dma_wait3A_223 = tpu.memref_squeeze %dma_wait3A_222 : memref<1x6x1000xf32, #tpu.memory_space<hbm>> -> memref<6x1000xf32, #tpu.memory_space<hbm>>
    %dma_wait3A_224 = arith.constant 16 : i32
    %dma_wait3A_225 = arith.constant 0 : i32
    %dma_wait3A_226 = tpu.memref_slice %arg3[%sub3A_181, %dma_wait3A_224, %dma_wait3A_225] : memref<1024x22x1000xf32, #tpu.memory_space<hbm>> -> memref<1x6x1000xf32, #tpu.memory_space<hbm>>
    %dma_wait3A_227 = tpu.memref_squeeze %dma_wait3A_226 : memref<1x6x1000xf32, #tpu.memory_space<hbm>> -> memref<6x1000xf32, #tpu.memory_space<hbm>>
    %dma_wait3A_228 = arith.constant 16 : i32
    %dma_wait3A_229 = arith.constant 0 : i32
    %dma_wait3A_230 = tpu.memref_slice %arg5[%dma_wait3A_215, %dma_wait3A_228, %dma_wait3A_229] : memref<2x22x1000xf32, #tpu.memory_space<vmem>> -> memref<1x6x1000xf32, #tpu.memory_space<vmem>>
    %dma_wait3A_231 = tpu.memref_squeeze %dma_wait3A_230 : memref<1x6x1000xf32, #tpu.memory_space<vmem>> -> memref<6x1000xf32, #tpu.memory_space<vmem>>
    tpu.wait_dma2 semaphore(%arg18 : memref<!tpu.dma_semaphore, #tpu.memory_space<semaphore_mem>>) src(%dma_wait3A_231 : memref<6x1000xf32, #tpu.memory_space<vmem>>) dst(%dma_wait3A_227 : memref<6x1000xf32, #tpu.memory_space<hbm>>)
    %add3A_232 = arith.constant 32 : i32
    %add3A_233 = arith.addi %mul3A_2, %add3A_232 : i32
    %sub3A_234 = arith.constant 1 : i32
    %sub3A_235 = arith.subi %add3A_233, %sub3A_234 : i32
    %dma_wait3A_236 = arith.constant 1 : i32
    %dma_wait3A_237 = arith.constant 0 : i32
    %dma_wait3A_238 = arith.constant 0 : i32
    %dma_wait3A_239 = tpu.memref_slice %arg5[%dma_wait3A_236, %dma_wait3A_237, %dma_wait3A_238] : memref<2x22x1000xf32, #tpu.memory_space<vmem>> -> memref<1x8x1000xf32, #tpu.memory_space<vmem>>
    %dma_wait3A_240 = tpu.memref_squeeze %dma_wait3A_239 : memref<1x8x1000xf32, #tpu.memory_space<vmem>> -> memref<8x1000xf32, #tpu.memory_space<vmem>>
    %dma_wait3A_241 = arith.constant 0 : i32
    %dma_wait3A_242 = arith.constant 0 : i32
    %dma_wait3A_243 = tpu.memref_slice %arg3[%sub3A_235, %dma_wait3A_241, %dma_wait3A_242] : memref<1024x22x1000xf32, #tpu.memory_space<hbm>> -> memref<1x8x1000xf32, #tpu.memory_space<hbm>>
    %dma_wait3A_244 = tpu.memref_squeeze %dma_wait3A_243 : memref<1x8x1000xf32, #tpu.memory_space<hbm>> -> memref<8x1000xf32, #tpu.memory_space<hbm>>
    %dma_wait3A_245 = arith.constant 0 : i32
    %dma_wait3A_246 = arith.constant 0 : i32
    %dma_wait3A_247 = tpu.memref_slice %arg3[%sub3A_235, %dma_wait3A_245, %dma_wait3A_246] : memref<1024x22x1000xf32, #tpu.memory_space<hbm>> -> memref<1x8x1000xf32, #tpu.memory_space<hbm>>
    %dma_wait3A_248 = tpu.memref_squeeze %dma_wait3A_247 : memref<1x8x1000xf32, #tpu.memory_space<hbm>> -> memref<8x1000xf32, #tpu.memory_space<hbm>>
    %dma_wait3A_249 = arith.constant 0 : i32
    %dma_wait3A_250 = arith.constant 0 : i32
    %dma_wait3A_251 = tpu.memref_slice %arg5[%dma_wait3A_236, %dma_wait3A_249, %dma_wait3A_250] : memref<2x22x1000xf32, #tpu.memory_space<vmem>> -> memref<1x8x1000xf32, #tpu.memory_space<vmem>>
    %dma_wait3A_252 = tpu.memref_squeeze %dma_wait3A_251 : memref<1x8x1000xf32, #tpu.memory_space<vmem>> -> memref<8x1000xf32, #tpu.memory_space<vmem>>
    tpu.wait_dma2 semaphore(%arg19 : memref<!tpu.dma_semaphore, #tpu.memory_space<semaphore_mem>>) src(%dma_wait3A_252 : memref<8x1000xf32, #tpu.memory_space<vmem>>) dst(%dma_wait3A_248 : memref<8x1000xf32, #tpu.memory_space<hbm>>)
    %dma_wait3A_253 = arith.constant 1 : i32
    %dma_wait3A_254 = arith.constant 8 : i32
    %dma_wait3A_255 = arith.constant 0 : i32
    %dma_wait3A_256 = tpu.memref_slice %arg5[%dma_wait3A_253, %dma_wait3A_254, %dma_wait3A_255] : memref<2x22x1000xf32, #tpu.memory_space<vmem>> -> memref<1x8x1000xf32, #tpu.memory_space<vmem>>
    %dma_wait3A_257 = tpu.memref_squeeze %dma_wait3A_256 : memref<1x8x1000xf32, #tpu.memory_space<vmem>> -> memref<8x1000xf32, #tpu.memory_space<vmem>>
    %dma_wait3A_258 = arith.constant 8 : i32
    %dma_wait3A_259 = arith.constant 0 : i32
    %dma_wait3A_260 = tpu.memref_slice %arg3[%sub3A_235, %dma_wait3A_258, %dma_wait3A_259] : memref<1024x22x1000xf32, #tpu.memory_space<hbm>> -> memref<1x8x1000xf32, #tpu.memory_space<hbm>>
    %dma_wait3A_261 = tpu.memref_squeeze %dma_wait3A_260 : memref<1x8x1000xf32, #tpu.memory_space<hbm>> -> memref<8x1000xf32, #tpu.memory_space<hbm>>
    %dma_wait3A_262 = arith.constant 8 : i32
    %dma_wait3A_263 = arith.constant 0 : i32
    %dma_wait3A_264 = tpu.memref_slice %arg3[%sub3A_235, %dma_wait3A_262, %dma_wait3A_263] : memref<1024x22x1000xf32, #tpu.memory_space<hbm>> -> memref<1x8x1000xf32, #tpu.memory_space<hbm>>
    %dma_wait3A_265 = tpu.memref_squeeze %dma_wait3A_264 : memref<1x8x1000xf32, #tpu.memory_space<hbm>> -> memref<8x1000xf32, #tpu.memory_space<hbm>>
    %dma_wait3A_266 = arith.constant 8 : i32
    %dma_wait3A_267 = arith.constant 0 : i32
    %dma_wait3A_268 = tpu.memref_slice %arg5[%dma_wait3A_253, %dma_wait3A_266, %dma_wait3A_267] : memref<2x22x1000xf32, #tpu.memory_space<vmem>> -> memref<1x8x1000xf32, #tpu.memory_space<vmem>>
    %dma_wait3A_269 = tpu.memref_squeeze %dma_wait3A_268 : memref<1x8x1000xf32, #tpu.memory_space<vmem>> -> memref<8x1000xf32, #tpu.memory_space<vmem>>
    tpu.wait_dma2 semaphore(%arg20 : memref<!tpu.dma_semaphore, #tpu.memory_space<semaphore_mem>>) src(%dma_wait3A_269 : memref<8x1000xf32, #tpu.memory_space<vmem>>) dst(%dma_wait3A_265 : memref<8x1000xf32, #tpu.memory_space<hbm>>)
    %dma_wait3A_270 = arith.constant 1 : i32
    %dma_wait3A_271 = arith.constant 16 : i32
    %dma_wait3A_272 = arith.constant 0 : i32
    %dma_wait3A_273 = tpu.memref_slice %arg5[%dma_wait3A_270, %dma_wait3A_271, %dma_wait3A_272] : memref<2x22x1000xf32, #tpu.memory_space<vmem>> -> memref<1x6x1000xf32, #tpu.memory_space<vmem>>
    %dma_wait3A_274 = tpu.memref_squeeze %dma_wait3A_273 : memref<1x6x1000xf32, #tpu.memory_space<vmem>> -> memref<6x1000xf32, #tpu.memory_space<vmem>>
    %dma_wait3A_275 = arith.constant 16 : i32
    %dma_wait3A_276 = arith.constant 0 : i32
    %dma_wait3A_277 = tpu.memref_slice %arg3[%sub3A_235, %dma_wait3A_275, %dma_wait3A_276] : memref<1024x22x1000xf32, #tpu.memory_space<hbm>> -> memref<1x6x1000xf32, #tpu.memory_space<hbm>>
    %dma_wait3A_278 = tpu.memref_squeeze %dma_wait3A_277 : memref<1x6x1000xf32, #tpu.memory_space<hbm>> -> memref<6x1000xf32, #tpu.memory_space<hbm>>
    %dma_wait3A_279 = arith.constant 16 : i32
    %dma_wait3A_280 = arith.constant 0 : i32
    %dma_wait3A_281 = tpu.memref_slice %arg3[%sub3A_235, %dma_wait3A_279, %dma_wait3A_280] : memref<1024x22x1000xf32, #tpu.memory_space<hbm>> -> memref<1x6x1000xf32, #tpu.memory_space<hbm>>
    %dma_wait3A_282 = tpu.memref_squeeze %dma_wait3A_281 : memref<1x6x1000xf32, #tpu.memory_space<hbm>> -> memref<6x1000xf32, #tpu.memory_space<hbm>>
    %dma_wait3A_283 = arith.constant 16 : i32
    %dma_wait3A_284 = arith.constant 0 : i32
    %dma_wait3A_285 = tpu.memref_slice %arg5[%dma_wait3A_270, %dma_wait3A_283, %dma_wait3A_284] : memref<2x22x1000xf32, #tpu.memory_space<vmem>> -> memref<1x6x1000xf32, #tpu.memory_space<vmem>>
    %dma_wait3A_286 = tpu.memref_squeeze %dma_wait3A_285 : memref<1x6x1000xf32, #tpu.memory_space<vmem>> -> memref<6x1000xf32, #tpu.memory_space<vmem>>
    tpu.wait_dma2 semaphore(%arg21 : memref<!tpu.dma_semaphore, #tpu.memory_space<semaphore_mem>>) src(%dma_wait3A_286 : memref<6x1000xf32, #tpu.memory_space<vmem>>) dst(%dma_wait3A_282 : memref<6x1000xf32, #tpu.memory_space<hbm>>)
    return
  }
}

</mosaic_0001>

<sc_bundles>
// kernel: kernel.3.cloned.1.call-start
scs
__scs_entry_jumppad:
0x0: {  	(pc) =	sbr.rel $0x88, $3  }
0x1: {  	(tag) =	ssettag $0x0;
	lr =	simm.s32 $0x1  }
0x2: {  	[smem:$0x3FA0] =	sst lr;
	_ =	strace $0xD0000000  }
0x3: {  	_ = 	snop  }
0x4: {  	_ = 	snop  }
0x5: {  	_ = 	snop  }
0x6: {  	_ = 	snop  }
0x7: {  	_ = 	snop  }
__scs_overlays_trampoline_lowered:
0x8: {  	[smem:$0x3FAF] =	sst s0  }
0x9: {  	[smem:$0x3FB0] =	sst s1  }
0xa: {  	[smem:$0x3FB1] =	sst s2  }
0xb: {  	[smem:$0x3FB2] =	sst s3  }
0xc: {  	[smem:$0x3FB3] =	sst s4  }
0xd: {  	[smem:$0x3FB4] =	sst s5  }
0xe: {  	[smem:$0x3FB5] =	sst s6  }
0xf: {  	[smem:$0x3FB6] =	sst s7  }
0x10: {  	[smem:$0x3FB7] =	sst s8  }
0x11: {  	[smem:$0x3FB8] =	sst s9;
	s0 =	simm.s32 @!p0 $0x0  }
0x12: {  	s1 =	sld [smem:$0x3F9E];
	s0 =	simm.s32 @p0 $0x1  }
0x13: {  	[smem:$0x3FB9] =	sst s0;
	s0 =	simm.s32 @!p1 $0x0  }
0x14: {  	s2 =	sld [smem:$0x3F9D];
	s0 =	simm.s32 @p1 $0x1  }
0x15: {  	[smem:$0x3FBA] =	sst s0;
	s0 =	simm.s32 @!p2 $0x0  }
0x16: {  	s3 =	sld [smem:$0x3FDB];
	s0 =	simm.s32 @p2 $0x1  }
0x17: {  	s4 =	simm.s32 $0x1BF5;
	[smem:$0x3FBC] =	sst s0  }
0x18: {  	s0 =	sld [smem:$0x3F9F];
	_ =	swait.ge [sflag:s4], $0x0  }
0x19: {  	s7 =	sld [smem:$0x3FA0]  }
0x1a: {  	s8 =	sadd.s32 $0xFFFFE003, lr  }
0x1b: {  	s9 =	sadd.s32 $0xFFFFFEF7, lr;
	s5 =	simm.s32 $0xFFFFFFFF;
	p2 =	slt.u32 s8, $0xFFFFF086  }
0x1c: {  	p1 =	slt.u32 s9, $0xF7A;
	s5 =	simm.s32 @!p2 $0x0  }
0x1d: {  	s5 =	simm.s32 @p1 $0x1;
	p0 =	seq.s32 s7, s2  }
0x1e: {  	s7 =	smul.u32 @!p0 $0xF7A, s2;
	p2 =	seq.s32 @!p0 s5, $0x0  }
0x1f: {  	s9 =	smul.u32 $0xF7A, s1;
	s8 =	simm.s32 @!p0 $0x1BF5;
	p2 =	por !p2, p0  }
0x20: {  	[sflag:s8] =	ssyncset.s32 @!p0 $0xFFFFF086;
	s6 =	sadd.s32 @!p0 s3, s7;
	s7 =	simm.s32 @!p0 $0x108  }
0x21: {  	s3 =	sadd.s32 s3, s9;
	s6 =	sadd.s32 @!p0 $0x88, s6;
	s7 =	simm.s32 @p2 $0x1082  }
0x22: {  	[simem:s7], [sflag:s8] =	dma.local @!p0 [hbm:s6], $0xF7A  }
0x23: {  	s9 =	sor.u32 $0xD0000000, s2;
	s6 =	simm.s32 $0x108;
	_ =	swait.ge @!p0 [sflag:s8], $0x0  }
0x24: {  	s3 =	sadd.s32 $0x88, s3;
	s6 =	simm.s32 @!p1 $0x1082;
	[sflag:s4] =	ssyncset.s32 $0xFFFFF086  }
0x25: {  	[simem:s6], [sflag:s4] =	dma.local [hbm:s3], $0xF7A  }
0x26: {  	[smem:$0x3FA0] =	sst s1;
	(tag) =	ssettag s2;
	_ =	strace s9  }
0x27: {  	s1 =	sld [smem:$0x3FB0]  }
0x28: {  	s2 =	sld [smem:$0x3FB1]  }
0x29: {  	s4 =	sld [smem:$0x3FB3]  }
0x2a: {  	p0 =	seq.s32 s5, $0x0;
	s5 =	sld [smem:$0x3FB4]  }
0x2b: {  	s6 =	sld [smem:$0x3FB5]  }
0x2c: {  	s7 =	sld [smem:$0x3FB6]  }
0x2d: {  	s3 =	simm.s32 $0x108;
	s8 =	sld [smem:$0x3FB7]  }
0x2e: {  	s3 =	simm.s32 @!p0 $0x1082;
	s9 =	sld [smem:$0x3FB8]  }
0x2f: {  	lr =	sadd.s32 s0, s3;
	s0 =	sld [smem:$0x3FAF]  }
0x30: {  	s3 =	sld [smem:$0x3FB2]  }
0x31: {  	[smem:$0x3FBB] =	sst s10  }
0x32: {  	s10 =	sld [smem:$0x3FB9];
	_ =	sdelay $0x3  }
0x33: {  	p0 =	seq.s32 s10, $0x1;
	s10 =	sld [smem:$0x3FBB];
	_ =	sdelay $0x3  }
0x34: {  	[smem:$0x3FBB] =	sst s10  }
0x35: {  	s10 =	sld [smem:$0x3FBA];
	_ =	sdelay $0x3  }
0x36: {  	p1 =	seq.s32 s10, $0x1;
	s10 =	sld [smem:$0x3FBB];
	_ =	sdelay $0x3  }
0x37: {  	[smem:$0x3FBB] =	sst s10  }
0x38: {  	s10 =	sld [smem:$0x3FBC]  }
0x39: {  	_ = 	snop;
	(pc) =	sbr.ind lr, $3  }
0x3a: {  	_ = 	snop  }
0x3b: {  	_ = 	snop  }
0x3c: {  	p2 =	seq.s32 s10, $0x1;
	s10 =	sld [smem:$0x3FBB]  }
0x3d: {  	_ =	shalt  }
0x3e: {  	_ =	shalt  }
0x3f: {  	_ =	shalt  }
0x40: {  	_ =	shalt  }
0x41: {  	_ =	shalt  }
0x42: {  	_ =	shalt  }
0x43: {  	_ =	shalt  }
0x44: {  	_ =	shalt  }
0x45: {  	_ =	shalt  }
0x46: {  	_ =	shalt  }
0x47: {  	_ =	shalt  }
0x48: {  	_ =	shalt  }
0x49: {  	_ =	shalt  }
0x4a: {  	_ =	shalt  }
0x4b: {  	_ =	shalt  }
0x4c: {  	_ =	shalt  }
0x4d: {  	_ =	shalt  }
0x4e: {  	_ =	shalt  }
0x4f: {  	_ =	shalt  }
0x50: {  	_ =	shalt  }
0x51: {  	_ =	shalt  }
0x52: {  	_ =	shalt  }
0x53: {  	_ =	shalt  }
0x54: {  	_ =	shalt  }
0x55: {  	_ =	shalt  }
0x56: {  	_ =	shalt  }
0x57: {  	_ =	shalt  }
0x58: {  	_ =	shalt  }
0x59: {  	_ =	shalt  }
0x5a: {  	_ =	shalt  }
0x5b: {  	_ =	shalt  }
0x5c: {  	_ =	shalt  }
0x5d: {  	_ =	shalt  }
0x5e: {  	_ =	shalt  }
0x5f: {  	_ =	shalt  }
0x60: {  	_ =	shalt  }
0x61: {  	_ =	shalt  }
0x62: {  	_ =	shalt  }
0x63: {  	_ =	shalt  }
0x64: {  	_ =	shalt  }
0x65: {  	_ =	shalt  }
0x66: {  	_ =	shalt  }
0x67: {  	_ =	shalt  }
0x68: {  	_ =	shalt  }
0x69: {  	_ =	shalt  }
0x6a: {  	_ =	shalt  }
0x6b: {  	_ =	shalt  }
0x6c: {  	_ =	shalt  }
0x6d: {  	_ =	shalt  }
0x6e: {  	_ =	shalt  }
0x6f: {  	_ =	shalt  }
0x70: {  	_ =	shalt  }
0x71: {  	_ =	shalt  }
0x72: {  	_ =	shalt  }
0x73: {  	_ =	shalt  }
0x74: {  	_ =	shalt  }
0x75: {  	_ =	shalt  }
0x76: {  	_ =	shalt  }
0x77: {  	_ =	shalt  }
0x78: {  	_ =	shalt  }
0x79: {  	_ =	shalt  }
0x7a: {  	_ =	shalt  }
0x7b: {  	_ =	shalt  }
0x7c: {  	_ =	shalt  }
0x7d: {  	_ =	shalt  }
0x7e: {  	_ =	shalt  }
0x7f: {  	_ =	shalt  }
0x80: {  	_ =	shalt  }
0x81: {  	_ =	shalt  }
0x82: {  	_ =	shalt  }
0x83: {  	_ =	shalt  }
0x84: {  	_ =	shalt  }
0x85: {  	_ =	shalt  }
0x86: {  	_ =	shalt  }
0x87: {  	_ =	shalt  }
.Lfunc_end0:
.L_simem_size_0:
called_computation.1_lowered:
.L_overlay_start_0:
0x88: {  	s2 =	sld [smem:$0x3FD9]  }
0x89: {  	s3 =	sld [smem:$0x3FFE];
	_ =	sdelay $0x1  }
0x8a: {  	s1 =	srdreg.scid  }
0x8b: {  	s0 =	sand.u32 $0x1, s1  }
0x8c: {  	s16 =	sshll.u32 s0, $0xA;
	s2 =	sadd.s32 s3, s2  }
0x8d: {  	s2 =	sadd.s32 s2, s16  }
0x8e: {  	[smem:$0x3FC7] =	sst s2  }
0x8f: {  	_ = 	snop  }
0x90: {  	(tm) =	ssettm $0x1  }
0x91: {  	s17 =	sld [smem:$0x3FFB];
	_ =	sdelay $0x3  }
0x92: {  	_ =	strace s17  }
0x93: {  	s2 =	sld [smem:$0x3FFC];
	_ =	sdelay $0x3  }
0x94: {  	_ =	strace s2  }
0x95: {  	s2 =	sld [smem:$0x3FFD];
	_ =	sdelay $0x3  }
0x96: {  	_ =	strace s2  }
0x97: {  	_ =	strace $0x8FFFFFFF  }
0x98: {  	s18 =	sld [smem:$0x3FDB];
	_ =	sdelay $0x1  }
0x99: {  	s19 =	simm.s32 $_scs_section_size  }
0x9a: {  	s4 =	simm.s32 $_size__tile_overlayer_lowered;
	s5 =	simm.s32 $_tile_overlayer_lowered  }
0x9b: {  	s22 =	simm.s32 $0x1BFF;
	s21 =	sshll.u32 s5, $0x1;
	s2 =	sadd.s32 s19, s18  }
0x9c: {  	s6 =	simm.s32 $0x0;
	s20 =	sshll.u32 s4, $0x1;
	s4 =	sadd.s32 s21, s2  }
0x9d: {  	[timem:s6], [sflag:s22] =	dma.local [hbm:s4], s20  }
0x9e: {  	_ =	swait.ge [sflag:s22], s20  }
0x9f: {  	s3 =	ssub.s32 $0x0, s20;
	[sflag:s22] =	ssyncset.done $0x0  }
0xa0: {  	[sflag:s22] =	ssyncadd.s32 s3;
	_ =	sdelay $0x1  }
0xa1: {  	s23 =	simm.s32 $0x1B8B  }
0xa2: {  	_ =	swait.ge [sflag:s23], $0x1  }
0xa3: {  	[sflag:s23] =	ssyncset.done $0x0  }
0xa4: {  	s25 =	simm.s32 $0x1B8E;
	s24 =	sld [smem:$0x3FFE];
	[sflag:s23] =	ssyncadd.s32 $0xFFFFFFFF  }
0xa5: {  	s26 =	simm.s32 $execute0_lowered;
	[smem:$0x3FD2] =	sst s25  }
0xa6: {  	s4 =	sshll.u32 s26, $0x1;
	_ =	strace $0x80000046;
	[dreg:$0x1] =	wrdreg $0xFFFFFFFF  }
0xa7: {  	s28 =	simm.s32 $_size_execute0_lowered;
	s2 =	sadd.s32 s2, s4;
	[dreg:$0x0] =	wrdreg $0x0  }
0xa8: {  	s4 =	sshll.u32 s28, $0x1;
	[dreg:$0x2] =	wrdreg s2  }
0xa9: {  	[dreg:$0x3] =	wrdreg s4  }
0xaa: {  	[dreg:$0x4] =	wrdreg $0xC0  }
0xab: {  	_ =	task [dreg:s6], $0x5FFFF  }
0xac: {  	[dreg:$0x1] =	wrdreg $0xFFFFFFFF  }
0xad: {  	[dreg:$0x0] =	wrdreg $0x60  }
0xae: {  	[dreg:$0x2] =	wrdreg s24  }
0xaf: {  	[dreg:$0x3] =	wrdreg $0x9  }
0xb0: {  	_ =	task.clear_ibuf [dreg:s6], $0x4FFFF;
	_ =	strace $0x90000046  }
0xb1: {  	s29 =	simm.s32 $0x9;
	_ =	strace $0x80000048  }
0xb2: {  	_ =	swait.ge [sflag:s29], $0x1  }
0xb3: {  	[sflag:s29] =	ssyncadd.s32 $0xFFFFFFFF  }
0xb4: {  	_ =	strace $0x90000048  }
0xb5: {  	_ =	sfence  }
0xb6: {  	s30 =	sld [smem:$0x0];
	_ =	sdelay $0x2  }
0xb7: {  	s31 =	sshll.u32 s1, $0xD;
	s1 =	sshrl.u32 s1, $0x2  }
0xb8: {  	s3 =	sand.u32 $0x4000, s31;
	s1 =	sadd.s32 s1, s30  }
0xb9: {  	s0 =	sor.u32 s3, s0;
	s1 =	sshll.u32 s1, $0x11  }
0xba: {  	s0 =	sor.u32 s1, s0  }
0xbb: {  	s0 =	sadd.s32 $0x8F2B, s0  }
0xbc: {  	[sflag:s0] =	ssyncadd.remote.s32 $0x1  }
0xbd: {  	_ =	sfence.sel $0xFFFF  }
0xbe: {  	[dreg:$0x0] =	wrdreg $0xFFFFFFFF;
	(pc) =	sbr.abs _section_cstart, $3  }
0xbf: {  	[dreg:$0x1] =	wrdreg $0xFFFFFFFF  }
0xc0: {  	_ =	task.clear_ibuf [dreg:s6], $0x2FFFF;
	_ =	strace $0x9FFFFFFF  }
0xc1: {  	(tm) =	ssettm $0x7FFFFFFF  }
tec
execute0_lowered:
.L_overlay_start_1:
0x0: {  	(tag) =	ssettag $0x1  }
0x1: {  	s0 =	srdreg.scid  }
0x2: {  	s2 =	stileid.u32;
	s1 =	rddreg [dreg:$0x0];
	s28 =	simm.s32 $0x1  }
0x3: {  	s29 =	simm.s32 $0x2;
	s30 =	simm.s32 $0x3;
	s31 =	simm.s32 $0x4  }
0x4: {  	s8 =	simm.s32 $0x1FD60;
	s9 =	simm.s32 $0x1FDE0;
	s0 =	sand.u32 $0x1, s0  }
0x5: {  	s3 =	sshll.u32 s2, $0x6;
	s4 =	sshll.u32 s0, $0x5;
	s0 =	ssub.s32 $0x2, s0  }
0x6: {  	s10 =	simm.s32 $0x1FE60;
	s3 =	sor.u32 s4, s3;
	s7 =	sshrl.u32 s0, $0x1  }
0x7: {  	s2 =	simm.s32 $0x0;
	s6 =	smul.u32 $0x1800, s3;
	s0 =	ssub.s32 s0, s7  }
0x8: {  	[smem:$0x7FF] =	sst s2;
	s4 =	sadd.s32 $0x800, s1;
	s0 =	smax.u32 s0, $0x1  }
0x9: {  	_ =	strace $0x80000047;
	s6 =	sadd.s32 s4, s6;
	[dreg:$0xc] =	wrdreg s0  }
0xa: {  	s11 =	simm.s32 $0x1FEE0;
	s19 =	sadd.s32 $0x400, s6;
	[dreg:$0x2] =	wrdreg s6  }
0xb: {  	s12 =	simm.s32 $0x1A000;
	s20 =	sadd.s32 $0x800, s6;
	[dreg:$0x3] =	wrdreg s19  }
0xc: {  	s13 =	simm.s32 $0x1C000;
	s21 =	sadd.s32 $0xC00, s6;
	[dreg:$0x4] =	wrdreg s20  }
0xd: {  	s14 =	simm.s32 $0x1E000;
	s22 =	sadd.s32 $0x1000, s6;
	[dreg:$0x5] =	wrdreg s21  }
0xe: {  	s15 =	simm.s32 $0x0;
	s23 =	sadd.s32 $0x1800, s6;
	[dreg:$0x6] =	wrdreg s22  }
0xf: {  	s5 =	sadd.s32 $0x600800, s1;
	s24 =	sadd.s32 $0x1C00, s6;
	[dreg:$0x7] =	wrdreg s23  }
0x10: {  	s16 =	sadd.s32 $0x600C00, s1;
	s25 =	sadd.s32 $0x2000, s6;
	[dreg:$0x8] =	wrdreg s24  }
0x11: {  	s1 =	simm.s32 $0x5;
	s26 =	sadd.s32 $0x2400, s6;
	[dreg:$0x9] =	wrdreg s25  }
0x12: {  	s7 =	simm.s32 $0x1FCE0;
	s6 =	sadd.s32 $0x2800, s6;
	[dreg:$0xa] =	wrdreg s26  }
0x13: {  	[dreg:$0xb] =	wrdreg s6;
	s21 =	simm.s32 $0x6;
	s22 =	simm.s32 $0x7  }
0x14: {  	s23 =	simm.s32 $0x8;
	s24 =	simm.s32 $0x9;
	s25 =	simm.s32 $0xA  }
.LBB2_1:
0x15: {  	[dreg:$0xd] =	wrdreg s15  }
0x16: {  	s0 =	rddreg [dreg:$0x2]  }
0x17: {  	[tilespmem:s2], [sflag:$0x1] =	stream.linear.gather [hbm4b:s0+s2], $0x2000, $0x38;
	v63 =	vld [tilespmem:$0x0]  }
0x18: {  	s17 =	rddreg [dreg:$0x3];
	s6 =	simm.s32 $0x2000  }
0x19: {  	[tilespmem:s6], [sflag:$0x2] =	stream.linear.gather [hbm4b:s17+s2], $0x2000, $0x38;
	v63 =	vld [tilespmem:$0x0]  }
0x1a: {  	s18 =	rddreg [dreg:$0x4];
	s19 =	simm.s32 $0x4000  }
0x1b: {  	[tilespmem:s19], [sflag:$0x3] =	stream.linear.gather [hbm4b:s18+s2], $0x2000, $0x38;
	v63 =	vld [tilespmem:$0x0]  }
0x1c: {  	s20 =	rddreg [dreg:$0x5];
	s26 =	simm.s32 $0x6000  }
0x1d: {  	[tilespmem:s26], [sflag:$0x4] =	stream.linear.gather [hbm4b:s20+s2], $0x2000, $0x38;
	v63 =	vld [tilespmem:$0x0]  }
0x1e: {  	s15 =	rddreg [dreg:$0x6];
	s17 =	simm.s32 $0x8000  }
0x1f: {  	[tilespmem:s17], [sflag:$0x5] =	stream.linear.gather [hbm4b:s15+s2], $0x2000, $0x38;
	v63 =	vld [tilespmem:$0x0]  }
0x20: {  	s18 =	rddreg [dreg:$0x7];
	s19 =	simm.s32 $0xA000  }
0x21: {  	[tilespmem:s19], [sflag:$0x6] =	stream.linear.gather [hbm4b:s18+s2], $0x2000, $0x38;
	v63 =	vld [tilespmem:$0x0]  }
0x22: {  	s20 =	rddreg [dreg:$0x8];
	s26 =	simm.s32 $0xC000  }
0x23: {  	[tilespmem:s26], [sflag:$0x7] =	stream.linear.gather [hbm4b:s20+s2], $0x2000, $0x38;
	v63 =	vld [tilespmem:$0x0]  }
0x24: {  	s15 =	rddreg [dreg:$0x9];
	s17 =	simm.s32 $0xE000  }
0x25: {  	[tilespmem:s17], [sflag:$0x8] =	stream.linear.gather [hbm4b:s15+s2], $0x2000, $0x38;
	v63 =	vld [tilespmem:$0x0]  }
0x26: {  	s18 =	rddreg [dreg:$0xa];
	s19 =	simm.s32 $0x10000  }
0x27: {  	[tilespmem:s19], [sflag:$0x9] =	stream.linear.gather [hbm4b:s18+s2], $0x2000, $0x38;
	v63 =	vld [tilespmem:$0x0]  }
0x28: {  	s20 =	rddreg [dreg:$0xb];
	s26 =	simm.s32 $0x12000;
	s15 =	simm.s32 $0x0  }
0x29: {  	[tilespmem:s26], [sflag:$0xA] =	stream.linear.gather [hbm4b:s20+s2], $0x2000, $0x38;
	v63 =	vld [tilespmem:$0x0]  }
.LBB2_2:
0x2a: {  	_ =	swait.ge [sflag:s28], $0x2000  }
0x2b: {  	[sflag:s28] =	ssyncset.done $0x0  }
0x2c: {  	[sflag:s28] =	ssyncadd.s32 $0xFFFFE000  }
0x2d: {  	_ =	swait.ge [sflag:s29], $0x2000  }
0x2e: {  	[sflag:s29] =	ssyncset.done $0x0  }
0x2f: {  	[sflag:s29] =	ssyncadd.s32 $0xFFFFE000  }
0x30: {  	_ =	swait.ge [sflag:s30], $0x2000  }
0x31: {  	[sflag:s30] =	ssyncset.done $0x0  }
0x32: {  	[sflag:s30] =	ssyncadd.s32 $0xFFFFE000  }
0x33: {  	_ =	swait.ge [sflag:s31], $0x2000  }
0x34: {  	[sflag:s31] =	ssyncset.done $0x0  }
0x35: {  	[sflag:s31] =	ssyncadd.s32 $0xFFFFE000  }
0x36: {  	_ =	swait.ge [sflag:s1], $0x2000  }
0x37: {  	p1 =	seq.s32 s15, $0x0;
	[sflag:s1] =	ssyncset.done $0x0  }
0x38: {  	s0 =	simm.s32 @!p1 $0xB;
	[sflag:s1] =	ssyncadd.s32 $0xFFFFE000  }
0x39: {  	_ =	swait.ge @!p1 [sflag:s0], $0x2000  }
0x3a: {  	[sflag:s0] =	ssyncset.done @!p1 $0x0  }
0x3b: {  	[sflag:s0] =	ssyncadd.s32 @!p1 $0xFFFFE000;
	s0 =	simm.s32 @!p1 $0xC  }
0x3c: {  	_ =	swait.ge @!p1 [sflag:s0], $0x2000  }
0x3d: {  	[sflag:s0] =	ssyncset.done @!p1 $0x0  }
0x3e: {  	s6 =	simm.s32 @!p1 $0xD;
	[sflag:s0] =	ssyncadd.s32 @!p1 $0xFFFFE000  }
0x3f: {  	s0 =	simm.s32 $0x0;
	_ =	swait.ge @!p1 [sflag:s6], $0x2000  }
0x40: {  	s17 =	sand.u32 $0x70, s0;
	s18 =	sand.u32 $0x1C00, s0;
	[sflag:s6] =	ssyncset.done @!p1 $0x0  }
0x41: {  	s17 =	sor.u32 s17, s18;
	[sflag:s6] =	ssyncadd.s32 @!p1 $0xFFFFE000  }
0x42: {  	v0 =	vld [tilespmem:s17+$0x4280]  }
0x43: {  	v1 =	vld [tilespmem:s17+$0x300];
	_ =	sdelay $0x1  }
0x44: {  	v2 =	vld [tilespmem:s17+$0x2280]  }
0x45: {  	v3 =	vld [tilespmem:s17+$0x2100]  }
0x46: {  	s19 =	sor.u32 s0, s0;
	[tilespmem:s17+$0x14000] =	vst v0;
	v0 =	vld [tilespmem:s17+$0x2080]  }
0x47: {  	s20 =	sor.u32 $0x380, s19;
	[tilespmem:s17+$0x14080] =	vst v1;
	v1 =	vld [tilespmem:s17+$0x2000]  }
0x48: {  	v4 =	vld [tilespmem:s20+$0x0]  }
0x49: {  	[tilespmem:s17+$0x14300] =	vst v2;
	v2 =	vld [tilespmem:s17+$0x2300]  }
0x4a: {  	[tilespmem:s17+$0x14280] =	vst v3  }
0x4b: {  	[tilespmem:s17+$0x14200] =	vst v0  }
0x4c: {  	[tilespmem:s17+$0x14180] =	vst v1  }
0x4d: {  	[tilespmem:s17+$0x14100] =	vst v4  }
0x4e: {  	s19 =	sor.u32 $0x2380, s19;
	[tilespmem:s20+$0x14000] =	vst v2  }
0x4f: {  	v0 =	vld [tilespmem:s19+$0x0]  }
0x50: {  	v1 =	vld [tilespmem:s17+$0x4180]  }
0x51: {  	v2 =	vld [tilespmem:s17+$0x4200]  }
0x52: {  	v3 =	vld [tilespmem:s17+$0x6080]  }
0x53: {  	v62 =	vld [tilespmem:s17+$0x4300]  }
0x54: {  	v5 =	vld [tilespmem:s17+$0x6100];
	[tilespmem:s17+$0x16000] =	vst v0  }
0x55: {  	[tilespmem:s17+$0x16100] =	vst v1  }
0x56: {  	v0 =	vld [tilespmem:s17+$0x4000];
	[tilespmem:s17+$0x16180] =	vst v2  }
0x57: {  	v1 =	vld [tilespmem:s17+$0x6180];
	[tilespmem:s17+$0x16280] =	vst v3  }
0x58: {  	s26 =	sshll.u32 s15, $0x1;
	[tilespmem:s17+$0x16200] =	vst v62  }
0x59: {  	s18 =	simm.s32 $0x10;
	s6 =	sadd.s32 s3, s26;
	[tilespmem:s17+$0x16300] =	vst v5  }
.LBB2_3:
0x5a: {  	p0 =	sne.s32 s18, $0x3D0  }
0x5b: {  	[tilespmem:s17+$0x16080] =	vst v0;
	s0 =	sadd.s32 $0x80, s0;
	s20 =	smov.u32 s18;
	s18 =	sadd.s32 $0x10, s18  }
0x5c: {  	[tilespmem:s19+$0x14000] =	vst v1  }
0x5d: {  	v0 =	vld [tilespmem:s17+$0x6200]  }
0x5e: {  	v1 =	vld [tilespmem:s17+$0x6380]  }
0x5f: {  	v2 =	vld [tilespmem:s17+$0x8000]  }
0x60: {  	v3 =	vld [tilespmem:s17+$0x8080]  }
0x61: {  	s19 =	sand.u32 $0x70, s20;
	s26 =	sand.u32 $0x1C00, s0;
	v4 =	vld [tilespmem:s17+$0x8100]  }
0x62: {  	s19 =	sor.u32 s19, s26;
	[tilespmem:s17+$0x18000] =	vst v0;
	v0 =	vld [tilespmem:s17+$0x8180]  }
0x63: {  	v5 =	vld [tilespmem:s19+$0x4280];
	[tilespmem:s17+$0x18080] =	vst v1  }
0x64: {  	v1 =	vld [tilespmem:s19+$0x300];
	[tilespmem:s17+$0x18100] =	vst v2  }
0x65: {  	[tilespmem:s17+$0x18180] =	vst v3  }
0x66: {  	v2 =	vld [tilespmem:s19+$0x2280];
	[tilespmem:s17+$0x18200] =	vst v4  }
0x67: {  	v3 =	vld [tilespmem:s19+$0x2100];
	[tilespmem:s17+$0x18280] =	vst v0;
	s17 =	smov.u32 s19  }
0x68: {  	s19 =	sor.u32 s20, s0;
	[tilespmem:s17+$0x14000] =	vst v5;
	v0 =	vld [tilespmem:s17+$0x2080]  }
0x69: {  	s20 =	sor.u32 $0x380, s19;
	[tilespmem:s17+$0x14080] =	vst v1;
	v1 =	vld [tilespmem:s17+$0x2000]  }
0x6a: {  	v4 =	vld [tilespmem:s20+$0x0]  }
0x6b: {  	[tilespmem:s17+$0x14300] =	vst v2;
	v2 =	vld [tilespmem:s17+$0x2300]  }
0x6c: {  	[tilespmem:s17+$0x14280] =	vst v3  }
0x6d: {  	[tilespmem:s17+$0x14200] =	vst v0  }
0x6e: {  	[tilespmem:s17+$0x14180] =	vst v1  }
0x6f: {  	[tilespmem:s17+$0x14100] =	vst v4  }
0x70: {  	s19 =	sor.u32 $0x2380, s19;
	[tilespmem:s20+$0x14000] =	vst v2  }
0x71: {  	v0 =	vld [tilespmem:s19+$0x0]  }
0x72: {  	v1 =	vld [tilespmem:s17+$0x4180]  }
0x73: {  	v2 =	vld [tilespmem:s17+$0x4200]  }
0x74: {  	v3 =	vld [tilespmem:s17+$0x6080]  }
0x75: {  	v4 =	vld [tilespmem:s17+$0x4300]  }
0x76: {  	[tilespmem:s17+$0x16000] =	vst v0;
	v5 =	vld [tilespmem:s17+$0x6100]  }
.Ltmp0:
0x77: {  	v0 =	vld [tilespmem:s17+$0x4000];
	[tilespmem:s17+$0x16100] =	vst v1;
	(pc) =	sbr.rel @p0 .LBB2_3-.Ltmp0, $4  }
0x78: {  	[tilespmem:s17+$0x16180] =	vst v2;
	v1 =	vld [tilespmem:s17+$0x6180]  }
0x79: {  	[tilespmem:s17+$0x16280] =	vst v3  }
0x7a: {  	[tilespmem:s17+$0x16200] =	vst v4  }
0x7b: {  	[tilespmem:s17+$0x16300] =	vst v5  }
0x7c: {  	[tilespmem:s17+$0x16080] =	vst v0  }
0x7d: {  	[tilespmem:s19+$0x14000] =	vst v1  }
0x7e: {  	v0 =	vld [tilespmem:s17+$0x6200]  }
0x7f: {  	v1 =	vld [tilespmem:s17+$0x6380]  }
0x80: {  	v2 =	vld [tilespmem:s17+$0x8000]  }
0x81: {  	v3 =	vld [tilespmem:s17+$0x8080]  }
0x82: {  	v4 =	vld [tilespmem:s17+$0x8100]  }
0x83: {  	[tilespmem:s17+$0x18000] =	vst v0;
	v0 =	vld [tilespmem:s17+$0x8180]  }
0x84: {  	[tilespmem:s17+$0x18080] =	vst v1  }
0x85: {  	[tilespmem:s17+$0x18100] =	vst v2  }
0x86: {  	[tilespmem:s17+$0x18180] =	vst v3  }
0x87: {  	[tilespmem:s17+$0x18200] =	vst v4  }
0x88: {  	[tilespmem:s17+$0x18280] =	vst v0  }
0x89: {  	v0 =	vld [tilespmem:$0x5ED0]  }
0x8a: {  	v1 =	vld.msk [tilespmem:$0x5EE0], $0xff;
	_ =	sdelay $0x3  }
0x8b: {  	s0 =	simm.s32 $0x15C60;
	[tilespmem:$0x15C50] =	vst v0  }
0x8c: {  	[tilespmem:s0+$0x0] =	vst.msk $0xff, v1  }
0x8d: {  	v0 =	vld [tilespmem:$0x1F50]  }
0x8e: {  	v1 =	vld.msk [tilespmem:$0x1F60], $0xff;
	_ =	sdelay $0x3  }
0x8f: {  	s20 =	simm.s32 $0x15CE0;
	[tilespmem:$0x15CD0] =	vst v0  }
0x90: {  	[tilespmem:s20+$0x0] =	vst.msk $0xff, v1  }
0x91: {  	v0 =	vld [tilespmem:$0x1FD0]  }
0x92: {  	v1 =	vld.msk [tilespmem:$0x1FE0], $0xff;
	_ =	sdelay $0x3  }
0x93: {  	s26 =	simm.s32 $0x15D60;
	[tilespmem:$0x15D50] =	vst v0  }
0x94: {  	[tilespmem:s26+$0x0] =	vst.msk $0xff, v1  }
0x95: {  	v0 =	vld [tilespmem:$0x3C50]  }
0x96: {  	v1 =	vld.msk [tilespmem:$0x3C60], $0xff;
	_ =	sdelay $0x3  }
0x97: {  	s17 =	simm.s32 $0x15DE0;
	[tilespmem:$0x15DD0] =	vst v0  }
0x98: {  	[tilespmem:s17+$0x0] =	vst.msk $0xff, v1  }
0x99: {  	v0 =	vld [tilespmem:$0x3CD0]  }
0x9a: {  	v1 =	vld.msk [tilespmem:$0x3CE0], $0xff;
	_ =	sdelay $0x3  }
0x9b: {  	s18 =	simm.s32 $0x15E60;
	[tilespmem:$0x15E50] =	vst v0  }
0x9c: {  	[tilespmem:s18+$0x0] =	vst.msk $0xff, v1  }
0x9d: {  	v0 =	vld [tilespmem:$0x3D50]  }
0x9e: {  	v1 =	vld.msk [tilespmem:$0x3D60], $0xff;
	_ =	sdelay $0x3  }
0x9f: {  	s19 =	simm.s32 $0x15EE0;
	[tilespmem:$0x15ED0] =	vst v0  }
0xa0: {  	[tilespmem:s19+$0x0] =	vst.msk $0xff, v1  }
0xa1: {  	v0 =	vld [tilespmem:$0x3ED0]  }
0xa2: {  	v1 =	vld.msk [tilespmem:$0x3EE0], $0xff;
	_ =	sdelay $0x3  }
0xa3: {  	s20 =	simm.s32 $0x15F60;
	[tilespmem:$0x15F50] =	vst v0  }
0xa4: {  	[tilespmem:s20+$0x0] =	vst.msk $0xff, v1  }
0xa5: {  	v0 =	vld [tilespmem:$0x3F50]  }
0xa6: {  	v1 =	vld.msk [tilespmem:$0x3F60], $0xff;
	_ =	sdelay $0x3  }
0xa7: {  	s26 =	simm.s32 $0x15FE0;
	[tilespmem:$0x15FD0] =	vst v0  }
0xa8: {  	[tilespmem:s26+$0x0] =	vst.msk $0xff, v1  }
0xa9: {  	v0 =	vld [tilespmem:$0x3FD0]  }
0xaa: {  	v1 =	vld.msk [tilespmem:$0x3FE0], $0xff;
	_ =	sdelay $0x3  }
0xab: {  	s17 =	simm.s32 $0x17C60;
	[tilespmem:$0x17C50] =	vst v0  }
0xac: {  	[tilespmem:s17+$0x0] =	vst.msk $0xff, v1  }
0xad: {  	v0 =	vld [tilespmem:$0x5C50]  }
0xae: {  	v1 =	vld.msk [tilespmem:$0x5C60], $0xff;
	_ =	sdelay $0x3  }
0xaf: {  	s18 =	simm.s32 $0x17CE0;
	[tilespmem:$0x17CD0] =	vst v0  }
0xb0: {  	[tilespmem:s18+$0x0] =	vst.msk $0xff, v1  }
0xb1: {  	v0 =	vld [tilespmem:$0x5DD0]  }
0xb2: {  	v1 =	vld.msk [tilespmem:$0x5DE0], $0xff;
	_ =	sdelay $0x3  }
0xb3: {  	s19 =	simm.s32 $0x17D60;
	[tilespmem:$0x17D50] =	vst v0  }
0xb4: {  	[tilespmem:s19+$0x0] =	vst.msk $0xff, v1  }
0xb5: {  	v0 =	vld [tilespmem:$0x5E50]  }
0xb6: {  	v1 =	vld.msk [tilespmem:$0x5E60], $0xff;
	_ =	sdelay $0x3  }
0xb7: {  	s20 =	simm.s32 $0x17DE0;
	[tilespmem:$0x17DD0] =	vst v0  }
0xb8: {  	[tilespmem:s20+$0x0] =	vst.msk $0xff, v1  }
0xb9: {  	v0 =	vld [tilespmem:$0x5F50]  }
0xba: {  	v1 =	vld.msk [tilespmem:$0x5F60], $0xff;
	_ =	sdelay $0x3  }
0xbb: {  	s26 =	simm.s32 $0x17E60;
	[tilespmem:$0x17E50] =	vst v0  }
0xbc: {  	[tilespmem:s26+$0x0] =	vst.msk $0xff, v1  }
0xbd: {  	v0 =	vld [tilespmem:$0x7CD0]  }
0xbe: {  	v1 =	vld.msk [tilespmem:$0x7CE0], $0xff;
	_ =	sdelay $0x3  }
0xbf: {  	s17 =	simm.s32 $0x17EE0;
	[tilespmem:$0x17ED0] =	vst v0  }
0xc0: {  	[tilespmem:s17+$0x0] =	vst.msk $0xff, v1  }
0xc1: {  	v0 =	vld [tilespmem:$0x7D50]  }
0xc2: {  	v1 =	vld.msk [tilespmem:$0x7D60], $0xff;
	_ =	sdelay $0x3  }
0xc3: {  	s18 =	simm.s32 $0x17F60;
	[tilespmem:$0x17F50] =	vst v0  }
0xc4: {  	[tilespmem:s18+$0x0] =	vst.msk $0xff, v1  }
0xc5: {  	v0 =	vld [tilespmem:$0x7DD0]  }
0xc6: {  	v1 =	vld.msk [tilespmem:$0x7DE0], $0xff;
	_ =	sdelay $0x3  }
0xc7: {  	s19 =	simm.s32 $0x17FE0;
	[tilespmem:$0x17FD0] =	vst v0  }
0xc8: {  	[tilespmem:s19+$0x0] =	vst.msk $0xff, v1  }
0xc9: {  	v0 =	vld [tilespmem:$0x7E50]  }
0xca: {  	v1 =	vld.msk [tilespmem:$0x7E60], $0xff;
	_ =	sdelay $0x3  }
0xcb: {  	s20 =	simm.s32 $0x19C60;
	[tilespmem:$0x19C50] =	vst v0  }
0xcc: {  	[tilespmem:s20+$0x0] =	vst.msk $0xff, v1  }
0xcd: {  	v0 =	vld [tilespmem:$0x7FD0]  }
0xce: {  	v1 =	vld.msk [tilespmem:$0x7FE0], $0xff;
	_ =	sdelay $0x3  }
0xcf: {  	s26 =	simm.s32 $0x19CE0;
	[tilespmem:$0x19CD0] =	vst v0  }
0xd0: {  	[tilespmem:s26+$0x0] =	vst.msk $0xff, v1  }
0xd1: {  	v0 =	vld [tilespmem:$0x9C50]  }
0xd2: {  	v1 =	vld.msk [tilespmem:$0x9C60], $0xff;
	_ =	sdelay $0x3  }
0xd3: {  	s17 =	simm.s32 $0x19D60;
	[tilespmem:$0x19D50] =	vst v0  }
0xd4: {  	[tilespmem:s17+$0x0] =	vst.msk $0xff, v1  }
0xd5: {  	v0 =	vld [tilespmem:$0x9CD0]  }
0xd6: {  	v1 =	vld.msk [tilespmem:$0x9CE0], $0xff;
	_ =	sdelay $0x3  }
0xd7: {  	s18 =	simm.s32 $0x19DE0;
	[tilespmem:$0x19DD0] =	vst v0  }
0xd8: {  	[tilespmem:s18+$0x0] =	vst.msk $0xff, v1  }
0xd9: {  	v0 =	vld [tilespmem:$0x9D50]  }
0xda: {  	v1 =	vld.msk [tilespmem:$0x9D60], $0xff;
	_ =	sdelay $0x3  }
0xdb: {  	s19 =	simm.s32 $0x19E60;
	[tilespmem:$0x19E50] =	vst v0  }
0xdc: {  	[tilespmem:s19+$0x0] =	vst.msk $0xff, v1  }
0xdd: {  	v0 =	vld [tilespmem:$0x9DD0]  }
0xde: {  	p0 =	seq.s32 s15, $0xF;
	v1 =	vld.msk [tilespmem:$0x9DE0], $0xff  }
0xdf: {  	s0 =	smul.u32 @!p0 $0xC000, s6;
	_ =	sdelay $0x1  }
0xe0: {  	s0 =	sshrl.u32 @!p0 s0, $0x3  }
0xe1: {  	s20 =	simm.s32 $0x19EE0;
	s17 =	sadd.s32 @!p0 s4, s0;
	[tilespmem:$0x19ED0] =	vst v0  }
0xe2: {  	s0 =	sadd.s32 @!p0 $0x3000, s17;
	s18 =	simm.s32 @!p0 $0x0;
	[tilespmem:s20+$0x0] =	vst.msk $0xff, v1  }
0xe3: {  	[tilespmem:s18], [sflag:$0x1] =	stream.linear.gather @!p0 [hbm4b:s0+s18], $0x2000, $0x38;
	v63 =	vld [tilespmem:$0x0]  }
0xe4: {  	s19 =	simm.s32 @!p0 $0x2000;
	s0 =	sadd.s32 @!p0 $0x3400, s17  }
0xe5: {  	[tilespmem:s19], [sflag:$0x2] =	stream.linear.gather @!p0 [hbm4b:s0+s18], $0x2000, $0x38;
	v63 =	vld [tilespmem:$0x0]  }
0xe6: {  	s0 =	sadd.s32 @!p0 $0x3800, s17;
	s19 =	simm.s32 @!p0 $0x4000  }
0xe7: {  	[tilespmem:s19], [sflag:$0x3] =	stream.linear.gather @!p0 [hbm4b:s0+s18], $0x2000, $0x38;
	v63 =	vld [tilespmem:$0x0]  }
0xe8: {  	s26 =	smul.u32 $0x6000, s6;
	s0 =	sadd.s32 @!p0 $0x3C00, s17;
	s19 =	simm.s32 @!p0 $0x6000  }
0xe9: {  	[tilespmem:s19], [sflag:$0x4] =	stream.linear.gather @!p0 [hbm4b:s0+s18], $0x2000, $0x38;
	v63 =	vld [tilespmem:$0x0]  }
0xea: {  	s20 =	sshrl.u32 s26, $0x3;
	s0 =	sadd.s32 @!p0 $0x4000, s17;
	s19 =	simm.s32 @!p0 $0x8000  }
0xeb: {  	[tilespmem:s19], [sflag:$0x5] =	stream.linear.gather @!p0 [hbm4b:s0+s18], $0x2000, $0x38;
	v63 =	vld [tilespmem:$0x0]  }
0xec: {  	s26 =	simm.s32 $0x14000;
	s6 =	sadd.s32 s5, s20  }
0xed: {  	[hbm4b:s6+s2] =	stream.linear.scatter [tilespmem:s26], [sflag:$0xB], $0x2000, $0x38;
	v63 =	vld [tilespmem:$0x0]  }
0xee: {  	s0 =	sadd.s32 s20, s16;
	s19 =	simm.s32 $0x16000  }
0xef: {  	[hbm4b:s0+s2] =	stream.linear.scatter [tilespmem:s19], [sflag:$0xC], $0x2000, $0x38;
	v63 =	vld [tilespmem:$0x0]  }
0xf0: {  	s20 =	sadd.s32 $0x800, s6;
	s26 =	simm.s32 $0x18000  }
0xf1: {  	[hbm4b:s20+s2] =	stream.linear.scatter [tilespmem:s26], [sflag:$0xD], $0x2000, $0x38;
	v63 =	vld [tilespmem:$0x0]  }
0xf2: {  	_ =	swait.ge [sflag:s21], $0x2000  }
0xf3: {  	[sflag:s21] =	ssyncset.done $0x0  }
0xf4: {  	[sflag:s21] =	ssyncadd.s32 $0xFFFFE000  }
0xf5: {  	_ =	swait.ge [sflag:s22], $0x2000  }
0xf6: {  	[sflag:s22] =	ssyncset.done $0x0  }
0xf7: {  	[sflag:s22] =	ssyncadd.s32 $0xFFFFE000  }
0xf8: {  	_ =	swait.ge [sflag:s23], $0x2000  }
0xf9: {  	[sflag:s23] =	ssyncset.done $0x0  }
0xfa: {  	[sflag:s23] =	ssyncadd.s32 $0xFFFFE000  }
0xfb: {  	_ =	swait.ge [sflag:s24], $0x2000  }
0xfc: {  	[sflag:s24] =	ssyncset.done $0x0  }
0xfd: {  	[sflag:s24] =	ssyncadd.s32 $0xFFFFE000  }
0xfe: {  	_ =	swait.ge [sflag:s25], $0x2000  }
0xff: {  	[sflag:s25] =	ssyncset.done $0x0  }
0x100: {  	s0 =	simm.s32 @!p1 $0xE;
	[sflag:s25] =	ssyncadd.s32 $0xFFFFE000  }
0x101: {  	_ =	swait.ge @!p1 [sflag:s0], $0x2000  }
0x102: {  	[sflag:s0] =	ssyncset.done @!p1 $0x0  }
0x103: {  	[sflag:s0] =	ssyncadd.s32 @!p1 $0xFFFFE000;
	s0 =	simm.s32 @!p1 $0xF  }
0x104: {  	_ =	swait.ge @!p1 [sflag:s0], $0x2000  }
0x105: {  	[sflag:s0] =	ssyncset.done @!p1 $0x0  }
0x106: {  	[sflag:s0] =	ssyncadd.s32 @!p1 $0xFFFFE000;
	s0 =	simm.s32 @!p1 $0x10  }
0x107: {  	s19 =	simm.s32 $0x0;
	_ =	swait.ge @!p1 [sflag:s0], $0x2000  }
0x108: {  	s18 =	sand.u32 $0x1C00, s19;
	s20 =	sand.u32 $0x70, s19;
	[sflag:s0] =	ssyncset.done @!p1 $0x0  }
0x109: {  	[sflag:s0] =	ssyncadd.s32 @!p1 $0xFFFFE000;
	s0 =	sor.u32 s20, s18  }
0x10a: {  	v0 =	vld [tilespmem:s0+$0x12180]  }
0x10b: {  	v1 =	vld [tilespmem:s0+$0xE280]  }
0x10c: {  	v2 =	vld [tilespmem:s0+$0xA300]  }
0x10d: {  	v3 =	vld [tilespmem:s0+$0xA380]  }
0x10e: {  	v4 =	vld [tilespmem:s0+$0xC000]  }
0x10f: {  	v5 =	vld [tilespmem:s0+$0xC080];
	[tilespmem:s0+$0x1E280] =	vst v0  }
0x110: {  	[tilespmem:s0+$0x1A000] =	vst v1;
	v0 =	vld [tilespmem:s0+$0xC100]  }
0x111: {  	[tilespmem:s0+$0x1A080] =	vst v2;
	v1 =	vld [tilespmem:s0+$0xC280]  }
0x112: {  	[tilespmem:s0+$0x1A100] =	vst v3;
	v2 =	vld [tilespmem:s0+$0xC300]  }
0x113: {  	[tilespmem:s0+$0x1A180] =	vst v4;
	v3 =	vld [tilespmem:s0+$0xC380]  }
0x114: {  	[tilespmem:s0+$0x1A200] =	vst v5;
	v4 =	vld [tilespmem:s0+$0xE000]  }
0x115: {  	v5 =	vld [tilespmem:s0+$0x10080];
	[tilespmem:s0+$0x1A280] =	vst v0  }
0x116: {  	v0 =	vld [tilespmem:s0+$0xE180];
	[tilespmem:s0+$0x1A300] =	vst v1  }
0x117: {  	v1 =	vld [tilespmem:s0+$0xE200];
	[tilespmem:s0+$0x1A380] =	vst v2  }
0x118: {  	v2 =	vld [tilespmem:s0+$0xE300];
	[tilespmem:s0+$0x1C000] =	vst v3  }
0x119: {  	[tilespmem:s0+$0x1C080] =	vst v4;
	v4 =	vld [tilespmem:s0+$0x10100]  }
0x11a: {  	v3 =	vld [tilespmem:s0+$0x10180];
	[tilespmem:s0+$0x1C280] =	vst v5  }
0x11b: {  	[tilespmem:s0+$0x1C100] =	vst v0;
	v0 =	vld [tilespmem:s0+$0x10200]  }
0x11c: {  	[tilespmem:s0+$0x1C180] =	vst v1;
	v1 =	vld [tilespmem:s0+$0x10380]  }
0x11d: {  	s26 =	simm.s32 $0x10;
	s18 =	simm.s32 $0x80;
	[tilespmem:s0+$0x1C200] =	vst v2;
	v2 =	vld [tilespmem:s0+$0x12000]  }
0x11e: {  	s19 =	simm.s32 $0x20;
	s20 =	sand.u32 $0x70, s26;
	s26 =	sand.u32 $0x1C00, s18;
	[tilespmem:s0+$0x1C300] =	vst v4;
	v4 =	vld [tilespmem:s0+$0x12080]  }
.LBB2_5:
0x11f: {  	p1 =	sne.s32 s19, $0x3D0;
	s20 =	sor.u32 s20, s26;
	[tilespmem:s0+$0x1C380] =	vst v3;
	v3 =	vld [tilespmem:s0+$0x12100]  }
0x120: {  	v5 =	vld [tilespmem:s20+$0x12180];
	[tilespmem:s0+$0x1E000] =	vst v0  }
0x121: {  	v0 =	vld [tilespmem:s20+$0xE280];
	[tilespmem:s0+$0x1E080] =	vst v1  }
0x122: {  	v1 =	vld [tilespmem:s20+$0xA300];
	[tilespmem:s0+$0x1E100] =	vst v2  }
0x123: {  	v2 =	vld [tilespmem:s20+$0xA380];
	[tilespmem:s0+$0x1E180] =	vst v4  }
0x124: {  	v4 =	vld [tilespmem:s20+$0xC000];
	[tilespmem:s0+$0x1E200] =	vst v3;
	s0 =	smov.u32 s20  }
0x125: {  	v3 =	vld [tilespmem:s0+$0xC080];
	[tilespmem:s0+$0x1E280] =	vst v5  }
0x126: {  	[tilespmem:s0+$0x1A000] =	vst v0;
	v0 =	vld [tilespmem:s0+$0xC100]  }
0x127: {  	[tilespmem:s0+$0x1A080] =	vst v1;
	v1 =	vld [tilespmem:s0+$0xC280]  }
0x128: {  	[tilespmem:s0+$0x1A100] =	vst v2;
	v2 =	vld [tilespmem:s0+$0xC300]  }
0x129: {  	[tilespmem:s0+$0x1A180] =	vst v4;
	v4 =	vld [tilespmem:s0+$0xC380]  }
0x12a: {  	[tilespmem:s0+$0x1A200] =	vst v3;
	v3 =	vld [tilespmem:s0+$0xE000]  }
0x12b: {  	[tilespmem:s0+$0x1A280] =	vst v0;
	v0 =	vld [tilespmem:s0+$0xE180]  }
0x12c: {  	[tilespmem:s0+$0x1A300] =	vst v1;
	v1 =	vld [tilespmem:s0+$0xE200]  }
0x12d: {  	[tilespmem:s0+$0x1A380] =	vst v2;
	v2 =	vld [tilespmem:s0+$0xE300]  }
0x12e: {  	[tilespmem:s0+$0x1C000] =	vst v4;
	v4 =	vld [tilespmem:s0+$0x10080]  }
0x12f: {  	[tilespmem:s0+$0x1C080] =	vst v3;
	v5 =	vld [tilespmem:s0+$0x10100]  }
.Ltmp1:
0x130: {  	[tilespmem:s0+$0x1C100] =	vst v0;
	v3 =	vld [tilespmem:s0+$0x10180];
	(pc) =	sbr.rel @p1 .LBB2_5-.Ltmp1, $4  }
0x131: {  	[tilespmem:s0+$0x1C180] =	vst v1;
	v0 =	vld [tilespmem:s0+$0x10200]  }
0x132: {  	[tilespmem:s0+$0x1C200] =	vst v2;
	v1 =	vld [tilespmem:s0+$0x10380]  }
0x133: {  	s18 =	sadd.s32 $0x80, s18;
	[tilespmem:s0+$0x1C280] =	vst v4;
	v2 =	vld [tilespmem:s0+$0x12000]  }
0x134: {  	s26 =	sand.u32 $0x1C00, s18;
	s20 =	sand.u32 $0x70, s19;
	s19 =	sadd.s32 $0x10, s19;
	[tilespmem:s0+$0x1C300] =	vst v5;
	v4 =	vld [tilespmem:s0+$0x12080]  }
0x135: {  	[tilespmem:s0+$0x1C380] =	vst v3;
	s18 =	sor.u32 s20, s26;
	v25 =	vld [tilespmem:s0+$0x12100]  }
0x136: {  	v5 =	vld [tilespmem:s18+$0x12180];
	[tilespmem:s0+$0x1E000] =	vst v0  }
0x137: {  	v0 =	vld [tilespmem:s18+$0xE280];
	[tilespmem:s0+$0x1E080] =	vst v1  }
0x138: {  	v1 =	vld [tilespmem:s18+$0xA300];
	[tilespmem:s0+$0x1E100] =	vst v2  }
0x139: {  	v2 =	vld [tilespmem:s18+$0xA380];
	[tilespmem:s0+$0x1E180] =	vst v4  }
0x13a: {  	v4 =	vld [tilespmem:s18+$0xC000];
	[tilespmem:s0+$0x1E200] =	vst v25  }
0x13b: {  	v3 =	vld [tilespmem:s18+$0xC080];
	[tilespmem:s18+$0x1E280] =	vst v5  }
0x13c: {  	v26 =	vld [tilespmem:s18+$0xC100];
	[tilespmem:s18+$0x1A000] =	vst v0  }
0x13d: {  	v27 =	vld [tilespmem:s18+$0xC280];
	[tilespmem:s18+$0x1A080] =	vst v1  }
0x13e: {  	v28 =	vld [tilespmem:s18+$0xC300];
	[tilespmem:s18+$0x1A100] =	vst v2  }
0x13f: {  	v29 =	vld [tilespmem:s18+$0xC380];
	[tilespmem:s18+$0x1A180] =	vst v4  }
0x140: {  	v30 =	vld [tilespmem:s18+$0xE000];
	[tilespmem:s18+$0x1A200] =	vst v3  }
0x141: {  	v31 =	vld [tilespmem:s18+$0xE180];
	[tilespmem:s18+$0x1A280] =	vst v26  }
0x142: {  	v32 =	vld [tilespmem:s18+$0xE200];
	[tilespmem:s18+$0x1A300] =	vst v27  }
0x143: {  	v33 =	vld [tilespmem:s18+$0xE300];
	[tilespmem:s18+$0x1A380] =	vst v28  }
0x144: {  	v34 =	vld [tilespmem:s18+$0x10080];
	[tilespmem:s18+$0x1C000] =	vst v29  }
0x145: {  	v35 =	vld [tilespmem:s18+$0x10100];
	[tilespmem:s18+$0x1C080] =	vst v30  }
0x146: {  	v36 =	vld [tilespmem:s18+$0x10180];
	[tilespmem:s18+$0x1C100] =	vst v31  }
0x147: {  	v37 =	vld [tilespmem:s18+$0x10200];
	[tilespmem:s18+$0x1C180] =	vst v32  }
0x148: {  	v38 =	vld [tilespmem:s18+$0x10380];
	[tilespmem:s18+$0x1C200] =	vst v33  }
0x149: {  	v39 =	vld [tilespmem:s18+$0x12000];
	[tilespmem:s18+$0x1C280] =	vst v34  }
0x14a: {  	v40 =	vld [tilespmem:s18+$0x12080];
	[tilespmem:s18+$0x1C300] =	vst v35  }
0x14b: {  	v41 =	vld [tilespmem:s18+$0x12100];
	[tilespmem:s18+$0x1C380] =	vst v36  }
0x14c: {  	[tilespmem:s18+$0x1E000] =	vst v37  }
0x14d: {  	[tilespmem:s18+$0x1E080] =	vst v38  }
0x14e: {  	[tilespmem:s18+$0x1E100] =	vst v39  }
0x14f: {  	[tilespmem:s18+$0x1E180] =	vst v40  }
0x150: {  	[tilespmem:s18+$0x1E200] =	vst v41  }
0x151: {  	v0 =	vld [tilespmem:$0xFED0]  }
0x152: {  	v1 =	vld.msk [tilespmem:$0xFEE0], $0xff;
	_ =	sdelay $0x3  }
0x153: {  	s18 =	simm.s32 $0x1BC60;
	[tilespmem:$0x1BC50] =	vst v0  }
0x154: {  	[tilespmem:s18+$0x0] =	vst.msk $0xff, v1  }
0x155: {  	v42 =	vld [tilespmem:$0xBF50]  }
0x156: {  	v1 =	vld.msk [tilespmem:$0xBF60], $0xff;
	_ =	sdelay $0x3  }
0x157: {  	s19 =	simm.s32 $0x1BCE0;
	[tilespmem:$0x1BCD0] =	vst v42  }
0x158: {  	[tilespmem:s19+$0x0] =	vst.msk $0xff, v1  }
0x159: {  	v43 =	vld [tilespmem:$0xBFD0]  }
0x15a: {  	v1 =	vld.msk [tilespmem:$0xBFE0], $0xff;
	_ =	sdelay $0x3  }
0x15b: {  	s20 =	simm.s32 $0x1BD60;
	[tilespmem:$0x1BD50] =	vst v43  }
0x15c: {  	[tilespmem:s20+$0x0] =	vst.msk $0xff, v1  }
0x15d: {  	v44 =	vld [tilespmem:$0xDC50]  }
0x15e: {  	v1 =	vld.msk [tilespmem:$0xDC60], $0xff;
	_ =	sdelay $0x3  }
0x15f: {  	s26 =	simm.s32 $0x1BDE0;
	[tilespmem:$0x1BDD0] =	vst v44  }
0x160: {  	[tilespmem:s26+$0x0] =	vst.msk $0xff, v1  }
0x161: {  	v45 =	vld [tilespmem:$0xDCD0]  }
0x162: {  	v1 =	vld.msk [tilespmem:$0xDCE0], $0xff;
	_ =	sdelay $0x3  }
0x163: {  	s18 =	simm.s32 $0x1BE60;
	[tilespmem:$0x1BE50] =	vst v45  }
0x164: {  	[tilespmem:s18+$0x0] =	vst.msk $0xff, v1  }
0x165: {  	v46 =	vld [tilespmem:$0xDD50]  }
0x166: {  	v1 =	vld.msk [tilespmem:$0xDD60], $0xff;
	_ =	sdelay $0x3  }
0x167: {  	s19 =	simm.s32 $0x1BEE0;
	[tilespmem:$0x1BED0] =	vst v46  }
0x168: {  	[tilespmem:s19+$0x0] =	vst.msk $0xff, v1  }
0x169: {  	v47 =	vld [tilespmem:$0xDED0]  }
0x16a: {  	v1 =	vld.msk [tilespmem:$0xDEE0], $0xff;
	_ =	sdelay $0x3  }
0x16b: {  	s20 =	simm.s32 $0x1BF60;
	[tilespmem:$0x1BF50] =	vst v47  }
0x16c: {  	[tilespmem:s20+$0x0] =	vst.msk $0xff, v1  }
0x16d: {  	v48 =	vld [tilespmem:$0xDF50]  }
0x16e: {  	v1 =	vld.msk [tilespmem:$0xDF60], $0xff;
	_ =	sdelay $0x3  }
0x16f: {  	s26 =	simm.s32 $0x1BFE0;
	[tilespmem:$0x1BFD0] =	vst v48  }
0x170: {  	[tilespmem:s26+$0x0] =	vst.msk $0xff, v1  }
0x171: {  	v49 =	vld [tilespmem:$0xDFD0]  }
0x172: {  	v1 =	vld.msk [tilespmem:$0xDFE0], $0xff;
	_ =	sdelay $0x3  }
0x173: {  	s18 =	simm.s32 $0x1DC60;
	[tilespmem:$0x1DC50] =	vst v49  }
0x174: {  	[tilespmem:s18+$0x0] =	vst.msk $0xff, v1  }
0x175: {  	v50 =	vld [tilespmem:$0xFC50]  }
0x176: {  	v1 =	vld.msk [tilespmem:$0xFC60], $0xff;
	_ =	sdelay $0x3  }
0x177: {  	s19 =	simm.s32 $0x1DCE0;
	[tilespmem:$0x1DCD0] =	vst v50  }
0x178: {  	[tilespmem:s19+$0x0] =	vst.msk $0xff, v1  }
0x179: {  	v51 =	vld [tilespmem:$0xFDD0]  }
0x17a: {  	v1 =	vld.msk [tilespmem:$0xFDE0], $0xff;
	_ =	sdelay $0x3  }
0x17b: {  	s20 =	simm.s32 $0x1DD60;
	[tilespmem:$0x1DD50] =	vst v51  }
0x17c: {  	[tilespmem:s20+$0x0] =	vst.msk $0xff, v1  }
0x17d: {  	v52 =	vld [tilespmem:$0xFE50]  }
0x17e: {  	v1 =	vld.msk [tilespmem:$0xFE60], $0xff;
	_ =	sdelay $0x3  }
0x17f: {  	s26 =	simm.s32 $0x1DDE0;
	[tilespmem:$0x1DDD0] =	vst v52  }
0x180: {  	[tilespmem:s26+$0x0] =	vst.msk $0xff, v1  }
0x181: {  	v53 =	vld [tilespmem:$0xFF50]  }
0x182: {  	v1 =	vld.msk [tilespmem:$0xFF60], $0xff;
	_ =	sdelay $0x3  }
0x183: {  	s18 =	simm.s32 $0x1DE60;
	[tilespmem:$0x1DE50] =	vst v53  }
0x184: {  	[tilespmem:s18+$0x0] =	vst.msk $0xff, v1  }
0x185: {  	v54 =	vld [tilespmem:$0x11CD0]  }
0x186: {  	v1 =	vld.msk [tilespmem:$0x11CE0], $0xff;
	_ =	sdelay $0x3  }
0x187: {  	s19 =	simm.s32 $0x1DEE0;
	[tilespmem:$0x1DED0] =	vst v54  }
0x188: {  	[tilespmem:s19+$0x0] =	vst.msk $0xff, v1  }
0x189: {  	v55 =	vld [tilespmem:$0x11D50]  }
0x18a: {  	v1 =	vld.msk [tilespmem:$0x11D60], $0xff;
	_ =	sdelay $0x3  }
0x18b: {  	s20 =	simm.s32 $0x1DF60;
	[tilespmem:$0x1DF50] =	vst v55  }
0x18c: {  	[tilespmem:s20+$0x0] =	vst.msk $0xff, v1  }
0x18d: {  	v56 =	vld [tilespmem:$0x11DD0]  }
0x18e: {  	v1 =	vld.msk [tilespmem:$0x11DE0], $0xff;
	_ =	sdelay $0x3  }
0x18f: {  	s26 =	simm.s32 $0x1DFE0;
	[tilespmem:$0x1DFD0] =	vst v56  }
0x190: {  	[tilespmem:s26+$0x0] =	vst.msk $0xff, v1  }
0x191: {  	v57 =	vld [tilespmem:$0x11E50]  }
0x192: {  	v1 =	vld.msk [tilespmem:$0x11E60], $0xff;
	_ =	sdelay $0x3  }
0x193: {  	s18 =	simm.s32 $0x1FC60;
	[tilespmem:$0x1FC50] =	vst v57  }
0x194: {  	[tilespmem:s18+$0x0] =	vst.msk $0xff, v1  }
0x195: {  	v58 =	vld [tilespmem:$0x11FD0]  }
0x196: {  	v1 =	vld.msk [tilespmem:$0x11FE0], $0xff;
	_ =	sdelay $0x3  }
0x197: {  	[tilespmem:$0x1FCD0] =	vst v58  }
0x198: {  	[tilespmem:s7+$0x0] =	vst.msk $0xff, v1  }
0x199: {  	v59 =	vld [tilespmem:$0x13C50]  }
0x19a: {  	v1 =	vld.msk [tilespmem:$0x13C60], $0xff;
	_ =	sdelay $0x3  }
0x19b: {  	[tilespmem:$0x1FD50] =	vst v59  }
0x19c: {  	[tilespmem:s8+$0x0] =	vst.msk $0xff, v1  }
0x19d: {  	v60 =	vld [tilespmem:$0x13CD0]  }
0x19e: {  	v1 =	vld.msk [tilespmem:$0x13CE0], $0xff;
	_ =	sdelay $0x3  }
0x19f: {  	[tilespmem:$0x1FDD0] =	vst v60  }
0x1a0: {  	[tilespmem:s9+$0x0] =	vst.msk $0xff, v1  }
0x1a1: {  	v61 =	vld [tilespmem:$0x13D50]  }
0x1a2: {  	v1 =	vld.msk [tilespmem:$0x13D60], $0xff;
	_ =	sdelay $0x3  }
0x1a3: {  	[tilespmem:$0x1FE50] =	vst v61  }
0x1a4: {  	[tilespmem:s10+$0x0] =	vst.msk $0xff, v1  }
0x1a5: {  	v62 =	vld [tilespmem:$0x13DD0]  }
0x1a6: {  	v1 =	vld.msk [tilespmem:$0x13DE0], $0xff;
	_ =	sdelay $0x3  }
0x1a7: {  	[tilespmem:$0x1FED0] =	vst v62  }
0x1a8: {  	s0 =	sadd.s32 @!p0 $0x4800, s17;
	s19 =	simm.s32 @!p0 $0xA000;
	s18 =	simm.s32 @!p0 $0x0;
	[tilespmem:s11+$0x0] =	vst.msk $0xff, v1  }
0x1a9: {  	[tilespmem:s19], [sflag:$0x6] =	stream.linear.gather @!p0 [hbm4b:s0+s18], $0x2000, $0x38;
	v63 =	vld [tilespmem:$0x0]  }
0x1aa: {  	s0 =	sadd.s32 @!p0 $0x4C00, s17;
	s19 =	simm.s32 @!p0 $0xC000  }
0x1ab: {  	[tilespmem:s19], [sflag:$0x7] =	stream.linear.gather @!p0 [hbm4b:s0+s18], $0x2000, $0x38;
	v63 =	vld [tilespmem:$0x0]  }
0x1ac: {  	s0 =	sadd.s32 @!p0 $0x5000, s17;
	s19 =	simm.s32 @!p0 $0xE000  }
0x1ad: {  	[tilespmem:s19], [sflag:$0x8] =	stream.linear.gather @!p0 [hbm4b:s0+s18], $0x2000, $0x38;
	v63 =	vld [tilespmem:$0x0]  }
0x1ae: {  	s0 =	sadd.s32 @!p0 $0x5400, s17;
	s19 =	simm.s32 @!p0 $0x10000  }
0x1af: {  	[tilespmem:s19], [sflag:$0x9] =	stream.linear.gather @!p0 [hbm4b:s0+s18], $0x2000, $0x38;
	v63 =	vld [tilespmem:$0x0]  }
0x1b0: {  	s15 =	sadd.s32 $0x1, s15;
	s0 =	sadd.s32 @!p0 $0x5800, s17;
	s17 =	simm.s32 @!p0 $0x12000  }
0x1b1: {  	[tilespmem:s17], [sflag:$0xA] =	stream.linear.gather @!p0 [hbm4b:s0+s18], $0x2000, $0x38;
	v63 =	vld [tilespmem:$0x0]  }
0x1b2: {  	s19 =	sadd.s32 $0xC00, s6;
	p0 =	sne.s32 s15, $0x10  }
0x1b3: {  	[hbm4b:s19+s2] =	stream.linear.scatter [tilespmem:s12], [sflag:$0xE], $0x2000, $0x38;
	v63 =	vld [tilespmem:$0x0]  }
.Ltmp2:
0x1b4: {  	_ = 	snop;
	(pc) =	sbr.rel @p0 .LBB2_2-.Ltmp2, $4  }
0x1b5: {  	s20 =	sadd.s32 $0x1000, s6  }
0x1b6: {  	[hbm4b:s20+s2] =	stream.linear.scatter [tilespmem:s13], [sflag:$0xF], $0x2000, $0x38;
	v63 =	vld [tilespmem:$0x0]  }
0x1b7: {  	s26 =	sadd.s32 $0x1400, s6  }
0x1b8: {  	[hbm4b:s26+s2] =	stream.linear.scatter [tilespmem:s14], [sflag:$0x10], $0x2000, $0x38;
	v63 =	vld [tilespmem:$0x0]  }
0x1b9: {  	s0 =	simm.s32 $0xB  }
0x1ba: {  	_ =	swait.ge [sflag:s0], $0x2000  }
0x1bb: {  	[sflag:s0] =	ssyncset.done $0x0  }
0x1bc: {  	s17 =	simm.s32 $0xC;
	[sflag:s0] =	ssyncadd.s32 $0xFFFFE000  }
0x1bd: {  	_ =	swait.ge [sflag:s17], $0x2000  }
0x1be: {  	[sflag:s17] =	ssyncset.done $0x0  }
0x1bf: {  	s18 =	simm.s32 $0xD;
	[sflag:s17] =	ssyncadd.s32 $0xFFFFE000  }
0x1c0: {  	_ =	swait.ge [sflag:s18], $0x2000  }
0x1c1: {  	[sflag:s18] =	ssyncset.done $0x0  }
0x1c2: {  	s19 =	simm.s32 $0xE;
	[sflag:s18] =	ssyncadd.s32 $0xFFFFE000  }
0x1c3: {  	_ =	swait.ge [sflag:s19], $0x2000  }
0x1c4: {  	[sflag:s19] =	ssyncset.done $0x0  }
0x1c5: {  	s20 =	simm.s32 $0xF;
	[sflag:s19] =	ssyncadd.s32 $0xFFFFE000  }
0x1c6: {  	_ =	swait.ge [sflag:s20], $0x2000  }
0x1c7: {  	[sflag:s20] =	ssyncset.done $0x0  }
0x1c8: {  	s6 =	simm.s32 $0x10;
	[sflag:s20] =	ssyncadd.s32 $0xFFFFE000  }
0x1c9: {  	_ =	swait.ge [sflag:s6], $0x2000  }
0x1ca: {  	s15 =	rddreg [dreg:$0xd]  }
0x1cb: {  	s26 =	rddreg [dreg:$0xc];
	s15 =	sadd.s32 $0x1, s15  }
0x1cc: {  	p0 =	sne.s32 s15, s26  }
.Ltmp3:
0x1cd: {  	_ = 	snop;
	(pc) =	sbr.rel @p0 .LBB2_1-.Ltmp3, $3  }
0x1ce: {  	_ =	sdelay $0x1  }
0x1cf: {  	[sflag:s6] =	ssyncset.done $0x0  }
0x1d0: {  	[sflag:s6] =	ssyncadd.s32 $0xFFFFE000  }
0x1d1: {  	_ =	sfence.sel $0x180000  }
0x1d2: {  	[bflag:$0x0] =	sbarrier.arrive $0xFFFF  }
0x1d3: {  	_ =	strace $0x90000047  }
0x1d4: {  	s0 =	stileid.u32;
	[bflag:$0x2] =	sbarrier.arrive $0xFFFF  }
0x1d5: {  	p0 =	sne.s32 s0, $0x0;
	s0 =	rddreg [dreg:$0x1]  }
0x1d6: {  	s0 =	sadd.s32 @!p0 $0x100000, s0  }
0x1d7: {  	[sflag:s0] =	ssyncadd.tile.s32 @!p0 $0x1;
	_ =	shalt  }
.Lfunc_end2:
_tile_overlayer_lowered:
.L_overlay_start_2:
0x1d8: {  	(tag) =	ssettag $0x2  }
0x1d9: {  	s0 =	rddreg [dreg:$0x0];
	s2 =	stileid.u32  }
0x1da: {  	s1 =	rddreg [dreg:$0x1];
	p0 =	sne.s32 s2, $0x0  }
0x1db: {  	s3 =	rddreg [dreg:$0x2];
	[bflag:$0x3] =	sbarrier.arrive $0xFFFF;
	s2 =	simm.s32 @!p0 $0x1C11  }
0x1dc: {  	[timem:s3], [sflag:s2] =	dma.local @!p0 [hbm:s0], s1  }
0x1dd: {  	s0 =	simm.s32 @!p0 $0x11  }
0x1de: {  	_ =	swait.ge @!p0 [sflag:s0], s1  }
0x1df: {  	s1 =	ssub.s32 @!p0 $0x0, s1;
	[sflag:s0] =	ssyncset.done @!p0 $0x0  }
0x1e0: {  	[sflag:s0] =	ssyncadd.s32 @!p0 s1  }
0x1e1: {  	[bflag:$0x3] =	sbarrier.arrive $0xFFFF  }
0x1e2: {  	_ =	shalt  }

// kernel: sparse-core-data-format-call.cloned.1.call-start
scs
called_computation_lowered:
.L_overlay_start_0:
0x0: {  	s2 =	sld [smem:$0x3FD9]  }
0x1: {  	s3 =	sld [smem:$0x3FFE];
	_ =	sdelay $0x1  }
0x2: {  	s1 =	srdreg.scid  }
0x3: {  	s0 =	sand.u32 $0x1, s1  }
0x4: {  	s18 =	sshll.u32 s0, $0xA;
	s2 =	sadd.s32 s3, s2  }
0x5: {  	s2 =	sadd.s32 s2, s18  }
0x6: {  	[smem:$0x3FC7] =	sst s2  }
0x7: {  	_ = 	snop  }
0x8: {  	s2 =	sld [smem:$0x3FD0];
	(tm) =	ssettm $0x1  }
0x9: {  	s19 =	sld [smem:$0x3FFB];
	_ =	sdelay $0x3  }
0xa: {  	_ =	strace s19  }
0xb: {  	s3 =	sld [smem:$0x3FFC];
	_ =	sdelay $0x3  }
0xc: {  	_ =	strace s3  }
0xd: {  	s3 =	sld [smem:$0x3FFD];
	_ =	sdelay $0x3  }
0xe: {  	_ =	strace s3  }
0xf: {  	_ =	strace $0x8FFFFFFF  }
0x10: {  	s20 =	sld [smem:$0x3FDB];
	_ =	sdelay $0x1  }
0x11: {  	s4 =	simm.s32 $_scs_section_size  }
0x12: {  	s5 =	simm.s32 $_size__tile_overlayer_lowered;
	s6 =	simm.s32 $_tile_overlayer_lowered  }
0x13: {  	s23 =	simm.s32 $0x1BFF;
	s22 =	sshll.u32 s6, $0x1;
	s3 =	sadd.s32 s4, s20  }
0x14: {  	s7 =	simm.s32 $0x0;
	s21 =	sshll.u32 s5, $0x1;
	s5 =	sadd.s32 s22, s3  }
0x15: {  	[timem:s7], [sflag:s23] =	dma.local [hbm:s5], s21  }
0x16: {  	_ =	swait.ge [sflag:s23], s21  }
0x17: {  	s4 =	ssub.s32 $0x0, s21;
	[sflag:s23] =	ssyncset.done $0x0  }
0x18: {  	[sflag:s23] =	ssyncadd.s32 s4;
	_ =	sdelay $0x1  }
0x19: {  	s24 =	simm.s32 $0x1B8B  }
0x1a: {  	_ =	swait.ge [sflag:s24], $0x1  }
0x1b: {  	[sflag:s24] =	ssyncset.done $0x0  }
0x1c: {  	s26 =	simm.s32 $0x1B8E;
	s25 =	sld [smem:$0x3FFE];
	[sflag:s24] =	ssyncadd.s32 $0xFFFFFFFF  }
0x1d: {  	s27 =	simm.s32 $execute0_lowered;
	[smem:$0x3FD2] =	sst s26  }
0x1e: {  	s5 =	sshll.u32 s27, $0x1;
	_ =	strace $0x80000049;
	[dreg:$0x1] =	wrdreg $0xFFFFFFFF  }
0x1f: {  	s28 =	simm.s32 $_size_execute0_lowered;
	s3 =	sadd.s32 s3, s5;
	[dreg:$0x0] =	wrdreg $0x0  }
0x20: {  	s5 =	sshll.u32 s28, $0x1;
	[dreg:$0x2] =	wrdreg s3  }
0x21: {  	[dreg:$0x3] =	wrdreg s5  }
0x22: {  	[dreg:$0x4] =	wrdreg $0xC0  }
0x23: {  	_ =	task [dreg:s7], $0x5FFFF  }
0x24: {  	[dreg:$0x1] =	wrdreg $0xFFFFFFFF  }
0x25: {  	[dreg:$0x0] =	wrdreg $0x60  }
0x26: {  	[dreg:$0x2] =	wrdreg s25  }
0x27: {  	[dreg:$0x3] =	wrdreg s2  }
0x28: {  	[dreg:$0x4] =	wrdreg $0x9  }
0x29: {  	_ =	task.clear_ibuf [dreg:s7], $0x5FFFF;
	_ =	strace $0x90000049  }
0x2a: {  	s29 =	simm.s32 $0x9;
	_ =	strace $0x8000004B  }
0x2b: {  	_ =	swait.ge [sflag:s29], $0x1  }
0x2c: {  	[sflag:s29] =	ssyncadd.s32 $0xFFFFFFFF  }
0x2d: {  	_ =	strace $0x9000004B  }
0x2e: {  	_ =	sfence  }
0x2f: {  	s30 =	sld [smem:$0x0];
	_ =	sdelay $0x2  }
0x30: {  	s31 =	sshll.u32 s1, $0xD;
	s1 =	sshrl.u32 s1, $0x2  }
0x31: {  	s3 =	sand.u32 $0x4000, s31;
	s1 =	sadd.s32 s1, s30  }
0x32: {  	s0 =	sor.u32 s3, s0;
	s1 =	sshll.u32 s1, $0x11  }
0x33: {  	s0 =	sor.u32 s1, s0  }
0x34: {  	s0 =	sadd.s32 $0x8F2B, s0  }
0x35: {  	[sflag:s0] =	ssyncadd.remote.s32 $0x1  }
0x36: {  	_ =	sfence.sel $0xFFFF  }
0x37: {  	[dreg:$0x0] =	wrdreg $0xFFFFFFFF;
	(pc) =	sbr.abs _section_cstart, $3  }
0x38: {  	[dreg:$0x1] =	wrdreg $0xFFFFFFFF  }
0x39: {  	_ =	task.clear_ibuf [dreg:s7], $0x2FFFF;
	_ =	strace $0x9FFFFFFF  }
0x3a: {  	(tm) =	ssettm $0x7FFFFFFF  }
0x3b: {  	_ =	shalt  }
tec
execute0_lowered:
.L_overlay_start_1:
0x0: {  	(tag) =	ssettag $0x1  }
0x1: {  	s4 =	rddreg [dreg:$0x0]  }
0x2: {  	s0 =	stileid.u32;
	s2 =	rddreg [dreg:$0x1]  }
0x3: {  	s7 =	srdreg.scid;
	s31 =	simm.s32 $0x2;
	s17 =	simm.s32 $0x0  }
0x4: {  	s9 =	simm.s32 $0x2000;
	s19 =	simm.s32 $0x0;
	s18 =	simm.s32 $0x0  }
0x5: {  	s10 =	simm.s32 $0x0;
	s11 =	simm.s32 $0x0;
	s1 =	sshll.u32 s0, $0x7  }
0x6: {  	s12 =	simm.s32 $0x0;
	s14 =	simm.s32 $0x0;
	s3 =	sand.u32 $0x380, s1  }
0x7: {  	s16 =	simm.s32 $0x0;
	s4 =	sadd.s32 $0x600800, s4;
	s5 =	ssub.s32 $0x400, s3  }
0x8: {  	s8 =	sshll.u32 s0, $0x4;
	s7 =	sshll.u32 s7, $0x8;
	s6 =	sand.u32 $0x380, s5  }
0x9: {  	s1 =	rddreg [dreg:$0x2];
	p0 =	sne.s32 s6, $0x0;
	s6 =	simm.s32 $0x1  }
.Ltmp0:
0xa: {  	s5 =	sshrl.u32 s5, $0xA;
	s6 =	simm.s32 @!p0 $0x0;
	(pc) =	sbr.rel .LBB1_1-.Ltmp0, $4  }
0xb: {  	_ =	strace $0x8000004A;
	s7 =	sor.u32 s8, s7;
	s6 =	sadd.s32 s6, s5  }
0xc: {  	s7 =	sand.u32 $0x180, s7;
	s5 =	simm.s32 $0x1;
	s6 =	smul.u32 $0x2C, s6  }
0xd: {  	s15 =	smov.u32 s3;
	s13 =	smov.u32 s7;
	[sflag:s5] =	ssyncpa.u1 $0x0  }
0xe: {  	p0 =	por $0x0, $0x0;
	[sflag:s31] =	ssyncpa.u1 $0x0;
	s8 =	sor.u32 $0x1, s6  }
.LBB1_4:
0xf: {  	s25 =	sshll.u32 s10, $0xA;
	s24 =	sshra.s32 s24, $0x2;
	s26 =	sshll.u32 s12, $0x3  }
0x10: {  	p1 =	sgt.s32 s11, $0x15;
	s27 =	smov.u32 s11;
	s28 =	sshra.s32 s11, $0x1F  }
0x11: {  	p2 =	sgt.s32 s12, $0x380;
	s31 =	sshra.s32 s12, $0x1F;
	s25 =	sand.u32 $0xFFFFE000, s25  }
0x12: {  	s26 =	sand.u32 $0xFFFFFC00, s26;
	s27 =	simm.s32 @!p1 $0x15;
	s28 =	sand.u32 s28, s11  }
0x13: {  	[tilespmem:s22+$0x2040 ss:$0x81] =	vst.msk $0xffff, v4;
	s23 =	sadd.s32 s24, s23;
	s29 =	sadd.s32 s26, s25;
	s25 =	ssub.s32 s27, s28  }
0x14: {  	[tilespmem:s22+$0x2850 ss:$0x81] =	vst.msk $0xffff, v3;
	s27 =	smov.u32 s12;
	s28 =	smov.u32 s10;
	s26 =	sand.u32 s31, s12  }
0x15: {  	[tilespmem:s22+$0x3060 ss:$0x81] =	vst.msk $0xffff, v2;
	s24 =	sshrl.u32 s29, $0xA;
	s30 =	sadd.s32 $0xFFFFFFEB, s25;
	s27 =	simm.s32 @!p2 $0x380  }
0x16: {  	v5 =	vld [tilespmem:s21+$0xFFFFFFD0];
	[tilespmem:s22+$0x0 ss:$0x81] =	vst.msk $0xffff, v1;
	p2 =	sgt.s32 s10, $0x368;
	s29 =	sshra.s32 s10, $0x1F;
	s22 =	ssub.s32 $0x16, s25  }
0x17: {  	v58 =	vld [tilespmem:s21+$0xFFFFFFE0];
	p1 =	sgt.s32 s30, $0x0;
	s28 =	simm.s32 @!p2 $0x368;
	s29 =	sand.u32 s29, s10  }
0x18: {  	v59 =	vld [tilespmem:s21+$0xFFFFFFF0];
	s26 =	ssub.s32 s27, s26;
	s27 =	smulhi.u32 $0x418938, s24;
	s28 =	ssub.s32 s28, s29  }
0x19: {  	v60 =	vld [tilespmem:s21+$0x0];
	s30 =	sadd.s32 $0xFFFFFC80, s26;
	s25 =	ssub.s32 $0x400, s26;
	s22 =	simm.s32 @p1 $0x0  }
0x1a: {  	v61 =	vld [tilespmem:s21+$0x10];
	[tilespmem:s23+$0x3870 ss:$0x81] =	vst.msk $0xffff, v0;
	s29 =	sand.u32 $0x78, s12;
	p2 =	sgt.s32 s30, $0x7F;
	s31 =	sadd.s32 $0xFFFFFC98, s28  }
0x1b: {  	v62 =	vld [tilespmem:s21+$0x20];
	[tilespmem:s23+$0x810 ss:$0x81] =	vst.msk $0xffff, v5;
	s27 =	smul.u32 $0x3E8, s27;
	s30 =	sshll.u32 s10, $0x7;
	s28 =	ssub.s32 $0x3E8, s28  }
0x1c: {  	v63 =	vld [tilespmem:s21+$0xFFFFFFC0];
	[tilespmem:s23+$0x1020 ss:$0x81] =	vst.msk $0xffff, v58;
	s25 =	simm.s32 @p2 $0x0;
	p1 =	sgt.s32 s31, $0x7F;
	s31 =	smul.u32 $0x1F400, s11  }
0x1d: {  	[tilespmem:s23+$0x1830 ss:$0x81] =	vst.msk $0xffff, v59;
	s21 =	sand.u32 $0x380, s30;
	s22 =	smul.u32 s25, s22;
	s28 =	simm.s32 @p1 $0x0  }
0x1e: {  	[tilespmem:s23+$0x2040 ss:$0x81] =	vst.msk $0xffff, v60;
	s21 =	sor.u32 s29, s21;
	s24 =	ssub.s32 s24, s27;
	s29 =	sand.u32 $0x7, s12  }
0x1f: {  	[tilespmem:s23+$0x2850 ss:$0x81] =	vst.msk $0xffff, v61;
	s21 =	sshrl.u32 s21, $0x3;
	s25 =	sadd.s32 s2, s31;
	s22 =	smul.u32 s28, s22  }
0x20: {  	[tilespmem:s23+$0x3060 ss:$0x81] =	vst.msk $0xffff, v62;
	s24 =	sshll.u32 s24, $0x7;
	s30 =	sshll.u32 s29, $0x12;
	s21 =	sadd.s32 s21, s25  }
0x21: {  	[tilespmem:s23+$0x0 ss:$0x81] =	vst.msk $0xffff, v63;
	s31 =	sor.u32 $0x400, s30;
	s21 =	sadd.s32 s24, s21;
	s22 =	sand.u32 $0x3FFFFFFF, s22  }
0x22: {  	[hbm4b:s21+s31] =	stream.strided.scatter [tilespmem:s20], [sflag:$0x2], s22, s9, s31, $0x20;
	[tilespmem:$0x10100] =	vst v63  }
.LBB1_5:
0x23: {  	p1 =	slt.u32 s16, $0x2  }
0x24: {  	p2 =	sgt.s32 @!p1 s19, $0x15  }
0x25: {  	s20 =	smov.u32 s19;
	s21 =	sshra.s32 @!p1 s19, $0x1F;
	p2 =	por !p2, p1  }
0x26: {  	s19 =	sand.u32 @!p1 s21, s19;
	s20 =	simm.s32 @p2 $0x15  }
0x27: {  	p3 =	sgt.s32 @!p1 s17, $0x368;
	s19 =	ssub.s32 @!p1 s20, s19  }
0x28: {  	p4 =	sgt.s32 @!p1 s18, $0x380;
	s22 =	sshra.s32 @!p1 s18, $0x1F;
	s20 =	sadd.s32 @!p1 $0xFFFFFFEB, s19  }
0x29: {  	s21 =	smov.u32 s17;
	p2 =	sgt.s32 @!p1 s20, $0x0;
	s20 =	sshra.s32 @!p1 s17, $0x1F  }
0x2a: {  	p4 =	por !p4, p1;
	s17 =	sand.u32 @!p1 s20, s17;
	s20 =	smov.u32 s18  }
0x2b: {  	p3 =	por !p3, p1;
	s18 =	sand.u32 @!p1 s22, s18;
	s20 =	simm.s32 @p4 $0x380  }
0x2c: {  	s21 =	simm.s32 @p3 $0x368;
	s19 =	ssub.s32 @!p1 $0x16, s19;
	s18 =	ssub.s32 @!p1 s20, s18  }
0x2d: {  	p2 =	por !p2, p1;
	s17 =	ssub.s32 @!p1 s21, s17;
	s21 =	sadd.s32 @!p1 $0xFFFFFC80, s18  }
0x2e: {  	s19 =	simm.s32 @!p2 $0x0;
	p3 =	sgt.s32 @!p1 s21, $0x7F  }
0x2f: {  	s20 =	sadd.s32 @!p1 $0xFFFFFC98, s17;
	s18 =	ssub.s32 @!p1 $0x400, s18;
	p3 =	por !p3, p1  }
0x30: {  	p2 =	sgt.s32 @!p1 s20, $0x7F;
	s20 =	sadd.s32 $0x200, s13;
	s18 =	simm.s32 @!p3 $0x0  }
0x31: {  	p3 =	sgt.s32 s20, $0x3E7;
	s18 =	smul.u32 @!p1 s18, s19;
	s19 =	simm.s32 $0x1  }
0x32: {  	s17 =	ssub.s32 @!p1 $0x3E8, s17;
	p2 =	por !p2, p1;
	s19 =	simm.s32 @!p3 $0x0  }
0x33: {  	s22 =	smov.u32 s15;
	s17 =	simm.s32 @!p2 $0x0;
	s21 =	sadd.s32 s19, s14  }
0x34: {  	s17 =	smul.u32 @!p1 s17, s18;
	s18 =	sadd.s32 $0x400, s15;
	p2 =	sgt.s32 s21, $0x15  }
0x35: {  	p0 =	por !p0, !p0;
	s23 =	simm.s32 @!p1 $0x2;
	s22 =	smov.u32 @p2 s18  }
0x36: {  	s20 =	smov.u32 @p3 s7;
	s21 =	simm.s32 @p2 $0x0;
	p2 =	sgt.s32 s22, $0x3FF  }
0x37: {  	s19 =	smov.u32 s11;
	s22 =	smov.u32 @p2 s3;
	p2 =	sne.s32 s16, s8  }
.Ltmp1:
0x38: {  	s11 =	smov.u32 s14;
	s17 =	sand.u32 @!p1 $0x3FFFFFFF, s17;
	(pc) =	sbr.rel @!p2 .LBB1_6-.Ltmp1, $4  }
0x39: {  	s18 =	smov.u32 s12;
	s12 =	smov.u32 s15;
	_ =	swait.ge @!p1 [sflag:s23], s17  }
0x3a: {  	s24 =	ssub.s32 @!p1 $0x0, s17;
	s17 =	smov.u32 s10;
	s10 =	smov.u32 s13  }
0x3b: {  	s13 =	smov.u32 s20;
	s14 =	smov.u32 s21;
	[sflag:s23] =	ssyncset.done @!p1 $0x0  }
0x3c: {  	s16 =	sadd.s32 $0x1, s16;
	[sflag:s23] =	ssyncadd.s32 @!p1 s24;
	s15 =	smov.u32 s22  }
.LBB1_1:
0x3d: {  	p1 =	sge.u32 s16, s6  }
0x3e: {  	s20 =	sshll.u32 @!p1 s14, $0xA  }
0x3f: {  	s21 =	sshll.u32 @!p1 s13, $0x3;
	s20 =	sand.u32 @!p1 $0xFFFFE000, s20  }
0x40: {  	s20 =	sadd.s32 @!p1 s20, s21  }
0x41: {  	s20 =	sshrl.u32 @!p1 s20, $0xA  }
0x42: {  	s21 =	smulhi.u32 @!p1 $0xAAAAAAB, s20  }
0x43: {  	s22 =	sshll.u32 @!p1 s14, $0x7;
	s24 =	smul.u32 @!p1 $0xC00, s15  }
0x44: {  	s23 =	sand.u32 @!p1 $0x78, s13;
	s22 =	sand.u32 @!p1 $0x380, s22;
	s21 =	smul.u32 @!p1 $0x18, s21  }
0x45: {  	s31 =	sadd.s32 $0xFFFFFFFF, s16;
	s22 =	sor.u32 @!p1 s23, s22;
	s23 =	sadd.s32 @!p1 s4, s24  }
0x46: {  	s22 =	sshrl.u32 @!p1 s22, $0x3;
	s20 =	ssub.s32 @!p1 s20, s21;
	s21 =	sxor.u32 @!p1 $0xFFFFFFFF, s16  }
0x47: {  	s22 =	sadd.s32 @!p1 s22, s23;
	s23 =	sand.u32 @!p1 $0x7, s13;
	s21 =	sshll.u32 @!p1 s21, $0xE  }
0x48: {  	s23 =	sshll.u32 @!p1 s23, $0x12;
	s20 =	sshll.u32 @!p1 s20, $0x7;
	s21 =	sand.u32 @!p1 $0x4000, s21  }
0x49: {  	s20 =	sadd.s32 @!p1 s20, s22;
	s22 =	sor.u32 @!p1 $0x80, s23;
	s23 =	simm.s32 @!p1 $0x6000  }
0x4a: {  	[tilespmem:s21], [sflag:$0x1] =	stream.strided.gather @!p1 [hbm4b:s20+s22], $0x4000, s23, s22, $0x38;
	[tilespmem:$0x10100] =	vst v63  }
0x4b: {  	p1 =	sge.u32 s31, s6  }
.Ltmp2:
0x4c: {  	_ = 	snop;
	(pc) =	sbr.rel @p1 .LBB1_5-.Ltmp2, $1  }
0x4d: {  	_ =	sdelay $0x3  }
0x4e: {  	s20 =	simm.s32 $0x1  }
0x4f: {  	_ =	swait.ge [sflag:s5], $0x4000;
	s20 =	simm.s32 @!p0 $0x0  }
0x50: {  	[sflag:s5] =	ssyncset.done $0x0;
	s21 =	sshll.u32 s20, $0xE  }
0x51: {  	[sflag:s5] =	ssyncadd.s32 $0xFFFFC000;
	s21 =	sor.u32 $0x40, s21  }
0x52: {  	s20 =	smul.u32 $0x10200, s20;
	v0 =	vld [tilespmem:s21+$0x30]  }
0x53: {  	v1 =	vld [tilespmem:s21+$0xFFFFFFD0]  }
0x54: {  	s20 =	sshrl.u32 s20, $0x2;
	v5 =	vld [tilespmem:s21+$0xFFFFFFE0]  }
0x55: {  	v6 =	vld [tilespmem:s21+$0xFFFFFFF0];
	s23 =	sor.u32 $0x8000, s20  }
0x56: {  	s31 =	sand.u32 $0x1, s16;
	v4 =	vld [tilespmem:s21+$0x0];
	s22 =	sadd.s32 $0x0, s23  }
0x57: {  	v3 =	vld [tilespmem:s21+$0x10];
	s20 =	smul.u32 $0x10200, s31;
	[tilespmem:s22+$0x3870 ss:$0x81] =	vst.msk $0xffff, v0  }
0x58: {  	v2 =	vld [tilespmem:s21+$0x20];
	[tilespmem:s22+$0x810 ss:$0x81] =	vst.msk $0xffff, v1  }
0x59: {  	s20 =	sshrl.u32 s20, $0x2;
	v1 =	vld [tilespmem:s21+$0xFFFFFFC0];
	[tilespmem:s22+$0x1020 ss:$0x81] =	vst.msk $0xffff, v5;
	s21 =	sadd.s32 $0x80, s21  }
0x5a: {  	s24 =	simm.s32 $0x4;
	s25 =	simm.s32 $0x8;
	s20 =	sor.u32 $0x8000, s20;
	[tilespmem:s22+$0x1830 ss:$0x81] =	vst.msk $0xffff, v6;
	v0 =	vld [tilespmem:s21+$0x30]  }
.LBB1_3:
0x5b: {  	p1 =	sne.s32 s25, $0x1FC;
	v5 =	vld [tilespmem:s21+$0xFFFFFFD0];
	[tilespmem:s22+$0x2040 ss:$0x81] =	vst.msk $0xffff, v4  }
0x5c: {  	v6 =	vld [tilespmem:s21+$0xFFFFFFE0];
	[tilespmem:s22+$0x2850 ss:$0x81] =	vst.msk $0xffff, v3  }
0x5d: {  	s26 =	sshra.s32 s24, $0x2;
	s24 =	smov.u32 s25;
	v7 =	vld [tilespmem:s21+$0xFFFFFFF0];
	[tilespmem:s22+$0x3060 ss:$0x81] =	vst.msk $0xffff, v2  }
.Ltmp3:
0x5e: {  	v4 =	vld [tilespmem:s21+$0x0];
	[tilespmem:s22+$0x0 ss:$0x81] =	vst.msk $0xffff, v1;
	s22 =	sadd.s32 s26, s23;
	(pc) =	sbr.rel @p1 .LBB1_3-.Ltmp3, $4  }
0x5f: {  	v3 =	vld [tilespmem:s21+$0x10];
	[tilespmem:s22+$0x3870 ss:$0x81] =	vst.msk $0xffff, v0  }
0x60: {  	[tilespmem:s22+$0x810 ss:$0x81] =	vst.msk $0xffff, v5;
	v2 =	vld [tilespmem:s21+$0x20]  }
0x61: {  	v1 =	vld [tilespmem:s21+$0xFFFFFFC0];
	[tilespmem:s22+$0x1020 ss:$0x81] =	vst.msk $0xffff, v6;
	s21 =	sadd.s32 $0x80, s21  }
0x62: {  	s25 =	sadd.s32 $0x4, s25;
	v0 =	vld [tilespmem:s21+$0x30];
	[tilespmem:s22+$0x1830 ss:$0x81] =	vst.msk $0xffff, v7  }
.Ltmp4:
0x63: {  	_ = 	snop;
	(pc) =	sbr.rel .LBB1_4-.Ltmp4, $1  }
0x64: {  	_ =	sdelay $0x3  }
.LBB1_6:
0x65: {  	_ =	sfence.sel $0x180000  }
0x66: {  	s2 =	simm.s32 $0x1;
	[bflag:$0x0] =	sbarrier.arrive $0xFFFF  }
0x67: {  	s31 =	simm.s32 $0x2;
	[sflag:s2] =	ssyncpa.u1 $0x1  }
0x68: {  	[sflag:s31] =	ssyncpa.u1 $0x1  }
0x69: {  	p0 =	sne.s32 s0, $0x0;
	_ =	strace $0x9000004A  }
0x6a: {  	s0 =	sadd.s32 @!p0 $0x100000, s1;
	[bflag:$0x2] =	sbarrier.arrive $0xFFFF  }
0x6b: {  	[sflag:s0] =	ssyncadd.tile.s32 @!p0 $0x1;
	_ =	shalt  }
.Lfunc_end1:
_tile_overlayer_lowered:
.L_overlay_start_2:
0x6c: {  	(tag) =	ssettag $0x2  }
0x6d: {  	s0 =	rddreg [dreg:$0x0];
	s2 =	stileid.u32  }
0x6e: {  	s1 =	rddreg [dreg:$0x1];
	p0 =	sne.s32 s2, $0x0  }
0x6f: {  	s3 =	rddreg [dreg:$0x2];
	[bflag:$0x3] =	sbarrier.arrive $0xFFFF;
	s2 =	simm.s32 @!p0 $0x1C01  }
0x70: {  	[timem:s3], [sflag:s2] =	dma.local @!p0 [hbm:s0], s1  }
0x71: {  	s0 =	simm.s32 @!p0 $0x1  }
0x72: {  	_ =	swait.ge @!p0 [sflag:s0], s1  }
0x73: {  	s1 =	ssub.s32 @!p0 $0x0, s1;
	[sflag:s0] =	ssyncset.done @!p0 $0x0  }
0x74: {  	[sflag:s0] =	ssyncadd.s32 @!p0 s1  }
0x75: {  	[bflag:$0x3] =	sbarrier.arrive $0xFFFF  }
0x76: {  	_ =	shalt  }

</sc_bundles>
